<compile_context>
chip_gen: v7x
topology: tpu7x:2x2x1
jax: 0.10.2.dev20260603
libtpu: 0.0.44.dev20260713+nightly
codegen_flags: <defaults>
</compile_context>

<pallas_src>
import functools

import jax
import jax.numpy as jnp
from jax import lax
from jax.experimental import pallas as pl
from jax.experimental.pallas import tpu as pltpu
from jax.experimental.pallas import tpu_sc as plsc

_N = 10000
_E = 320000
_D = 128
_NW = 32
_EPW = _E // _NW
_C = 80
_NCH = _EPW // _C
_G = _C // 16


@functools.partial(
    pl.kernel,
    mesh=plsc.VectorSubcoreMesh(core_axis_name="c", subcore_axis_name="s"),
    out_type=jax.ShapeDtypeStruct((_E,), jnp.float32),
    compiler_params=pltpu.CompilerParams(needs_layout_passes=False),
    scratch_types=[
        pltpu.VMEM_SHARED((_N, _D), jnp.float32),
        [pltpu.VMEM((_C,), jnp.int32) for _ in range(4)],
        [pltpu.VMEM((_C,), jnp.int32) for _ in range(4)],
        [pltpu.VMEM((_C, _D), jnp.float32) for _ in range(2)],
        [pltpu.VMEM((_C, _D), jnp.float32) for _ in range(2)],
        [pltpu.VMEM((_C,), jnp.float32) for _ in range(2)],
        pltpu.VMEM((_C * 16,), jnp.float32),
        [pltpu.SemaphoreType.DMA for _ in range(4)],
        [pltpu.SemaphoreType.DMA for _ in range(2)],
        [pltpu.SemaphoreType.DMA for _ in range(2)],
    ],
)
def _edge_dot(d0_hbm, d1_hbm, table_hbm, out_hbm,
              table_sh, idx0_bufs, idx1_bufs, rows0_bufs, rows1_bufs,
              out_bufs, tbuf_v, isems, gsems, osems):
    cid = lax.axis_index("c")
    sid = lax.axis_index("s")
    wid = sid * 2 + cid
    base_w = wid * _EPW

    rows_per_sub = 624
    pltpu.sync_copy(table_hbm.at[pl.ds(sid * rows_per_sub, rows_per_sub)],
                    table_sh.at[pl.ds(sid * rows_per_sub, rows_per_sub)])

    @pl.when(sid == 0)
    def _():
        rem = 16 * rows_per_sub
        pltpu.sync_copy(table_hbm.at[pl.ds(rem, _N - rem)],
                        table_sh.at[pl.ds(rem, _N - rem)])

    plsc.subcore_barrier()

    def issue_idx(t, b4):
        off = base_w + t * _C
        pltpu.async_copy(d0_hbm.at[pl.ds(off, _C)], idx0_bufs[b4], isems[b4])
        pltpu.async_copy(d1_hbm.at[pl.ds(off, _C)], idx1_bufs[b4], isems[b4])

    def wait_idx(b4):
        pltpu.make_async_copy(d0_hbm.at[pl.ds(0, _C)], idx0_bufs[b4],
                              isems[b4]).wait()
        pltpu.make_async_copy(d1_hbm.at[pl.ds(0, _C)], idx1_bufs[b4],
                              isems[b4]).wait()

    def issue_gather(b4, b2):
        pltpu.async_copy(table_sh.at[idx0_bufs[b4]], rows0_bufs[b2], gsems[b2])
        pltpu.async_copy(table_sh.at[idx1_bufs[b4]], rows1_bufs[b2], gsems[b2])

    def drain_gather(b2):
        pltpu.make_async_copy(table_hbm.at[pl.ds(0, _C)],
                              rows0_bufs[b2], gsems[b2]).wait()
        pltpu.make_async_copy(table_hbm.at[pl.ds(0, _C)],
                              rows1_bufs[b2], gsems[b2]).wait()

    def drain_out(b2):
        pltpu.make_async_copy(out_bufs[b2], out_hbm.at[pl.ds(0, _C)],
                              osems[b2]).wait()

    def compute(b2):
        r0, r1 = rows0_bufs[b2], rows1_bufs[b2]
        ob = out_bufs[b2]

        @plsc.parallel_loop(0, _C, step=1, unroll=4)
        def edge_body(e):
            p = [r0[e, pl.ds(k * 16, 16)] * r1[e, pl.ds(k * 16, 16)]
                 for k in range(_D // 16)]
            while len(p) > 1:
                p = [p[i] + p[i + 1] for i in range(0, len(p), 2)]
            tbuf_v[pl.ds(e * 16, 16)] = p[0]

        @plsc.parallel_loop(0, _G, step=1, unroll=1)
        def group_body(g):
            ids = lax.iota(jnp.int32, 16) * 16 + g * 256
            o = jnp.zeros((16,), jnp.float32)
            for l in range(16):
                o = o + plsc.load_gather(tbuf_v, [ids + l])
            ob[pl.ds(g * 16, 16)] = o

    def issue_out(t, b2):
        pltpu.async_copy(out_bufs[b2],
                         out_hbm.at[pl.ds(base_w + t * _C, _C)], osems[b2])

    for c in range(4):
        issue_idx(c, c)
    for b in range(2):
        wait_idx(b)
        issue_gather(b, b)

    def loop_body(tt, carry):
        for b in range(4):
            t = tt * 4 + b
            b2 = b % 2
            drain_gather(b2)

            @pl.when(t + 4 < _NCH)
            def _():
                issue_idx(t + 4, b)

            @pl.when(t >= 2)
            def _():
                drain_out(b2)

            compute(b2)
            issue_out(t, b2)

            @pl.when(t + 2 < _NCH)
            def _():
                wait_idx((b + 2) % 4)
                issue_gather((b + 2) % 4, b2)

        return carry

    lax.fori_loop(0, _NCH // 4, loop_body, 0)

    drain_gather(0)
    drain_out(0)
    compute(0)
    issue_out(_NCH - 1, 0)

    drain_out(0)
    drain_out(1)


def kernel(data, embedding):
    return _edge_dot(data[0], data[1], embedding)

# --- scband reference (transcript-rebuilt; emitter-appended) ---
"""Pipeline reference for scband-n2-vmodel-70463233458730 (READ-ONLY COPY).

The authoritative reference and input builder live on the scoring server;
editing this copy changes nothing except your own understanding.
"""

import jax, jax.numpy as jnp
import numpy as np

N_NODES = 10000
N_EDGES = 320000
EMBED_DIM = 128


def setup_inputs(seed: int = 0) -> dict:
    key = jax.random.key(seed)
    k_idx, k_emb = jax.random.split(key)
    # forward arg: edge_index-style tensor of node pairs, int indices in [0, N_NODES)
    data = jax.random.randint(k_idx, (2, N_EDGES), 0, N_NODES, dtype=jnp.int32)
    # learned parameter: Node2Vec embedding table (base() returns the full table)
    embedding = jax.random.normal(k_emb, (N_NODES, EMBED_DIM), dtype=jnp.float32)
    return {"data": data, "embedding": embedding}


def reference(data, embedding):
    # N2VModel.forward: z = self.base() -> full embedding table [N, D]
    # Classifier.forward: gather both endpoints, elementwise multiply, sum over feature dim
    edge_feat_0 = jnp.take(embedding, data[0], axis=0)
    edge_feat_1 = jnp.take(embedding, data[1], axis=0)
    return (edge_feat_0 * edge_feat_1).sum(axis=-1)

if __name__ == "__main__":
    import jax
    _d = setup_inputs()
    print(jax.jit(kernel)(*tuple(_d.values())))

</pallas_src>

<mosaic_0001>
#map = affine_map<(d0, d1) -> (0)>
#map1 = affine_map<(d0, d1) -> (0, 0)>
module attributes {stable_mosaic.version = 14 : i64} {
  func.func @_edge_dot(%arg0: i32, %arg1: i32, %arg2: memref<320000xi32, #tpu.memory_space<hbm>>, %arg3: memref<320000xi32, #tpu.memory_space<hbm>>, %arg4: memref<10000x128xf32, #tpu.memory_space<hbm>>, %arg5: memref<320000xf32, #tpu.memory_space<hbm>>, %arg6: memref<10000x128xf32, #tpu.memory_space<vmem_shared>>, %arg7: memref<80xi32, #tpu.memory_space<vmem>>, %arg8: memref<80xi32, #tpu.memory_space<vmem>>, %arg9: memref<80xi32, #tpu.memory_space<vmem>>, %arg10: memref<80xi32, #tpu.memory_space<vmem>>, %arg11: memref<80xi32, #tpu.memory_space<vmem>>, %arg12: memref<80xi32, #tpu.memory_space<vmem>>, %arg13: memref<80xi32, #tpu.memory_space<vmem>>, %arg14: memref<80xi32, #tpu.memory_space<vmem>>, %arg15: memref<80x128xf32, #tpu.memory_space<vmem>>, %arg16: memref<80x128xf32, #tpu.memory_space<vmem>>, %arg17: memref<80x128xf32, #tpu.memory_space<vmem>>, %arg18: memref<80x128xf32, #tpu.memory_space<vmem>>, %arg19: memref<80xf32, #tpu.memory_space<vmem>>, %arg20: memref<80xf32, #tpu.memory_space<vmem>>, %arg21: memref<1280xf32, #tpu.memory_space<vmem>>, %arg22: memref<!tpu.dma_semaphore, #tpu.memory_space<semaphore_mem>>, %arg23: memref<!tpu.dma_semaphore, #tpu.memory_space<semaphore_mem>>, %arg24: memref<!tpu.dma_semaphore, #tpu.memory_space<semaphore_mem>>, %arg25: memref<!tpu.dma_semaphore, #tpu.memory_space<semaphore_mem>>, %arg26: memref<!tpu.dma_semaphore, #tpu.memory_space<semaphore_mem>>, %arg27: memref<!tpu.dma_semaphore, #tpu.memory_space<semaphore_mem>>, %arg28: memref<!tpu.dma_semaphore, #tpu.memory_space<semaphore_mem>>, %arg29: memref<!tpu.dma_semaphore, #tpu.memory_space<semaphore_mem>>) attributes {dimension_semantics = [#tpu.dimension_semantics<core_parallel>, #tpu.dimension_semantics<subcore_parallel>], iteration_bounds = array<i64: 2, 16>, scalar_prefetch = 0 : i64, scratch_operands = 24 : i64, tpu.core_type = #tpu.core_type<sc_vector_subcore>, window_params = [{transform_indices = #map}, {transform_indices = #map}, {transform_indices = #map1}, {transform_indices = #map}]} {
    %mul3A = arith.constant 2 : i32
    %mul3A_0 = arith.muli %arg1, %mul3A : i32
    %add3A = arith.addi %mul3A_0, %arg0 : i32
    %mul3A_1 = arith.constant 10000 : i32
    %mul3A_2 = arith.muli %add3A, %mul3A_1 : i32
    %mul3A_3 = arith.constant 624 : i32
    %mul3A_4 = arith.muli %arg1, %mul3A_3 : i32
    %mul3A_5 = arith.constant 624 : i32
    %mul3A_6 = arith.muli %arg1, %mul3A_5 : i32
    "tpu.region"() ({
      %run_scoped3A = tpu.sem_alloc : memref<!tpu.dma_semaphore, #tpu.memory_space<semaphore_mem>>
      %dma_start3A_97 = arith.constant 0 : i32
      %dma_start3A_98 = tpu.memref_slice %arg6[%mul3A_6, %dma_start3A_97] : memref<10000x128xf32, #tpu.memory_space<vmem_shared>> -> memref<624x128xf32, #tpu.memory_space<vmem_shared>>
      %dma_start3A_99 = arith.constant 0 : i32
      %dma_start3A_100 = tpu.memref_slice %arg4[%mul3A_4, %dma_start3A_99] : memref<10000x128xf32, #tpu.memory_space<hbm>> -> memref<624x128xf32, #tpu.memory_space<hbm>>
      tpu.enqueue_dma source(%dma_start3A_100 : memref<624x128xf32, #tpu.memory_space<hbm>>) target(%dma_start3A_98 : memref<624x128xf32, #tpu.memory_space<vmem_shared>>) target_semaphore(%run_scoped3A : memref<!tpu.dma_semaphore, #tpu.memory_space<semaphore_mem>>)
      %dma_wait3A_101 = arith.constant 0 : i32
      %dma_wait3A_102 = tpu.memref_slice %arg6[%mul3A_6, %dma_wait3A_101] : memref<10000x128xf32, #tpu.memory_space<vmem_shared>> -> memref<624x128xf32, #tpu.memory_space<vmem_shared>>
      %dma_wait3A_103 = arith.constant 0 : i32
      %dma_wait3A_104 = tpu.memref_slice %arg4[%mul3A_4, %dma_wait3A_103] : memref<10000x128xf32, #tpu.memory_space<hbm>> -> memref<624x128xf32, #tpu.memory_space<hbm>>
      tpu.wait_dma2 semaphore(%run_scoped3A : memref<!tpu.dma_semaphore, #tpu.memory_space<semaphore_mem>>) src(%dma_wait3A_104 : memref<624x128xf32, #tpu.memory_space<hbm>>) dst(%dma_wait3A_102 : memref<624x128xf32, #tpu.memory_space<vmem_shared>>)
      tpu.yield
    }) : () -> ()
    %eq3A = arith.constant 0 : i32
    %eq3A_7 = arith.cmpi eq, %arg1, %eq3A : i32
    %convert_element_type3A = arith.extui %eq3A_7 : i1 to i32
    %cond3A = arith.constant 0 : i32
    %cond3A_8 = arith.cmpi ne, %convert_element_type3A, %cond3A : i32
    scf.if %cond3A_8 {
      "tpu.region"() ({
        %run_scoped3A = tpu.sem_alloc : memref<!tpu.dma_semaphore, #tpu.memory_space<semaphore_mem>>
        %dma_start3A_97 = arith.constant 9984 : i32
        %dma_start3A_98 = arith.constant 0 : i32
        %dma_start3A_99 = tpu.memref_slice %arg6[%dma_start3A_97, %dma_start3A_98] : memref<10000x128xf32, #tpu.memory_space<vmem_shared>> -> memref<16x128xf32, #tpu.memory_space<vmem_shared>>
        %dma_start3A_100 = arith.constant 9984 : i32
        %dma_start3A_101 = arith.constant 0 : i32
        %dma_start3A_102 = tpu.memref_slice %arg4[%dma_start3A_100, %dma_start3A_101] : memref<10000x128xf32, #tpu.memory_space<hbm>> -> memref<16x128xf32, #tpu.memory_space<hbm>>
        tpu.enqueue_dma source(%dma_start3A_102 : memref<16x128xf32, #tpu.memory_space<hbm>>) target(%dma_start3A_99 : memref<16x128xf32, #tpu.memory_space<vmem_shared>>) target_semaphore(%run_scoped3A : memref<!tpu.dma_semaphore, #tpu.memory_space<semaphore_mem>>)
        %dma_wait3A_103 = arith.constant 9984 : i32
        %dma_wait3A_104 = arith.constant 0 : i32
        %dma_wait3A_105 = tpu.memref_slice %arg6[%dma_wait3A_103, %dma_wait3A_104] : memref<10000x128xf32, #tpu.memory_space<vmem_shared>> -> memref<16x128xf32, #tpu.memory_space<vmem_shared>>
        %dma_wait3A_106 = arith.constant 9984 : i32
        %dma_wait3A_107 = arith.constant 0 : i32
        %dma_wait3A_108 = tpu.memref_slice %arg4[%dma_wait3A_106, %dma_wait3A_107] : memref<10000x128xf32, #tpu.memory_space<hbm>> -> memref<16x128xf32, #tpu.memory_space<hbm>>
        tpu.wait_dma2 semaphore(%run_scoped3A : memref<!tpu.dma_semaphore, #tpu.memory_space<semaphore_mem>>) src(%dma_wait3A_108 : memref<16x128xf32, #tpu.memory_space<hbm>>) dst(%dma_wait3A_105 : memref<16x128xf32, #tpu.memory_space<vmem_shared>>)
        tpu.yield
      }) : () -> ()
    } else {
    }
    %barrier3A = arith.constant 0 : index
    tpu.barrier barrier_id(%barrier3A)
    %add3A_9 = arith.constant 0 : i32
    %add3A_10 = arith.addi %mul3A_2, %add3A_9 : i32
    %dma_start3A = tpu.memref_slice %arg2[%add3A_10] : memref<320000xi32, #tpu.memory_space<hbm>> -> memref<80xi32, #tpu.memory_space<hbm>>
    %dma_start3A_11 = tpu.memref_slice %arg2[%add3A_10] : memref<320000xi32, #tpu.memory_space<hbm>> -> memref<80xi32, #tpu.memory_space<hbm>>
    tpu.enqueue_dma source(%dma_start3A_11 : memref<80xi32, #tpu.memory_space<hbm>>) target(%arg7 : memref<80xi32, #tpu.memory_space<vmem>>) target_semaphore(%arg22 : memref<!tpu.dma_semaphore, #tpu.memory_space<semaphore_mem>>)
    %dma_start3A_12 = tpu.memref_slice %arg3[%add3A_10] : memref<320000xi32, #tpu.memory_space<hbm>> -> memref<80xi32, #tpu.memory_space<hbm>>
    %dma_start3A_13 = tpu.memref_slice %arg3[%add3A_10] : memref<320000xi32, #tpu.memory_space<hbm>> -> memref<80xi32, #tpu.memory_space<hbm>>
    tpu.enqueue_dma source(%dma_start3A_13 : memref<80xi32, #tpu.memory_space<hbm>>) target(%arg11 : memref<80xi32, #tpu.memory_space<vmem>>) target_semaphore(%arg22 : memref<!tpu.dma_semaphore, #tpu.memory_space<semaphore_mem>>)
    %add3A_14 = arith.constant 80 : i32
    %add3A_15 = arith.addi %mul3A_2, %add3A_14 : i32
    %dma_start3A_16 = tpu.memref_slice %arg2[%add3A_15] : memref<320000xi32, #tpu.memory_space<hbm>> -> memref<80xi32, #tpu.memory_space<hbm>>
    %dma_start3A_17 = tpu.memref_slice %arg2[%add3A_15] : memref<320000xi32, #tpu.memory_space<hbm>> -> memref<80xi32, #tpu.memory_space<hbm>>
    tpu.enqueue_dma source(%dma_start3A_17 : memref<80xi32, #tpu.memory_space<hbm>>) target(%arg8 : memref<80xi32, #tpu.memory_space<vmem>>) target_semaphore(%arg23 : memref<!tpu.dma_semaphore, #tpu.memory_space<semaphore_mem>>)
    %dma_start3A_18 = tpu.memref_slice %arg3[%add3A_15] : memref<320000xi32, #tpu.memory_space<hbm>> -> memref<80xi32, #tpu.memory_space<hbm>>
    %dma_start3A_19 = tpu.memref_slice %arg3[%add3A_15] : memref<320000xi32, #tpu.memory_space<hbm>> -> memref<80xi32, #tpu.memory_space<hbm>>
    tpu.enqueue_dma source(%dma_start3A_19 : memref<80xi32, #tpu.memory_space<hbm>>) target(%arg12 : memref<80xi32, #tpu.memory_space<vmem>>) target_semaphore(%arg23 : memref<!tpu.dma_semaphore, #tpu.memory_space<semaphore_mem>>)
    %add3A_20 = arith.constant 160 : i32
    %add3A_21 = arith.addi %mul3A_2, %add3A_20 : i32
    %dma_start3A_22 = tpu.memref_slice %arg2[%add3A_21] : memref<320000xi32, #tpu.memory_space<hbm>> -> memref<80xi32, #tpu.memory_space<hbm>>
    %dma_start3A_23 = tpu.memref_slice %arg2[%add3A_21] : memref<320000xi32, #tpu.memory_space<hbm>> -> memref<80xi32, #tpu.memory_space<hbm>>
    tpu.enqueue_dma source(%dma_start3A_23 : memref<80xi32, #tpu.memory_space<hbm>>) target(%arg9 : memref<80xi32, #tpu.memory_space<vmem>>) target_semaphore(%arg24 : memref<!tpu.dma_semaphore, #tpu.memory_space<semaphore_mem>>)
    %dma_start3A_24 = tpu.memref_slice %arg3[%add3A_21] : memref<320000xi32, #tpu.memory_space<hbm>> -> memref<80xi32, #tpu.memory_space<hbm>>
    %dma_start3A_25 = tpu.memref_slice %arg3[%add3A_21] : memref<320000xi32, #tpu.memory_space<hbm>> -> memref<80xi32, #tpu.memory_space<hbm>>
    tpu.enqueue_dma source(%dma_start3A_25 : memref<80xi32, #tpu.memory_space<hbm>>) target(%arg13 : memref<80xi32, #tpu.memory_space<vmem>>) target_semaphore(%arg24 : memref<!tpu.dma_semaphore, #tpu.memory_space<semaphore_mem>>)
    %add3A_26 = arith.constant 240 : i32
    %add3A_27 = arith.addi %mul3A_2, %add3A_26 : i32
    %dma_start3A_28 = tpu.memref_slice %arg2[%add3A_27] : memref<320000xi32, #tpu.memory_space<hbm>> -> memref<80xi32, #tpu.memory_space<hbm>>
    %dma_start3A_29 = tpu.memref_slice %arg2[%add3A_27] : memref<320000xi32, #tpu.memory_space<hbm>> -> memref<80xi32, #tpu.memory_space<hbm>>
    tpu.enqueue_dma source(%dma_start3A_29 : memref<80xi32, #tpu.memory_space<hbm>>) target(%arg10 : memref<80xi32, #tpu.memory_space<vmem>>) target_semaphore(%arg25 : memref<!tpu.dma_semaphore, #tpu.memory_space<semaphore_mem>>)
    %dma_start3A_30 = tpu.memref_slice %arg3[%add3A_27] : memref<320000xi32, #tpu.memory_space<hbm>> -> memref<80xi32, #tpu.memory_space<hbm>>
    %dma_start3A_31 = tpu.memref_slice %arg3[%add3A_27] : memref<320000xi32, #tpu.memory_space<hbm>> -> memref<80xi32, #tpu.memory_space<hbm>>
    tpu.enqueue_dma source(%dma_start3A_31 : memref<80xi32, #tpu.memory_space<hbm>>) target(%arg14 : memref<80xi32, #tpu.memory_space<vmem>>) target_semaphore(%arg25 : memref<!tpu.dma_semaphore, #tpu.memory_space<semaphore_mem>>)
    %dma_wait3A = arith.constant 0 : i32
    %dma_wait3A_32 = tpu.memref_slice %arg2[%dma_wait3A] : memref<320000xi32, #tpu.memory_space<hbm>> -> memref<80xi32, #tpu.memory_space<hbm>>
    %dma_wait3A_33 = arith.constant 0 : i32
    %dma_wait3A_34 = tpu.memref_slice %arg2[%dma_wait3A_33] : memref<320000xi32, #tpu.memory_space<hbm>> -> memref<80xi32, #tpu.memory_space<hbm>>
    tpu.wait_dma2 semaphore(%arg22 : memref<!tpu.dma_semaphore, #tpu.memory_space<semaphore_mem>>) src(%dma_wait3A_34 : memref<80xi32, #tpu.memory_space<hbm>>) dst(%arg7 : memref<80xi32, #tpu.memory_space<vmem>>)
    %dma_wait3A_35 = arith.constant 0 : i32
    %dma_wait3A_36 = tpu.memref_slice %arg3[%dma_wait3A_35] : memref<320000xi32, #tpu.memory_space<hbm>> -> memref<80xi32, #tpu.memory_space<hbm>>
    %dma_wait3A_37 = arith.constant 0 : i32
    %dma_wait3A_38 = tpu.memref_slice %arg3[%dma_wait3A_37] : memref<320000xi32, #tpu.memory_space<hbm>> -> memref<80xi32, #tpu.memory_space<hbm>>
    tpu.wait_dma2 semaphore(%arg22 : memref<!tpu.dma_semaphore, #tpu.memory_space<semaphore_mem>>) src(%dma_wait3A_38 : memref<80xi32, #tpu.memory_space<hbm>>) dst(%arg11 : memref<80xi32, #tpu.memory_space<vmem>>)
    %dma_start3A_39 = arith.constant 0 : i32
    %dma_start3A_40 = arith.constant 0 : i32
    %dma_start3A_41 = tpu.memref_slice %arg6[%dma_start3A_39, %dma_start3A_40] : memref<10000x128xf32, #tpu.memory_space<vmem_shared>> -> memref<10000x128xf32, #tpu.memory_space<vmem_shared>>
    tpu.enqueue_indirect_dma source(%dma_start3A_41 : memref<10000x128xf32, #tpu.memory_space<vmem_shared>>) target(%arg15 : memref<80x128xf32, #tpu.memory_space<vmem>>) offsets(%arg7 : memref<80xi32, #tpu.memory_space<vmem>>) semaphore(%arg26 : memref<!tpu.dma_semaphore, #tpu.memory_space<semaphore_mem>>)
    %dma_start3A_42 = arith.constant 0 : i32
    %dma_start3A_43 = arith.constant 0 : i32
    %dma_start3A_44 = tpu.memref_slice %arg6[%dma_start3A_42, %dma_start3A_43] : memref<10000x128xf32, #tpu.memory_space<vmem_shared>> -> memref<10000x128xf32, #tpu.memory_space<vmem_shared>>
    tpu.enqueue_indirect_dma source(%dma_start3A_44 : memref<10000x128xf32, #tpu.memory_space<vmem_shared>>) target(%arg17 : memref<80x128xf32, #tpu.memory_space<vmem>>) offsets(%arg11 : memref<80xi32, #tpu.memory_space<vmem>>) semaphore(%arg26 : memref<!tpu.dma_semaphore, #tpu.memory_space<semaphore_mem>>)
    %dma_wait3A_45 = arith.constant 0 : i32
    %dma_wait3A_46 = tpu.memref_slice %arg2[%dma_wait3A_45] : memref<320000xi32, #tpu.memory_space<hbm>> -> memref<80xi32, #tpu.memory_space<hbm>>
    %dma_wait3A_47 = arith.constant 0 : i32
    %dma_wait3A_48 = tpu.memref_slice %arg2[%dma_wait3A_47] : memref<320000xi32, #tpu.memory_space<hbm>> -> memref<80xi32, #tpu.memory_space<hbm>>
    tpu.wait_dma2 semaphore(%arg23 : memref<!tpu.dma_semaphore, #tpu.memory_space<semaphore_mem>>) src(%dma_wait3A_48 : memref<80xi32, #tpu.memory_space<hbm>>) dst(%arg8 : memref<80xi32, #tpu.memory_space<vmem>>)
    %dma_wait3A_49 = arith.constant 0 : i32
    %dma_wait3A_50 = tpu.memref_slice %arg3[%dma_wait3A_49] : memref<320000xi32, #tpu.memory_space<hbm>> -> memref<80xi32, #tpu.memory_space<hbm>>
    %dma_wait3A_51 = arith.constant 0 : i32
    %dma_wait3A_52 = tpu.memref_slice %arg3[%dma_wait3A_51] : memref<320000xi32, #tpu.memory_space<hbm>> -> memref<80xi32, #tpu.memory_space<hbm>>
    tpu.wait_dma2 semaphore(%arg23 : memref<!tpu.dma_semaphore, #tpu.memory_space<semaphore_mem>>) src(%dma_wait3A_52 : memref<80xi32, #tpu.memory_space<hbm>>) dst(%arg12 : memref<80xi32, #tpu.memory_space<vmem>>)
    %dma_start3A_53 = arith.constant 0 : i32
    %dma_start3A_54 = arith.constant 0 : i32
    %dma_start3A_55 = tpu.memref_slice %arg6[%dma_start3A_53, %dma_start3A_54] : memref<10000x128xf32, #tpu.memory_space<vmem_shared>> -> memref<10000x128xf32, #tpu.memory_space<vmem_shared>>
    tpu.enqueue_indirect_dma source(%dma_start3A_55 : memref<10000x128xf32, #tpu.memory_space<vmem_shared>>) target(%arg16 : memref<80x128xf32, #tpu.memory_space<vmem>>) offsets(%arg8 : memref<80xi32, #tpu.memory_space<vmem>>) semaphore(%arg27 : memref<!tpu.dma_semaphore, #tpu.memory_space<semaphore_mem>>)
    %dma_start3A_56 = arith.constant 0 : i32
    %dma_start3A_57 = arith.constant 0 : i32
    %dma_start3A_58 = tpu.memref_slice %arg6[%dma_start3A_56, %dma_start3A_57] : memref<10000x128xf32, #tpu.memory_space<vmem_shared>> -> memref<10000x128xf32, #tpu.memory_space<vmem_shared>>
    tpu.enqueue_indirect_dma source(%dma_start3A_58 : memref<10000x128xf32, #tpu.memory_space<vmem_shared>>) target(%arg18 : memref<80x128xf32, #tpu.memory_space<vmem>>) offsets(%arg12 : memref<80xi32, #tpu.memory_space<vmem>>) semaphore(%arg27 : memref<!tpu.dma_semaphore, #tpu.memory_space<semaphore_mem>>)
    %scan3A = arith.constant 0 : i32
    %scan3A_59 = arith.constant 0 : i32
    %scan3A_60 = arith.constant 31 : i32
    %scan3A_61 = arith.addi %scan3A_59, %scan3A_60 : i32
    %scan3A_62 = arith.constant 1 : i32
    scf.for %scan3A_97 = %scan3A_59 to %scan3A_61 step %scan3A_62  : i32 {
      %mul3A_98 = arith.constant 4 : i32
      %mul3A_99 = arith.muli %scan3A_97, %mul3A_98 : i32
      %add3A_100 = arith.constant 0 : i32
      %add3A_101 = arith.addi %mul3A_99, %add3A_100 : i32
      %dma_wait3A_102 = arith.constant 0 : i32
      %dma_wait3A_103 = arith.constant 0 : i32
      %dma_wait3A_104 = tpu.memref_slice %arg4[%dma_wait3A_102, %dma_wait3A_103] : memref<10000x128xf32, #tpu.memory_space<hbm>> -> memref<80x128xf32, #tpu.memory_space<hbm>>
      %dma_wait3A_105 = arith.constant 0 : i32
      %dma_wait3A_106 = arith.constant 0 : i32
      %dma_wait3A_107 = tpu.memref_slice %arg4[%dma_wait3A_105, %dma_wait3A_106] : memref<10000x128xf32, #tpu.memory_space<hbm>> -> memref<80x128xf32, #tpu.memory_space<hbm>>
      tpu.wait_dma2 semaphore(%arg26 : memref<!tpu.dma_semaphore, #tpu.memory_space<semaphore_mem>>) src(%dma_wait3A_107 : memref<80x128xf32, #tpu.memory_space<hbm>>) dst(%arg15 : memref<80x128xf32, #tpu.memory_space<vmem>>)
      %dma_wait3A_108 = arith.constant 0 : i32
      %dma_wait3A_109 = arith.constant 0 : i32
      %dma_wait3A_110 = tpu.memref_slice %arg4[%dma_wait3A_108, %dma_wait3A_109] : memref<10000x128xf32, #tpu.memory_space<hbm>> -> memref<80x128xf32, #tpu.memory_space<hbm>>
      %dma_wait3A_111 = arith.constant 0 : i32
      %dma_wait3A_112 = arith.constant 0 : i32
      %dma_wait3A_113 = tpu.memref_slice %arg4[%dma_wait3A_111, %dma_wait3A_112] : memref<10000x128xf32, #tpu.memory_space<hbm>> -> memref<80x128xf32, #tpu.memory_space<hbm>>
      tpu.wait_dma2 semaphore(%arg26 : memref<!tpu.dma_semaphore, #tpu.memory_space<semaphore_mem>>) src(%dma_wait3A_113 : memref<80x128xf32, #tpu.memory_space<hbm>>) dst(%arg17 : memref<80x128xf32, #tpu.memory_space<vmem>>)
      %add3A_114 = arith.constant 4 : i32
      %add3A_115 = arith.addi %add3A_101, %add3A_114 : i32
      %lt3A = arith.constant 125 : i32
      %lt3A_116 = arith.cmpi slt, %add3A_115, %lt3A : i32
      %convert_element_type3A_117 = arith.extui %lt3A_116 : i1 to i32
      %cond3A_118 = arith.constant 0 : i32
      %cond3A_119 = arith.cmpi ne, %convert_element_type3A_117, %cond3A_118 : i32
      scf.if %cond3A_119 {
        %add3A_280 = arith.constant 4 : i32
        %add3A_281 = arith.addi %add3A_101, %add3A_280 : i32
        %mul3A_282 = arith.constant 80 : i32
        %mul3A_283 = arith.muli %add3A_281, %mul3A_282 : i32
        %add3A_284 = arith.addi %mul3A_2, %mul3A_283 : i32
        %dma_start3A_285 = tpu.memref_slice %arg2[%add3A_284] : memref<320000xi32, #tpu.memory_space<hbm>> -> memref<80xi32, #tpu.memory_space<hbm>>
        %dma_start3A_286 = tpu.memref_slice %arg2[%add3A_284] : memref<320000xi32, #tpu.memory_space<hbm>> -> memref<80xi32, #tpu.memory_space<hbm>>
        tpu.enqueue_dma source(%dma_start3A_286 : memref<80xi32, #tpu.memory_space<hbm>>) target(%arg7 : memref<80xi32, #tpu.memory_space<vmem>>) target_semaphore(%arg22 : memref<!tpu.dma_semaphore, #tpu.memory_space<semaphore_mem>>)
        %dma_start3A_287 = tpu.memref_slice %arg3[%add3A_284] : memref<320000xi32, #tpu.memory_space<hbm>> -> memref<80xi32, #tpu.memory_space<hbm>>
        %dma_start3A_288 = tpu.memref_slice %arg3[%add3A_284] : memref<320000xi32, #tpu.memory_space<hbm>> -> memref<80xi32, #tpu.memory_space<hbm>>
        tpu.enqueue_dma source(%dma_start3A_288 : memref<80xi32, #tpu.memory_space<hbm>>) target(%arg11 : memref<80xi32, #tpu.memory_space<vmem>>) target_semaphore(%arg22 : memref<!tpu.dma_semaphore, #tpu.memory_space<semaphore_mem>>)
      } else {
      }
      %ge3A = arith.constant 2 : i32
      %ge3A_120 = arith.cmpi sge, %add3A_101, %ge3A : i32
      %convert_element_type3A_121 = arith.extui %ge3A_120 : i1 to i32
      %cond3A_122 = arith.constant 0 : i32
      %cond3A_123 = arith.cmpi ne, %convert_element_type3A_121, %cond3A_122 : i32
      scf.if %cond3A_123 {
        %dma_wait3A_280 = arith.constant 0 : i32
        %dma_wait3A_281 = tpu.memref_slice %arg5[%dma_wait3A_280] : memref<320000xf32, #tpu.memory_space<hbm>> -> memref<80xf32, #tpu.memory_space<hbm>>
        %dma_wait3A_282 = arith.constant 0 : i32
        %dma_wait3A_283 = tpu.memref_slice %arg5[%dma_wait3A_282] : memref<320000xf32, #tpu.memory_space<hbm>> -> memref<80xf32, #tpu.memory_space<hbm>>
        tpu.wait_dma2 semaphore(%arg28 : memref<!tpu.dma_semaphore, #tpu.memory_space<semaphore_mem>>) src(%arg19 : memref<80xf32, #tpu.memory_space<vmem>>) dst(%dma_wait3A_283 : memref<80xf32, #tpu.memory_space<hbm>>)
      } else {
      }
      %parallel_loop3A_124 = arith.constant 0 : i32
      %parallel_loop3A_125 = arith.constant 80 : i32
      %parallel_loop3A_126 = arith.constant 1 : i32
      scf.for %parallel_loop3A_280 = %parallel_loop3A_124 to %parallel_loop3A_125 step %parallel_loop3A_126  : i32 {
        %parallel_loop3A_281 = arith.index_cast %parallel_loop3A_280 : i32 to index
        %parallel_loop3A_282 = arith.constant 0 : index
        %parallel_loop3A_283 = tpu.vector_load %arg15[%parallel_loop3A_281, %parallel_loop3A_282] {strides = array<i32>} : memref<80x128xf32, #tpu.memory_space<vmem>>, vector<16xf32>,
        %parallel_loop3A_284 = arith.index_cast %parallel_loop3A_280 : i32 to index
        %parallel_loop3A_285 = arith.constant 0 : index
        %parallel_loop3A_286 = tpu.vector_load %arg17[%parallel_loop3A_284, %parallel_loop3A_285] {strides = array<i32>} : memref<80x128xf32, #tpu.memory_space<vmem>>, vector<16xf32>,
        %parallel_loop3A_287 = arith.mulf %parallel_loop3A_283, %parallel_loop3A_286 : vector<16xf32>
        %parallel_loop3A_288 = arith.index_cast %parallel_loop3A_280 : i32 to index
        %parallel_loop3A_289 = arith.constant 16 : index
        %parallel_loop3A_290 = tpu.vector_load %arg15[%parallel_loop3A_288, %parallel_loop3A_289] {strides = array<i32>} : memref<80x128xf32, #tpu.memory_space<vmem>>, vector<16xf32>,
        %parallel_loop3A_291 = arith.index_cast %parallel_loop3A_280 : i32 to index
        %parallel_loop3A_292 = arith.constant 16 : index
        %parallel_loop3A_293 = tpu.vector_load %arg17[%parallel_loop3A_291, %parallel_loop3A_292] {strides = array<i32>} : memref<80x128xf32, #tpu.memory_space<vmem>>, vector<16xf32>,
        %parallel_loop3A_294 = arith.mulf %parallel_loop3A_290, %parallel_loop3A_293 : vector<16xf32>
        %parallel_loop3A_295 = arith.index_cast %parallel_loop3A_280 : i32 to index
        %parallel_loop3A_296 = arith.constant 32 : index
        %parallel_loop3A_297 = tpu.vector_load %arg15[%parallel_loop3A_295, %parallel_loop3A_296] {strides = array<i32>} : memref<80x128xf32, #tpu.memory_space<vmem>>, vector<16xf32>,
        %parallel_loop3A_298 = arith.index_cast %parallel_loop3A_280 : i32 to index
        %parallel_loop3A_299 = arith.constant 32 : index
        %parallel_loop3A_300 = tpu.vector_load %arg17[%parallel_loop3A_298, %parallel_loop3A_299] {strides = array<i32>} : memref<80x128xf32, #tpu.memory_space<vmem>>, vector<16xf32>,
        %parallel_loop3A_301 = arith.mulf %parallel_loop3A_297, %parallel_loop3A_300 : vector<16xf32>
        %parallel_loop3A_302 = arith.index_cast %parallel_loop3A_280 : i32 to index
        %parallel_loop3A_303 = arith.constant 48 : index
        %parallel_loop3A_304 = tpu.vector_load %arg15[%parallel_loop3A_302, %parallel_loop3A_303] {strides = array<i32>} : memref<80x128xf32, #tpu.memory_space<vmem>>, vector<16xf32>,
        %parallel_loop3A_305 = arith.index_cast %parallel_loop3A_280 : i32 to index
        %parallel_loop3A_306 = arith.constant 48 : index
        %parallel_loop3A_307 = tpu.vector_load %arg17[%parallel_loop3A_305, %parallel_loop3A_306] {strides = array<i32>} : memref<80x128xf32, #tpu.memory_space<vmem>>, vector<16xf32>,
        %parallel_loop3A_308 = arith.mulf %parallel_loop3A_304, %parallel_loop3A_307 : vector<16xf32>
        %parallel_loop3A_309 = arith.index_cast %parallel_loop3A_280 : i32 to index
        %parallel_loop3A_310 = arith.constant 64 : index
        %parallel_loop3A_311 = tpu.vector_load %arg15[%parallel_loop3A_309, %parallel_loop3A_310] {strides = array<i32>} : memref<80x128xf32, #tpu.memory_space<vmem>>, vector<16xf32>,
        %parallel_loop3A_312 = arith.index_cast %parallel_loop3A_280 : i32 to index
        %parallel_loop3A_313 = arith.constant 64 : index
        %parallel_loop3A_314 = tpu.vector_load %arg17[%parallel_loop3A_312, %parallel_loop3A_313] {strides = array<i32>} : memref<80x128xf32, #tpu.memory_space<vmem>>, vector<16xf32>,
        %parallel_loop3A_315 = arith.mulf %parallel_loop3A_311, %parallel_loop3A_314 : vector<16xf32>
        %parallel_loop3A_316 = arith.index_cast %parallel_loop3A_280 : i32 to index
        %parallel_loop3A_317 = arith.constant 80 : index
        %parallel_loop3A_318 = tpu.vector_load %arg15[%parallel_loop3A_316, %parallel_loop3A_317] {strides = array<i32>} : memref<80x128xf32, #tpu.memory_space<vmem>>, vector<16xf32>,
        %parallel_loop3A_319 = arith.index_cast %parallel_loop3A_280 : i32 to index
        %parallel_loop3A_320 = arith.constant 80 : index
        %parallel_loop3A_321 = tpu.vector_load %arg17[%parallel_loop3A_319, %parallel_loop3A_320] {strides = array<i32>} : memref<80x128xf32, #tpu.memory_space<vmem>>, vector<16xf32>,
        %parallel_loop3A_322 = arith.mulf %parallel_loop3A_318, %parallel_loop3A_321 : vector<16xf32>
        %parallel_loop3A_323 = arith.index_cast %parallel_loop3A_280 : i32 to index
        %parallel_loop3A_324 = arith.constant 96 : index
        %parallel_loop3A_325 = tpu.vector_load %arg15[%parallel_loop3A_323, %parallel_loop3A_324] {strides = array<i32>} : memref<80x128xf32, #tpu.memory_space<vmem>>, vector<16xf32>,
        %parallel_loop3A_326 = arith.index_cast %parallel_loop3A_280 : i32 to index
        %parallel_loop3A_327 = arith.constant 96 : index
        %parallel_loop3A_328 = tpu.vector_load %arg17[%parallel_loop3A_326, %parallel_loop3A_327] {strides = array<i32>} : memref<80x128xf32, #tpu.memory_space<vmem>>, vector<16xf32>,
        %parallel_loop3A_329 = arith.mulf %parallel_loop3A_325, %parallel_loop3A_328 : vector<16xf32>
        %parallel_loop3A_330 = arith.index_cast %parallel_loop3A_280 : i32 to index
        %parallel_loop3A_331 = arith.constant 112 : index
        %parallel_loop3A_332 = tpu.vector_load %arg15[%parallel_loop3A_330, %parallel_loop3A_331] {strides = array<i32>} : memref<80x128xf32, #tpu.memory_space<vmem>>, vector<16xf32>,
        %parallel_loop3A_333 = arith.index_cast %parallel_loop3A_280 : i32 to index
        %parallel_loop3A_334 = arith.constant 112 : index
        %parallel_loop3A_335 = tpu.vector_load %arg17[%parallel_loop3A_333, %parallel_loop3A_334] {strides = array<i32>} : memref<80x128xf32, #tpu.memory_space<vmem>>, vector<16xf32>,
        %parallel_loop3A_336 = arith.mulf %parallel_loop3A_332, %parallel_loop3A_335 : vector<16xf32>
        %parallel_loop3A_337 = arith.addf %parallel_loop3A_287, %parallel_loop3A_294 : vector<16xf32>
        %parallel_loop3A_338 = arith.addf %parallel_loop3A_301, %parallel_loop3A_308 : vector<16xf32>
        %parallel_loop3A_339 = arith.addf %parallel_loop3A_315, %parallel_loop3A_322 : vector<16xf32>
        %parallel_loop3A_340 = arith.addf %parallel_loop3A_329, %parallel_loop3A_336 : vector<16xf32>
        %parallel_loop3A_341 = arith.addf %parallel_loop3A_337, %parallel_loop3A_338 : vector<16xf32>
        %parallel_loop3A_342 = arith.addf %parallel_loop3A_339, %parallel_loop3A_340 : vector<16xf32>
        %parallel_loop3A_343 = arith.addf %parallel_loop3A_341, %parallel_loop3A_342 : vector<16xf32>
        %parallel_loop3A_344 = arith.constant 16 : i32
        %parallel_loop3A_345 = arith.muli %parallel_loop3A_280, %parallel_loop3A_344 : i32
        %parallel_loop3A_346 = arith.index_cast %parallel_loop3A_345 : i32 to index
        %parallel_loop3A_347 = tpu.vector_load %arg21[%parallel_loop3A_346] {strides = array<i32>} : memref<1280xf32, #tpu.memory_space<vmem>>, vector<16xf32>,
        tpu.vector_store %arg21[%parallel_loop3A_346], %parallel_loop3A_343 {strides = array<i32>} : memref<1280xf32, #tpu.memory_space<vmem>>, vector<16xf32>,
      } {sc.loop_unroll_factor = 4 : i64, sc.parallel_access}
      %parallel_loop3A_127 = arith.constant 0 : i32
      %parallel_loop3A_128 = arith.constant 5 : i32
      %parallel_loop3A_129 = arith.constant 1 : i32
      scf.for %parallel_loop3A_280 = %parallel_loop3A_127 to %parallel_loop3A_128 step %parallel_loop3A_129  : i32 {
        %parallel_loop3A_281 = tpu.iota {dimensions = array<i32: 0>} : vector<16xi32>
        %parallel_loop3A_282 = arith.constant 16 : i32
        %parallel_loop3A_283 = vector.broadcast %parallel_loop3A_282 : i32 to vector<16xi32>
        %parallel_loop3A_284 = arith.muli %parallel_loop3A_281, %parallel_loop3A_283 : vector<16xi32>
        %parallel_loop3A_285 = arith.constant 256 : i32
        %parallel_loop3A_286 = arith.muli %parallel_loop3A_280, %parallel_loop3A_285 : i32
        %parallel_loop3A_287 = vector.broadcast %parallel_loop3A_286 : i32 to vector<16xi32>
        %parallel_loop3A_288 = arith.addi %parallel_loop3A_284, %parallel_loop3A_287 : vector<16xi32>
        %parallel_loop3A_289 = arith.constant 0.000000e+00 : f32
        %parallel_loop3A_290 = vector.broadcast %parallel_loop3A_289 : f32 to vector<16xf32>
        %parallel_loop3A_291 = arith.constant 0 : i32
        %parallel_loop3A_292 = vector.broadcast %parallel_loop3A_291 : i32 to vector<16xi32>
        %parallel_loop3A_293 = arith.addi %parallel_loop3A_288, %parallel_loop3A_292 : vector<16xi32>
        %parallel_loop3A_294 = tpu.vector_load_idx %arg21[%parallel_loop3A_293] : memref<1280xf32, #tpu.memory_space<vmem>>[vector<16xi32>], vector<16xf32>,
        %parallel_loop3A_295 = arith.addf %parallel_loop3A_290, %parallel_loop3A_294 : vector<16xf32>
        %parallel_loop3A_296 = arith.constant 1 : i32
        %parallel_loop3A_297 = vector.broadcast %parallel_loop3A_296 : i32 to vector<16xi32>
        %parallel_loop3A_298 = arith.addi %parallel_loop3A_288, %parallel_loop3A_297 : vector<16xi32>
        %parallel_loop3A_299 = tpu.vector_load_idx %arg21[%parallel_loop3A_298] : memref<1280xf32, #tpu.memory_space<vmem>>[vector<16xi32>], vector<16xf32>,
        %parallel_loop3A_300 = arith.addf %parallel_loop3A_295, %parallel_loop3A_299 : vector<16xf32>
        %parallel_loop3A_301 = arith.constant 2 : i32
        %parallel_loop3A_302 = vector.broadcast %parallel_loop3A_301 : i32 to vector<16xi32>
        %parallel_loop3A_303 = arith.addi %parallel_loop3A_288, %parallel_loop3A_302 : vector<16xi32>
        %parallel_loop3A_304 = tpu.vector_load_idx %arg21[%parallel_loop3A_303] : memref<1280xf32, #tpu.memory_space<vmem>>[vector<16xi32>], vector<16xf32>,
        %parallel_loop3A_305 = arith.addf %parallel_loop3A_300, %parallel_loop3A_304 : vector<16xf32>
        %parallel_loop3A_306 = arith.constant 3 : i32
        %parallel_loop3A_307 = vector.broadcast %parallel_loop3A_306 : i32 to vector<16xi32>
        %parallel_loop3A_308 = arith.addi %parallel_loop3A_288, %parallel_loop3A_307 : vector<16xi32>
        %parallel_loop3A_309 = tpu.vector_load_idx %arg21[%parallel_loop3A_308] : memref<1280xf32, #tpu.memory_space<vmem>>[vector<16xi32>], vector<16xf32>,
        %parallel_loop3A_310 = arith.addf %parallel_loop3A_305, %parallel_loop3A_309 : vector<16xf32>
        %parallel_loop3A_311 = arith.constant 4 : i32
        %parallel_loop3A_312 = vector.broadcast %parallel_loop3A_311 : i32 to vector<16xi32>
        %parallel_loop3A_313 = arith.addi %parallel_loop3A_288, %parallel_loop3A_312 : vector<16xi32>
        %parallel_loop3A_314 = tpu.vector_load_idx %arg21[%parallel_loop3A_313] : memref<1280xf32, #tpu.memory_space<vmem>>[vector<16xi32>], vector<16xf32>,
        %parallel_loop3A_315 = arith.addf %parallel_loop3A_310, %parallel_loop3A_314 : vector<16xf32>
        %parallel_loop3A_316 = arith.constant 5 : i32
        %parallel_loop3A_317 = vector.broadcast %parallel_loop3A_316 : i32 to vector<16xi32>
        %parallel_loop3A_318 = arith.addi %parallel_loop3A_288, %parallel_loop3A_317 : vector<16xi32>
        %parallel_loop3A_319 = tpu.vector_load_idx %arg21[%parallel_loop3A_318] : memref<1280xf32, #tpu.memory_space<vmem>>[vector<16xi32>], vector<16xf32>,
        %parallel_loop3A_320 = arith.addf %parallel_loop3A_315, %parallel_loop3A_319 : vector<16xf32>
        %parallel_loop3A_321 = arith.constant 6 : i32
        %parallel_loop3A_322 = vector.broadcast %parallel_loop3A_321 : i32 to vector<16xi32>
        %parallel_loop3A_323 = arith.addi %parallel_loop3A_288, %parallel_loop3A_322 : vector<16xi32>
        %parallel_loop3A_324 = tpu.vector_load_idx %arg21[%parallel_loop3A_323] : memref<1280xf32, #tpu.memory_space<vmem>>[vector<16xi32>], vector<16xf32>,
        %parallel_loop3A_325 = arith.addf %parallel_loop3A_320, %parallel_loop3A_324 : vector<16xf32>
        %parallel_loop3A_326 = arith.constant 7 : i32
        %parallel_loop3A_327 = vector.broadcast %parallel_loop3A_326 : i32 to vector<16xi32>
        %parallel_loop3A_328 = arith.addi %parallel_loop3A_288, %parallel_loop3A_327 : vector<16xi32>
        %parallel_loop3A_329 = tpu.vector_load_idx %arg21[%parallel_loop3A_328] : memref<1280xf32, #tpu.memory_space<vmem>>[vector<16xi32>], vector<16xf32>,
        %parallel_loop3A_330 = arith.addf %parallel_loop3A_325, %parallel_loop3A_329 : vector<16xf32>
        %parallel_loop3A_331 = arith.constant 8 : i32
        %parallel_loop3A_332 = vector.broadcast %parallel_loop3A_331 : i32 to vector<16xi32>
        %parallel_loop3A_333 = arith.addi %parallel_loop3A_288, %parallel_loop3A_332 : vector<16xi32>
        %parallel_loop3A_334 = tpu.vector_load_idx %arg21[%parallel_loop3A_333] : memref<1280xf32, #tpu.memory_space<vmem>>[vector<16xi32>], vector<16xf32>,
        %parallel_loop3A_335 = arith.addf %parallel_loop3A_330, %parallel_loop3A_334 : vector<16xf32>
        %parallel_loop3A_336 = arith.constant 9 : i32
        %parallel_loop3A_337 = vector.broadcast %parallel_loop3A_336 : i32 to vector<16xi32>
        %parallel_loop3A_338 = arith.addi %parallel_loop3A_288, %parallel_loop3A_337 : vector<16xi32>
        %parallel_loop3A_339 = tpu.vector_load_idx %arg21[%parallel_loop3A_338] : memref<1280xf32, #tpu.memory_space<vmem>>[vector<16xi32>], vector<16xf32>,
        %parallel_loop3A_340 = arith.addf %parallel_loop3A_335, %parallel_loop3A_339 : vector<16xf32>
        %parallel_loop3A_341 = arith.constant 10 : i32
        %parallel_loop3A_342 = vector.broadcast %parallel_loop3A_341 : i32 to vector<16xi32>
        %parallel_loop3A_343 = arith.addi %parallel_loop3A_288, %parallel_loop3A_342 : vector<16xi32>
        %parallel_loop3A_344 = tpu.vector_load_idx %arg21[%parallel_loop3A_343] : memref<1280xf32, #tpu.memory_space<vmem>>[vector<16xi32>], vector<16xf32>,
        %parallel_loop3A_345 = arith.addf %parallel_loop3A_340, %parallel_loop3A_344 : vector<16xf32>
        %parallel_loop3A_346 = arith.constant 11 : i32
        %parallel_loop3A_347 = vector.broadcast %parallel_loop3A_346 : i32 to vector<16xi32>
        %parallel_loop3A_348 = arith.addi %parallel_loop3A_288, %parallel_loop3A_347 : vector<16xi32>
        %parallel_loop3A_349 = tpu.vector_load_idx %arg21[%parallel_loop3A_348] : memref<1280xf32, #tpu.memory_space<vmem>>[vector<16xi32>], vector<16xf32>,
        %parallel_loop3A_350 = arith.addf %parallel_loop3A_345, %parallel_loop3A_349 : vector<16xf32>
        %parallel_loop3A_351 = arith.constant 12 : i32
        %parallel_loop3A_352 = vector.broadcast %parallel_loop3A_351 : i32 to vector<16xi32>
        %parallel_loop3A_353 = arith.addi %parallel_loop3A_288, %parallel_loop3A_352 : vector<16xi32>
        %parallel_loop3A_354 = tpu.vector_load_idx %arg21[%parallel_loop3A_353] : memref<1280xf32, #tpu.memory_space<vmem>>[vector<16xi32>], vector<16xf32>,
        %parallel_loop3A_355 = arith.addf %parallel_loop3A_350, %parallel_loop3A_354 : vector<16xf32>
        %parallel_loop3A_356 = arith.constant 13 : i32
        %parallel_loop3A_357 = vector.broadcast %parallel_loop3A_356 : i32 to vector<16xi32>
        %parallel_loop3A_358 = arith.addi %parallel_loop3A_288, %parallel_loop3A_357 : vector<16xi32>
        %parallel_loop3A_359 = tpu.vector_load_idx %arg21[%parallel_loop3A_358] : memref<1280xf32, #tpu.memory_space<vmem>>[vector<16xi32>], vector<16xf32>,
        %parallel_loop3A_360 = arith.addf %parallel_loop3A_355, %parallel_loop3A_359 : vector<16xf32>
        %parallel_loop3A_361 = arith.constant 14 : i32
        %parallel_loop3A_362 = vector.broadcast %parallel_loop3A_361 : i32 to vector<16xi32>
        %parallel_loop3A_363 = arith.addi %parallel_loop3A_288, %parallel_loop3A_362 : vector<16xi32>
        %parallel_loop3A_364 = tpu.vector_load_idx %arg21[%parallel_loop3A_363] : memref<1280xf32, #tpu.memory_space<vmem>>[vector<16xi32>], vector<16xf32>,
        %parallel_loop3A_365 = arith.addf %parallel_loop3A_360, %parallel_loop3A_364 : vector<16xf32>
        %parallel_loop3A_366 = arith.constant 15 : i32
        %parallel_loop3A_367 = vector.broadcast %parallel_loop3A_366 : i32 to vector<16xi32>
        %parallel_loop3A_368 = arith.addi %parallel_loop3A_288, %parallel_loop3A_367 : vector<16xi32>
        %parallel_loop3A_369 = tpu.vector_load_idx %arg21[%parallel_loop3A_368] : memref<1280xf32, #tpu.memory_space<vmem>>[vector<16xi32>], vector<16xf32>,
        %parallel_loop3A_370 = arith.addf %parallel_loop3A_365, %parallel_loop3A_369 : vector<16xf32>
        %parallel_loop3A_371 = arith.constant 16 : i32
        %parallel_loop3A_372 = arith.muli %parallel_loop3A_280, %parallel_loop3A_371 : i32
        %parallel_loop3A_373 = arith.index_cast %parallel_loop3A_372 : i32 to index
        %parallel_loop3A_374 = tpu.vector_load %arg19[%parallel_loop3A_373] {strides = array<i32>} : memref<80xf32, #tpu.memory_space<vmem>>, vector<16xf32>,
        tpu.vector_store %arg19[%parallel_loop3A_373], %parallel_loop3A_370 {strides = array<i32>} : memref<80xf32, #tpu.memory_space<vmem>>, vector<16xf32>,
      } {sc.loop_unroll_factor = 1 : i64, sc.parallel_access}
      %mul3A_130 = arith.constant 80 : i32
      %mul3A_131 = arith.muli %add3A_101, %mul3A_130 : i32
      %add3A_132 = arith.addi %mul3A_2, %mul3A_131 : i32
      %dma_start3A_133 = tpu.memref_slice %arg5[%add3A_132] : memref<320000xf32, #tpu.memory_space<hbm>> -> memref<80xf32, #tpu.memory_space<hbm>>
      %dma_start3A_134 = tpu.memref_slice %arg5[%add3A_132] : memref<320000xf32, #tpu.memory_space<hbm>> -> memref<80xf32, #tpu.memory_space<hbm>>
      tpu.enqueue_dma source(%arg19 : memref<80xf32, #tpu.memory_space<vmem>>) target(%dma_start3A_134 : memref<80xf32, #tpu.memory_space<hbm>>) target_semaphore(%arg28 : memref<!tpu.dma_semaphore, #tpu.memory_space<semaphore_mem>>)
      %add3A_135 = arith.constant 2 : i32
      %add3A_136 = arith.addi %add3A_101, %add3A_135 : i32
      %lt3A_137 = arith.constant 125 : i32
      %lt3A_138 = arith.cmpi slt, %add3A_136, %lt3A_137 : i32
      %convert_element_type3A_139 = arith.extui %lt3A_138 : i1 to i32
      %cond3A_140 = arith.constant 0 : i32
      %cond3A_141 = arith.cmpi ne, %convert_element_type3A_139, %cond3A_140 : i32
      scf.if %cond3A_141 {
        %dma_wait3A_280 = arith.constant 0 : i32
        %dma_wait3A_281 = tpu.memref_slice %arg2[%dma_wait3A_280] : memref<320000xi32, #tpu.memory_space<hbm>> -> memref<80xi32, #tpu.memory_space<hbm>>
        %dma_wait3A_282 = arith.constant 0 : i32
        %dma_wait3A_283 = tpu.memref_slice %arg2[%dma_wait3A_282] : memref<320000xi32, #tpu.memory_space<hbm>> -> memref<80xi32, #tpu.memory_space<hbm>>
        tpu.wait_dma2 semaphore(%arg24 : memref<!tpu.dma_semaphore, #tpu.memory_space<semaphore_mem>>) src(%dma_wait3A_283 : memref<80xi32, #tpu.memory_space<hbm>>) dst(%arg9 : memref<80xi32, #tpu.memory_space<vmem>>)
        %dma_wait3A_284 = arith.constant 0 : i32
        %dma_wait3A_285 = tpu.memref_slice %arg3[%dma_wait3A_284] : memref<320000xi32, #tpu.memory_space<hbm>> -> memref<80xi32, #tpu.memory_space<hbm>>
        %dma_wait3A_286 = arith.constant 0 : i32
        %dma_wait3A_287 = tpu.memref_slice %arg3[%dma_wait3A_286] : memref<320000xi32, #tpu.memory_space<hbm>> -> memref<80xi32, #tpu.memory_space<hbm>>
        tpu.wait_dma2 semaphore(%arg24 : memref<!tpu.dma_semaphore, #tpu.memory_space<semaphore_mem>>) src(%dma_wait3A_287 : memref<80xi32, #tpu.memory_space<hbm>>) dst(%arg13 : memref<80xi32, #tpu.memory_space<vmem>>)
        %dma_start3A_288 = arith.constant 0 : i32
        %dma_start3A_289 = arith.constant 0 : i32
        %dma_start3A_290 = tpu.memref_slice %arg6[%dma_start3A_288, %dma_start3A_289] : memref<10000x128xf32, #tpu.memory_space<vmem_shared>> -> memref<10000x128xf32, #tpu.memory_space<vmem_shared>>
        tpu.enqueue_indirect_dma source(%dma_start3A_290 : memref<10000x128xf32, #tpu.memory_space<vmem_shared>>) target(%arg15 : memref<80x128xf32, #tpu.memory_space<vmem>>) offsets(%arg9 : memref<80xi32, #tpu.memory_space<vmem>>) semaphore(%arg26 : memref<!tpu.dma_semaphore, #tpu.memory_space<semaphore_mem>>)
        %dma_start3A_291 = arith.constant 0 : i32
        %dma_start3A_292 = arith.constant 0 : i32
        %dma_start3A_293 = tpu.memref_slice %arg6[%dma_start3A_291, %dma_start3A_292] : memref<10000x128xf32, #tpu.memory_space<vmem_shared>> -> memref<10000x128xf32, #tpu.memory_space<vmem_shared>>
        tpu.enqueue_indirect_dma source(%dma_start3A_293 : memref<10000x128xf32, #tpu.memory_space<vmem_shared>>) target(%arg17 : memref<80x128xf32, #tpu.memory_space<vmem>>) offsets(%arg13 : memref<80xi32, #tpu.memory_space<vmem>>) semaphore(%arg26 : memref<!tpu.dma_semaphore, #tpu.memory_space<semaphore_mem>>)
      } else {
      }
      %mul3A_142 = arith.constant 4 : i32
      %mul3A_143 = arith.muli %scan3A_97, %mul3A_142 : i32
      %add3A_144 = arith.constant 1 : i32
      %add3A_145 = arith.addi %mul3A_143, %add3A_144 : i32
      %dma_wait3A_146 = arith.constant 0 : i32
      %dma_wait3A_147 = arith.constant 0 : i32
      %dma_wait3A_148 = tpu.memref_slice %arg4[%dma_wait3A_146, %dma_wait3A_147] : memref<10000x128xf32, #tpu.memory_space<hbm>> -> memref<80x128xf32, #tpu.memory_space<hbm>>
      %dma_wait3A_149 = arith.constant 0 : i32
      %dma_wait3A_150 = arith.constant 0 : i32
      %dma_wait3A_151 = tpu.memref_slice %arg4[%dma_wait3A_149, %dma_wait3A_150] : memref<10000x128xf32, #tpu.memory_space<hbm>> -> memref<80x128xf32, #tpu.memory_space<hbm>>
      tpu.wait_dma2 semaphore(%arg27 : memref<!tpu.dma_semaphore, #tpu.memory_space<semaphore_mem>>) src(%dma_wait3A_151 : memref<80x128xf32, #tpu.memory_space<hbm>>) dst(%arg16 : memref<80x128xf32, #tpu.memory_space<vmem>>)
      %dma_wait3A_152 = arith.constant 0 : i32
      %dma_wait3A_153 = arith.constant 0 : i32
      %dma_wait3A_154 = tpu.memref_slice %arg4[%dma_wait3A_152, %dma_wait3A_153] : memref<10000x128xf32, #tpu.memory_space<hbm>> -> memref<80x128xf32, #tpu.memory_space<hbm>>
      %dma_wait3A_155 = arith.constant 0 : i32
      %dma_wait3A_156 = arith.constant 0 : i32
      %dma_wait3A_157 = tpu.memref_slice %arg4[%dma_wait3A_155, %dma_wait3A_156] : memref<10000x128xf32, #tpu.memory_space<hbm>> -> memref<80x128xf32, #tpu.memory_space<hbm>>
      tpu.wait_dma2 semaphore(%arg27 : memref<!tpu.dma_semaphore, #tpu.memory_space<semaphore_mem>>) src(%dma_wait3A_157 : memref<80x128xf32, #tpu.memory_space<hbm>>) dst(%arg18 : memref<80x128xf32, #tpu.memory_space<vmem>>)
      %add3A_158 = arith.constant 4 : i32
      %add3A_159 = arith.addi %add3A_145, %add3A_158 : i32
      %lt3A_160 = arith.constant 125 : i32
      %lt3A_161 = arith.cmpi slt, %add3A_159, %lt3A_160 : i32
      %convert_element_type3A_162 = arith.extui %lt3A_161 : i1 to i32
      %cond3A_163 = arith.constant 0 : i32
      %cond3A_164 = arith.cmpi ne, %convert_element_type3A_162, %cond3A_163 : i32
      scf.if %cond3A_164 {
        %add3A_280 = arith.constant 4 : i32
        %add3A_281 = arith.addi %add3A_145, %add3A_280 : i32
        %mul3A_282 = arith.constant 80 : i32
        %mul3A_283 = arith.muli %add3A_281, %mul3A_282 : i32
        %add3A_284 = arith.addi %mul3A_2, %mul3A_283 : i32
        %dma_start3A_285 = tpu.memref_slice %arg2[%add3A_284] : memref<320000xi32, #tpu.memory_space<hbm>> -> memref<80xi32, #tpu.memory_space<hbm>>
        %dma_start3A_286 = tpu.memref_slice %arg2[%add3A_284] : memref<320000xi32, #tpu.memory_space<hbm>> -> memref<80xi32, #tpu.memory_space<hbm>>
        tpu.enqueue_dma source(%dma_start3A_286 : memref<80xi32, #tpu.memory_space<hbm>>) target(%arg8 : memref<80xi32, #tpu.memory_space<vmem>>) target_semaphore(%arg23 : memref<!tpu.dma_semaphore, #tpu.memory_space<semaphore_mem>>)
        %dma_start3A_287 = tpu.memref_slice %arg3[%add3A_284] : memref<320000xi32, #tpu.memory_space<hbm>> -> memref<80xi32, #tpu.memory_space<hbm>>
        %dma_start3A_288 = tpu.memref_slice %arg3[%add3A_284] : memref<320000xi32, #tpu.memory_space<hbm>> -> memref<80xi32, #tpu.memory_space<hbm>>
        tpu.enqueue_dma source(%dma_start3A_288 : memref<80xi32, #tpu.memory_space<hbm>>) target(%arg12 : memref<80xi32, #tpu.memory_space<vmem>>) target_semaphore(%arg23 : memref<!tpu.dma_semaphore, #tpu.memory_space<semaphore_mem>>)
      } else {
      }
      %ge3A_165 = arith.constant 2 : i32
      %ge3A_166 = arith.cmpi sge, %add3A_145, %ge3A_165 : i32
      %convert_element_type3A_167 = arith.extui %ge3A_166 : i1 to i32
      %cond3A_168 = arith.constant 0 : i32
      %cond3A_169 = arith.cmpi ne, %convert_element_type3A_167, %cond3A_168 : i32
      scf.if %cond3A_169 {
        %dma_wait3A_280 = arith.constant 0 : i32
        %dma_wait3A_281 = tpu.memref_slice %arg5[%dma_wait3A_280] : memref<320000xf32, #tpu.memory_space<hbm>> -> memref<80xf32, #tpu.memory_space<hbm>>
        %dma_wait3A_282 = arith.constant 0 : i32
        %dma_wait3A_283 = tpu.memref_slice %arg5[%dma_wait3A_282] : memref<320000xf32, #tpu.memory_space<hbm>> -> memref<80xf32, #tpu.memory_space<hbm>>
        tpu.wait_dma2 semaphore(%arg29 : memref<!tpu.dma_semaphore, #tpu.memory_space<semaphore_mem>>) src(%arg20 : memref<80xf32, #tpu.memory_space<vmem>>) dst(%dma_wait3A_283 : memref<80xf32, #tpu.memory_space<hbm>>)
      } else {
      }
      %parallel_loop3A_170 = arith.constant 0 : i32
      %parallel_loop3A_171 = arith.constant 80 : i32
      %parallel_loop3A_172 = arith.constant 1 : i32
      scf.for %parallel_loop3A_280 = %parallel_loop3A_170 to %parallel_loop3A_171 step %parallel_loop3A_172  : i32 {
        %parallel_loop3A_281 = arith.index_cast %parallel_loop3A_280 : i32 to index
        %parallel_loop3A_282 = arith.constant 0 : index
        %parallel_loop3A_283 = tpu.vector_load %arg16[%parallel_loop3A_281, %parallel_loop3A_282] {strides = array<i32>} : memref<80x128xf32, #tpu.memory_space<vmem>>, vector<16xf32>,
        %parallel_loop3A_284 = arith.index_cast %parallel_loop3A_280 : i32 to index
        %parallel_loop3A_285 = arith.constant 0 : index
        %parallel_loop3A_286 = tpu.vector_load %arg18[%parallel_loop3A_284, %parallel_loop3A_285] {strides = array<i32>} : memref<80x128xf32, #tpu.memory_space<vmem>>, vector<16xf32>,
        %parallel_loop3A_287 = arith.mulf %parallel_loop3A_283, %parallel_loop3A_286 : vector<16xf32>
        %parallel_loop3A_288 = arith.index_cast %parallel_loop3A_280 : i32 to index
        %parallel_loop3A_289 = arith.constant 16 : index
        %parallel_loop3A_290 = tpu.vector_load %arg16[%parallel_loop3A_288, %parallel_loop3A_289] {strides = array<i32>} : memref<80x128xf32, #tpu.memory_space<vmem>>, vector<16xf32>,
        %parallel_loop3A_291 = arith.index_cast %parallel_loop3A_280 : i32 to index
        %parallel_loop3A_292 = arith.constant 16 : index
        %parallel_loop3A_293 = tpu.vector_load %arg18[%parallel_loop3A_291, %parallel_loop3A_292] {strides = array<i32>} : memref<80x128xf32, #tpu.memory_space<vmem>>, vector<16xf32>,
        %parallel_loop3A_294 = arith.mulf %parallel_loop3A_290, %parallel_loop3A_293 : vector<16xf32>
        %parallel_loop3A_295 = arith.index_cast %parallel_loop3A_280 : i32 to index
        %parallel_loop3A_296 = arith.constant 32 : index
        %parallel_loop3A_297 = tpu.vector_load %arg16[%parallel_loop3A_295, %parallel_loop3A_296] {strides = array<i32>} : memref<80x128xf32, #tpu.memory_space<vmem>>, vector<16xf32>,
        %parallel_loop3A_298 = arith.index_cast %parallel_loop3A_280 : i32 to index
        %parallel_loop3A_299 = arith.constant 32 : index
        %parallel_loop3A_300 = tpu.vector_load %arg18[%parallel_loop3A_298, %parallel_loop3A_299] {strides = array<i32>} : memref<80x128xf32, #tpu.memory_space<vmem>>, vector<16xf32>,
        %parallel_loop3A_301 = arith.mulf %parallel_loop3A_297, %parallel_loop3A_300 : vector<16xf32>
        %parallel_loop3A_302 = arith.index_cast %parallel_loop3A_280 : i32 to index
        %parallel_loop3A_303 = arith.constant 48 : index
        %parallel_loop3A_304 = tpu.vector_load %arg16[%parallel_loop3A_302, %parallel_loop3A_303] {strides = array<i32>} : memref<80x128xf32, #tpu.memory_space<vmem>>, vector<16xf32>,
        %parallel_loop3A_305 = arith.index_cast %parallel_loop3A_280 : i32 to index
        %parallel_loop3A_306 = arith.constant 48 : index
        %parallel_loop3A_307 = tpu.vector_load %arg18[%parallel_loop3A_305, %parallel_loop3A_306] {strides = array<i32>} : memref<80x128xf32, #tpu.memory_space<vmem>>, vector<16xf32>,
        %parallel_loop3A_308 = arith.mulf %parallel_loop3A_304, %parallel_loop3A_307 : vector<16xf32>
        %parallel_loop3A_309 = arith.index_cast %parallel_loop3A_280 : i32 to index
        %parallel_loop3A_310 = arith.constant 64 : index
        %parallel_loop3A_311 = tpu.vector_load %arg16[%parallel_loop3A_309, %parallel_loop3A_310] {strides = array<i32>} : memref<80x128xf32, #tpu.memory_space<vmem>>, vector<16xf32>,
        %parallel_loop3A_312 = arith.index_cast %parallel_loop3A_280 : i32 to index
        %parallel_loop3A_313 = arith.constant 64 : index
        %parallel_loop3A_314 = tpu.vector_load %arg18[%parallel_loop3A_312, %parallel_loop3A_313] {strides = array<i32>} : memref<80x128xf32, #tpu.memory_space<vmem>>, vector<16xf32>,
        %parallel_loop3A_315 = arith.mulf %parallel_loop3A_311, %parallel_loop3A_314 : vector<16xf32>
        %parallel_loop3A_316 = arith.index_cast %parallel_loop3A_280 : i32 to index
        %parallel_loop3A_317 = arith.constant 80 : index
        %parallel_loop3A_318 = tpu.vector_load %arg16[%parallel_loop3A_316, %parallel_loop3A_317] {strides = array<i32>} : memref<80x128xf32, #tpu.memory_space<vmem>>, vector<16xf32>,
        %parallel_loop3A_319 = arith.index_cast %parallel_loop3A_280 : i32 to index
        %parallel_loop3A_320 = arith.constant 80 : index
        %parallel_loop3A_321 = tpu.vector_load %arg18[%parallel_loop3A_319, %parallel_loop3A_320] {strides = array<i32>} : memref<80x128xf32, #tpu.memory_space<vmem>>, vector<16xf32>,
        %parallel_loop3A_322 = arith.mulf %parallel_loop3A_318, %parallel_loop3A_321 : vector<16xf32>
        %parallel_loop3A_323 = arith.index_cast %parallel_loop3A_280 : i32 to index
        %parallel_loop3A_324 = arith.constant 96 : index
        %parallel_loop3A_325 = tpu.vector_load %arg16[%parallel_loop3A_323, %parallel_loop3A_324] {strides = array<i32>} : memref<80x128xf32, #tpu.memory_space<vmem>>, vector<16xf32>,
        %parallel_loop3A_326 = arith.index_cast %parallel_loop3A_280 : i32 to index
        %parallel_loop3A_327 = arith.constant 96 : index
        %parallel_loop3A_328 = tpu.vector_load %arg18[%parallel_loop3A_326, %parallel_loop3A_327] {strides = array<i32>} : memref<80x128xf32, #tpu.memory_space<vmem>>, vector<16xf32>,
        %parallel_loop3A_329 = arith.mulf %parallel_loop3A_325, %parallel_loop3A_328 : vector<16xf32>
        %parallel_loop3A_330 = arith.index_cast %parallel_loop3A_280 : i32 to index
        %parallel_loop3A_331 = arith.constant 112 : index
        %parallel_loop3A_332 = tpu.vector_load %arg16[%parallel_loop3A_330, %parallel_loop3A_331] {strides = array<i32>} : memref<80x128xf32, #tpu.memory_space<vmem>>, vector<16xf32>,
        %parallel_loop3A_333 = arith.index_cast %parallel_loop3A_280 : i32 to index
        %parallel_loop3A_334 = arith.constant 112 : index
        %parallel_loop3A_335 = tpu.vector_load %arg18[%parallel_loop3A_333, %parallel_loop3A_334] {strides = array<i32>} : memref<80x128xf32, #tpu.memory_space<vmem>>, vector<16xf32>,
        %parallel_loop3A_336 = arith.mulf %parallel_loop3A_332, %parallel_loop3A_335 : vector<16xf32>
        %parallel_loop3A_337 = arith.addf %parallel_loop3A_287, %parallel_loop3A_294 : vector<16xf32>
        %parallel_loop3A_338 = arith.addf %parallel_loop3A_301, %parallel_loop3A_308 : vector<16xf32>
        %parallel_loop3A_339 = arith.addf %parallel_loop3A_315, %parallel_loop3A_322 : vector<16xf32>
        %parallel_loop3A_340 = arith.addf %parallel_loop3A_329, %parallel_loop3A_336 : vector<16xf32>
        %parallel_loop3A_341 = arith.addf %parallel_loop3A_337, %parallel_loop3A_338 : vector<16xf32>
        %parallel_loop3A_342 = arith.addf %parallel_loop3A_339, %parallel_loop3A_340 : vector<16xf32>
        %parallel_loop3A_343 = arith.addf %parallel_loop3A_341, %parallel_loop3A_342 : vector<16xf32>
        %parallel_loop3A_344 = arith.constant 16 : i32
        %parallel_loop3A_345 = arith.muli %parallel_loop3A_280, %parallel_loop3A_344 : i32
        %parallel_loop3A_346 = arith.index_cast %parallel_loop3A_345 : i32 to index
        %parallel_loop3A_347 = tpu.vector_load %arg21[%parallel_loop3A_346] {strides = array<i32>} : memref<1280xf32, #tpu.memory_space<vmem>>, vector<16xf32>,
        tpu.vector_store %arg21[%parallel_loop3A_346], %parallel_loop3A_343 {strides = array<i32>} : memref<1280xf32, #tpu.memory_space<vmem>>, vector<16xf32>,
      } {sc.loop_unroll_factor = 4 : i64, sc.parallel_access}
      %parallel_loop3A_173 = arith.constant 0 : i32
      %parallel_loop3A_174 = arith.constant 5 : i32
      %parallel_loop3A_175 = arith.constant 1 : i32
      scf.for %parallel_loop3A_280 = %parallel_loop3A_173 to %parallel_loop3A_174 step %parallel_loop3A_175  : i32 {
        %parallel_loop3A_281 = tpu.iota {dimensions = array<i32: 0>} : vector<16xi32>
        %parallel_loop3A_282 = arith.constant 16 : i32
        %parallel_loop3A_283 = vector.broadcast %parallel_loop3A_282 : i32 to vector<16xi32>
        %parallel_loop3A_284 = arith.muli %parallel_loop3A_281, %parallel_loop3A_283 : vector<16xi32>
        %parallel_loop3A_285 = arith.constant 256 : i32
        %parallel_loop3A_286 = arith.muli %parallel_loop3A_280, %parallel_loop3A_285 : i32
        %parallel_loop3A_287 = vector.broadcast %parallel_loop3A_286 : i32 to vector<16xi32>
        %parallel_loop3A_288 = arith.addi %parallel_loop3A_284, %parallel_loop3A_287 : vector<16xi32>
        %parallel_loop3A_289 = arith.constant 0.000000e+00 : f32
        %parallel_loop3A_290 = vector.broadcast %parallel_loop3A_289 : f32 to vector<16xf32>
        %parallel_loop3A_291 = arith.constant 0 : i32
        %parallel_loop3A_292 = vector.broadcast %parallel_loop3A_291 : i32 to vector<16xi32>
        %parallel_loop3A_293 = arith.addi %parallel_loop3A_288, %parallel_loop3A_292 : vector<16xi32>
        %parallel_loop3A_294 = tpu.vector_load_idx %arg21[%parallel_loop3A_293] : memref<1280xf32, #tpu.memory_space<vmem>>[vector<16xi32>], vector<16xf32>,
        %parallel_loop3A_295 = arith.addf %parallel_loop3A_290, %parallel_loop3A_294 : vector<16xf32>
        %parallel_loop3A_296 = arith.constant 1 : i32
        %parallel_loop3A_297 = vector.broadcast %parallel_loop3A_296 : i32 to vector<16xi32>
        %parallel_loop3A_298 = arith.addi %parallel_loop3A_288, %parallel_loop3A_297 : vector<16xi32>
        %parallel_loop3A_299 = tpu.vector_load_idx %arg21[%parallel_loop3A_298] : memref<1280xf32, #tpu.memory_space<vmem>>[vector<16xi32>], vector<16xf32>,
        %parallel_loop3A_300 = arith.addf %parallel_loop3A_295, %parallel_loop3A_299 : vector<16xf32>
        %parallel_loop3A_301 = arith.constant 2 : i32
        %parallel_loop3A_302 = vector.broadcast %parallel_loop3A_301 : i32 to vector<16xi32>
        %parallel_loop3A_303 = arith.addi %parallel_loop3A_288, %parallel_loop3A_302 : vector<16xi32>
        %parallel_loop3A_304 = tpu.vector_load_idx %arg21[%parallel_loop3A_303] : memref<1280xf32, #tpu.memory_space<vmem>>[vector<16xi32>], vector<16xf32>,
        %parallel_loop3A_305 = arith.addf %parallel_loop3A_300, %parallel_loop3A_304 : vector<16xf32>
        %parallel_loop3A_306 = arith.constant 3 : i32
        %parallel_loop3A_307 = vector.broadcast %parallel_loop3A_306 : i32 to vector<16xi32>
        %parallel_loop3A_308 = arith.addi %parallel_loop3A_288, %parallel_loop3A_307 : vector<16xi32>
        %parallel_loop3A_309 = tpu.vector_load_idx %arg21[%parallel_loop3A_308] : memref<1280xf32, #tpu.memory_space<vmem>>[vector<16xi32>], vector<16xf32>,
        %parallel_loop3A_310 = arith.addf %parallel_loop3A_305, %parallel_loop3A_309 : vector<16xf32>
        %parallel_loop3A_311 = arith.constant 4 : i32
        %parallel_loop3A_312 = vector.broadcast %parallel_loop3A_311 : i32 to vector<16xi32>
        %parallel_loop3A_313 = arith.addi %parallel_loop3A_288, %parallel_loop3A_312 : vector<16xi32>
        %parallel_loop3A_314 = tpu.vector_load_idx %arg21[%parallel_loop3A_313] : memref<1280xf32, #tpu.memory_space<vmem>>[vector<16xi32>], vector<16xf32>,
        %parallel_loop3A_315 = arith.addf %parallel_loop3A_310, %parallel_loop3A_314 : vector<16xf32>
        %parallel_loop3A_316 = arith.constant 5 : i32
        %parallel_loop3A_317 = vector.broadcast %parallel_loop3A_316 : i32 to vector<16xi32>
        %parallel_loop3A_318 = arith.addi %parallel_loop3A_288, %parallel_loop3A_317 : vector<16xi32>
        %parallel_loop3A_319 = tpu.vector_load_idx %arg21[%parallel_loop3A_318] : memref<1280xf32, #tpu.memory_space<vmem>>[vector<16xi32>], vector<16xf32>,
        %parallel_loop3A_320 = arith.addf %parallel_loop3A_315, %parallel_loop3A_319 : vector<16xf32>
        %parallel_loop3A_321 = arith.constant 6 : i32
        %parallel_loop3A_322 = vector.broadcast %parallel_loop3A_321 : i32 to vector<16xi32>
        %parallel_loop3A_323 = arith.addi %parallel_loop3A_288, %parallel_loop3A_322 : vector<16xi32>
        %parallel_loop3A_324 = tpu.vector_load_idx %arg21[%parallel_loop3A_323] : memref<1280xf32, #tpu.memory_space<vmem>>[vector<16xi32>], vector<16xf32>,
        %parallel_loop3A_325 = arith.addf %parallel_loop3A_320, %parallel_loop3A_324 : vector<16xf32>
        %parallel_loop3A_326 = arith.constant 7 : i32
        %parallel_loop3A_327 = vector.broadcast %parallel_loop3A_326 : i32 to vector<16xi32>
        %parallel_loop3A_328 = arith.addi %parallel_loop3A_288, %parallel_loop3A_327 : vector<16xi32>
        %parallel_loop3A_329 = tpu.vector_load_idx %arg21[%parallel_loop3A_328] : memref<1280xf32, #tpu.memory_space<vmem>>[vector<16xi32>], vector<16xf32>,
        %parallel_loop3A_330 = arith.addf %parallel_loop3A_325, %parallel_loop3A_329 : vector<16xf32>
        %parallel_loop3A_331 = arith.constant 8 : i32
        %parallel_loop3A_332 = vector.broadcast %parallel_loop3A_331 : i32 to vector<16xi32>
        %parallel_loop3A_333 = arith.addi %parallel_loop3A_288, %parallel_loop3A_332 : vector<16xi32>
        %parallel_loop3A_334 = tpu.vector_load_idx %arg21[%parallel_loop3A_333] : memref<1280xf32, #tpu.memory_space<vmem>>[vector<16xi32>], vector<16xf32>,
        %parallel_loop3A_335 = arith.addf %parallel_loop3A_330, %parallel_loop3A_334 : vector<16xf32>
        %parallel_loop3A_336 = arith.constant 9 : i32
        %parallel_loop3A_337 = vector.broadcast %parallel_loop3A_336 : i32 to vector<16xi32>
        %parallel_loop3A_338 = arith.addi %parallel_loop3A_288, %parallel_loop3A_337 : vector<16xi32>
        %parallel_loop3A_339 = tpu.vector_load_idx %arg21[%parallel_loop3A_338] : memref<1280xf32, #tpu.memory_space<vmem>>[vector<16xi32>], vector<16xf32>,
        %parallel_loop3A_340 = arith.addf %parallel_loop3A_335, %parallel_loop3A_339 : vector<16xf32>
        %parallel_loop3A_341 = arith.constant 10 : i32
        %parallel_loop3A_342 = vector.broadcast %parallel_loop3A_341 : i32 to vector<16xi32>
        %parallel_loop3A_343 = arith.addi %parallel_loop3A_288, %parallel_loop3A_342 : vector<16xi32>
        %parallel_loop3A_344 = tpu.vector_load_idx %arg21[%parallel_loop3A_343] : memref<1280xf32, #tpu.memory_space<vmem>>[vector<16xi32>], vector<16xf32>,
        %parallel_loop3A_345 = arith.addf %parallel_loop3A_340, %parallel_loop3A_344 : vector<16xf32>
        %parallel_loop3A_346 = arith.constant 11 : i32
        %parallel_loop3A_347 = vector.broadcast %parallel_loop3A_346 : i32 to vector<16xi32>
        %parallel_loop3A_348 = arith.addi %parallel_loop3A_288, %parallel_loop3A_347 : vector<16xi32>
        %parallel_loop3A_349 = tpu.vector_load_idx %arg21[%parallel_loop3A_348] : memref<1280xf32, #tpu.memory_space<vmem>>[vector<16xi32>], vector<16xf32>,
        %parallel_loop3A_350 = arith.addf %parallel_loop3A_345, %parallel_loop3A_349 : vector<16xf32>
        %parallel_loop3A_351 = arith.constant 12 : i32
        %parallel_loop3A_352 = vector.broadcast %parallel_loop3A_351 : i32 to vector<16xi32>
        %parallel_loop3A_353 = arith.addi %parallel_loop3A_288, %parallel_loop3A_352 : vector<16xi32>
        %parallel_loop3A_354 = tpu.vector_load_idx %arg21[%parallel_loop3A_353] : memref<1280xf32, #tpu.memory_space<vmem>>[vector<16xi32>], vector<16xf32>,
        %parallel_loop3A_355 = arith.addf %parallel_loop3A_350, %parallel_loop3A_354 : vector<16xf32>
        %parallel_loop3A_356 = arith.constant 13 : i32
        %parallel_loop3A_357 = vector.broadcast %parallel_loop3A_356 : i32 to vector<16xi32>
        %parallel_loop3A_358 = arith.addi %parallel_loop3A_288, %parallel_loop3A_357 : vector<16xi32>
        %parallel_loop3A_359 = tpu.vector_load_idx %arg21[%parallel_loop3A_358] : memref<1280xf32, #tpu.memory_space<vmem>>[vector<16xi32>], vector<16xf32>,
        %parallel_loop3A_360 = arith.addf %parallel_loop3A_355, %parallel_loop3A_359 : vector<16xf32>
        %parallel_loop3A_361 = arith.constant 14 : i32
        %parallel_loop3A_362 = vector.broadcast %parallel_loop3A_361 : i32 to vector<16xi32>
        %parallel_loop3A_363 = arith.addi %parallel_loop3A_288, %parallel_loop3A_362 : vector<16xi32>
        %parallel_loop3A_364 = tpu.vector_load_idx %arg21[%parallel_loop3A_363] : memref<1280xf32, #tpu.memory_space<vmem>>[vector<16xi32>], vector<16xf32>,
        %parallel_loop3A_365 = arith.addf %parallel_loop3A_360, %parallel_loop3A_364 : vector<16xf32>
        %parallel_loop3A_366 = arith.constant 15 : i32
        %parallel_loop3A_367 = vector.broadcast %parallel_loop3A_366 : i32 to vector<16xi32>
        %parallel_loop3A_368 = arith.addi %parallel_loop3A_288, %parallel_loop3A_367 : vector<16xi32>
        %parallel_loop3A_369 = tpu.vector_load_idx %arg21[%parallel_loop3A_368] : memref<1280xf32, #tpu.memory_space<vmem>>[vector<16xi32>], vector<16xf32>,
        %parallel_loop3A_370 = arith.addf %parallel_loop3A_365, %parallel_loop3A_369 : vector<16xf32>
        %parallel_loop3A_371 = arith.constant 16 : i32
        %parallel_loop3A_372 = arith.muli %parallel_loop3A_280, %parallel_loop3A_371 : i32
        %parallel_loop3A_373 = arith.index_cast %parallel_loop3A_372 : i32 to index
        %parallel_loop3A_374 = tpu.vector_load %arg20[%parallel_loop3A_373] {strides = array<i32>} : memref<80xf32, #tpu.memory_space<vmem>>, vector<16xf32>,
        tpu.vector_store %arg20[%parallel_loop3A_373], %parallel_loop3A_370 {strides = array<i32>} : memref<80xf32, #tpu.memory_space<vmem>>, vector<16xf32>,
      } {sc.loop_unroll_factor = 1 : i64, sc.parallel_access}
      %mul3A_176 = arith.constant 80 : i32
      %mul3A_177 = arith.muli %add3A_145, %mul3A_176 : i32
      %add3A_178 = arith.addi %mul3A_2, %mul3A_177 : i32
      %dma_start3A_179 = tpu.memref_slice %arg5[%add3A_178] : memref<320000xf32, #tpu.memory_space<hbm>> -> memref<80xf32, #tpu.memory_space<hbm>>
      %dma_start3A_180 = tpu.memref_slice %arg5[%add3A_178] : memref<320000xf32, #tpu.memory_space<hbm>> -> memref<80xf32, #tpu.memory_space<hbm>>
      tpu.enqueue_dma source(%arg20 : memref<80xf32, #tpu.memory_space<vmem>>) target(%dma_start3A_180 : memref<80xf32, #tpu.memory_space<hbm>>) target_semaphore(%arg29 : memref<!tpu.dma_semaphore, #tpu.memory_space<semaphore_mem>>)
      %add3A_181 = arith.constant 2 : i32
      %add3A_182 = arith.addi %add3A_145, %add3A_181 : i32
      %lt3A_183 = arith.constant 125 : i32
      %lt3A_184 = arith.cmpi slt, %add3A_182, %lt3A_183 : i32
      %convert_element_type3A_185 = arith.extui %lt3A_184 : i1 to i32
      %cond3A_186 = arith.constant 0 : i32
      %cond3A_187 = arith.cmpi ne, %convert_element_type3A_185, %cond3A_186 : i32
      scf.if %cond3A_187 {
        %dma_wait3A_280 = arith.constant 0 : i32
        %dma_wait3A_281 = tpu.memref_slice %arg2[%dma_wait3A_280] : memref<320000xi32, #tpu.memory_space<hbm>> -> memref<80xi32, #tpu.memory_space<hbm>>
        %dma_wait3A_282 = arith.constant 0 : i32
        %dma_wait3A_283 = tpu.memref_slice %arg2[%dma_wait3A_282] : memref<320000xi32, #tpu.memory_space<hbm>> -> memref<80xi32, #tpu.memory_space<hbm>>
        tpu.wait_dma2 semaphore(%arg25 : memref<!tpu.dma_semaphore, #tpu.memory_space<semaphore_mem>>) src(%dma_wait3A_283 : memref<80xi32, #tpu.memory_space<hbm>>) dst(%arg10 : memref<80xi32, #tpu.memory_space<vmem>>)
        %dma_wait3A_284 = arith.constant 0 : i32
        %dma_wait3A_285 = tpu.memref_slice %arg3[%dma_wait3A_284] : memref<320000xi32, #tpu.memory_space<hbm>> -> memref<80xi32, #tpu.memory_space<hbm>>
        %dma_wait3A_286 = arith.constant 0 : i32
        %dma_wait3A_287 = tpu.memref_slice %arg3[%dma_wait3A_286] : memref<320000xi32, #tpu.memory_space<hbm>> -> memref<80xi32, #tpu.memory_space<hbm>>
        tpu.wait_dma2 semaphore(%arg25 : memref<!tpu.dma_semaphore, #tpu.memory_space<semaphore_mem>>) src(%dma_wait3A_287 : memref<80xi32, #tpu.memory_space<hbm>>) dst(%arg14 : memref<80xi32, #tpu.memory_space<vmem>>)
        %dma_start3A_288 = arith.constant 0 : i32
        %dma_start3A_289 = arith.constant 0 : i32
        %dma_start3A_290 = tpu.memref_slice %arg6[%dma_start3A_288, %dma_start3A_289] : memref<10000x128xf32, #tpu.memory_space<vmem_shared>> -> memref<10000x128xf32, #tpu.memory_space<vmem_shared>>
        tpu.enqueue_indirect_dma source(%dma_start3A_290 : memref<10000x128xf32, #tpu.memory_space<vmem_shared>>) target(%arg16 : memref<80x128xf32, #tpu.memory_space<vmem>>) offsets(%arg10 : memref<80xi32, #tpu.memory_space<vmem>>) semaphore(%arg27 : memref<!tpu.dma_semaphore, #tpu.memory_space<semaphore_mem>>)
        %dma_start3A_291 = arith.constant 0 : i32
        %dma_start3A_292 = arith.constant 0 : i32
        %dma_start3A_293 = tpu.memref_slice %arg6[%dma_start3A_291, %dma_start3A_292] : memref<10000x128xf32, #tpu.memory_space<vmem_shared>> -> memref<10000x128xf32, #tpu.memory_space<vmem_shared>>
        tpu.enqueue_indirect_dma source(%dma_start3A_293 : memref<10000x128xf32, #tpu.memory_space<vmem_shared>>) target(%arg18 : memref<80x128xf32, #tpu.memory_space<vmem>>) offsets(%arg14 : memref<80xi32, #tpu.memory_space<vmem>>) semaphore(%arg27 : memref<!tpu.dma_semaphore, #tpu.memory_space<semaphore_mem>>)
      } else {
      }
      %mul3A_188 = arith.constant 4 : i32
      %mul3A_189 = arith.muli %scan3A_97, %mul3A_188 : i32
      %add3A_190 = arith.constant 2 : i32
      %add3A_191 = arith.addi %mul3A_189, %add3A_190 : i32
      %dma_wait3A_192 = arith.constant 0 : i32
      %dma_wait3A_193 = arith.constant 0 : i32
      %dma_wait3A_194 = tpu.memref_slice %arg4[%dma_wait3A_192, %dma_wait3A_193] : memref<10000x128xf32, #tpu.memory_space<hbm>> -> memref<80x128xf32, #tpu.memory_space<hbm>>
      %dma_wait3A_195 = arith.constant 0 : i32
      %dma_wait3A_196 = arith.constant 0 : i32
      %dma_wait3A_197 = tpu.memref_slice %arg4[%dma_wait3A_195, %dma_wait3A_196] : memref<10000x128xf32, #tpu.memory_space<hbm>> -> memref<80x128xf32, #tpu.memory_space<hbm>>
      tpu.wait_dma2 semaphore(%arg26 : memref<!tpu.dma_semaphore, #tpu.memory_space<semaphore_mem>>) src(%dma_wait3A_197 : memref<80x128xf32, #tpu.memory_space<hbm>>) dst(%arg15 : memref<80x128xf32, #tpu.memory_space<vmem>>)
      %dma_wait3A_198 = arith.constant 0 : i32
      %dma_wait3A_199 = arith.constant 0 : i32
      %dma_wait3A_200 = tpu.memref_slice %arg4[%dma_wait3A_198, %dma_wait3A_199] : memref<10000x128xf32, #tpu.memory_space<hbm>> -> memref<80x128xf32, #tpu.memory_space<hbm>>
      %dma_wait3A_201 = arith.constant 0 : i32
      %dma_wait3A_202 = arith.constant 0 : i32
      %dma_wait3A_203 = tpu.memref_slice %arg4[%dma_wait3A_201, %dma_wait3A_202] : memref<10000x128xf32, #tpu.memory_space<hbm>> -> memref<80x128xf32, #tpu.memory_space<hbm>>
      tpu.wait_dma2 semaphore(%arg26 : memref<!tpu.dma_semaphore, #tpu.memory_space<semaphore_mem>>) src(%dma_wait3A_203 : memref<80x128xf32, #tpu.memory_space<hbm>>) dst(%arg17 : memref<80x128xf32, #tpu.memory_space<vmem>>)
      %add3A_204 = arith.constant 4 : i32
      %add3A_205 = arith.addi %add3A_191, %add3A_204 : i32
      %lt3A_206 = arith.constant 125 : i32
      %lt3A_207 = arith.cmpi slt, %add3A_205, %lt3A_206 : i32
      %convert_element_type3A_208 = arith.extui %lt3A_207 : i1 to i32
      %cond3A_209 = arith.constant 0 : i32
      %cond3A_210 = arith.cmpi ne, %convert_element_type3A_208, %cond3A_209 : i32
      scf.if %cond3A_210 {
        %add3A_280 = arith.constant 4 : i32
        %add3A_281 = arith.addi %add3A_191, %add3A_280 : i32
        %mul3A_282 = arith.constant 80 : i32
        %mul3A_283 = arith.muli %add3A_281, %mul3A_282 : i32
        %add3A_284 = arith.addi %mul3A_2, %mul3A_283 : i32
        %dma_start3A_285 = tpu.memref_slice %arg2[%add3A_284] : memref<320000xi32, #tpu.memory_space<hbm>> -> memref<80xi32, #tpu.memory_space<hbm>>
        %dma_start3A_286 = tpu.memref_slice %arg2[%add3A_284] : memref<320000xi32, #tpu.memory_space<hbm>> -> memref<80xi32, #tpu.memory_space<hbm>>
        tpu.enqueue_dma source(%dma_start3A_286 : memref<80xi32, #tpu.memory_space<hbm>>) target(%arg9 : memref<80xi32, #tpu.memory_space<vmem>>) target_semaphore(%arg24 : memref<!tpu.dma_semaphore, #tpu.memory_space<semaphore_mem>>)
        %dma_start3A_287 = tpu.memref_slice %arg3[%add3A_284] : memref<320000xi32, #tpu.memory_space<hbm>> -> memref<80xi32, #tpu.memory_space<hbm>>
        %dma_start3A_288 = tpu.memref_slice %arg3[%add3A_284] : memref<320000xi32, #tpu.memory_space<hbm>> -> memref<80xi32, #tpu.memory_space<hbm>>
        tpu.enqueue_dma source(%dma_start3A_288 : memref<80xi32, #tpu.memory_space<hbm>>) target(%arg13 : memref<80xi32, #tpu.memory_space<vmem>>) target_semaphore(%arg24 : memref<!tpu.dma_semaphore, #tpu.memory_space<semaphore_mem>>)
      } else {
      }
      %ge3A_211 = arith.constant 2 : i32
      %ge3A_212 = arith.cmpi sge, %add3A_191, %ge3A_211 : i32
      %convert_element_type3A_213 = arith.extui %ge3A_212 : i1 to i32
      %cond3A_214 = arith.constant 0 : i32
      %cond3A_215 = arith.cmpi ne, %convert_element_type3A_213, %cond3A_214 : i32
      scf.if %cond3A_215 {
        %dma_wait3A_280 = arith.constant 0 : i32
        %dma_wait3A_281 = tpu.memref_slice %arg5[%dma_wait3A_280] : memref<320000xf32, #tpu.memory_space<hbm>> -> memref<80xf32, #tpu.memory_space<hbm>>
        %dma_wait3A_282 = arith.constant 0 : i32
        %dma_wait3A_283 = tpu.memref_slice %arg5[%dma_wait3A_282] : memref<320000xf32, #tpu.memory_space<hbm>> -> memref<80xf32, #tpu.memory_space<hbm>>
        tpu.wait_dma2 semaphore(%arg28 : memref<!tpu.dma_semaphore, #tpu.memory_space<semaphore_mem>>) src(%arg19 : memref<80xf32, #tpu.memory_space<vmem>>) dst(%dma_wait3A_283 : memref<80xf32, #tpu.memory_space<hbm>>)
      } else {
      }
      %parallel_loop3A_216 = arith.constant 0 : i32
      %parallel_loop3A_217 = arith.constant 80 : i32
      %parallel_loop3A_218 = arith.constant 1 : i32
      scf.for %parallel_loop3A_280 = %parallel_loop3A_216 to %parallel_loop3A_217 step %parallel_loop3A_218  : i32 {
        %parallel_loop3A_281 = arith.index_cast %parallel_loop3A_280 : i32 to index
        %parallel_loop3A_282 = arith.constant 0 : index
        %parallel_loop3A_283 = tpu.vector_load %arg15[%parallel_loop3A_281, %parallel_loop3A_282] {strides = array<i32>} : memref<80x128xf32, #tpu.memory_space<vmem>>, vector<16xf32>,
        %parallel_loop3A_284 = arith.index_cast %parallel_loop3A_280 : i32 to index
        %parallel_loop3A_285 = arith.constant 0 : index
        %parallel_loop3A_286 = tpu.vector_load %arg17[%parallel_loop3A_284, %parallel_loop3A_285] {strides = array<i32>} : memref<80x128xf32, #tpu.memory_space<vmem>>, vector<16xf32>,
        %parallel_loop3A_287 = arith.mulf %parallel_loop3A_283, %parallel_loop3A_286 : vector<16xf32>
        %parallel_loop3A_288 = arith.index_cast %parallel_loop3A_280 : i32 to index
        %parallel_loop3A_289 = arith.constant 16 : index
        %parallel_loop3A_290 = tpu.vector_load %arg15[%parallel_loop3A_288, %parallel_loop3A_289] {strides = array<i32>} : memref<80x128xf32, #tpu.memory_space<vmem>>, vector<16xf32>,
        %parallel_loop3A_291 = arith.index_cast %parallel_loop3A_280 : i32 to index
        %parallel_loop3A_292 = arith.constant 16 : index
        %parallel_loop3A_293 = tpu.vector_load %arg17[%parallel_loop3A_291, %parallel_loop3A_292] {strides = array<i32>} : memref<80x128xf32, #tpu.memory_space<vmem>>, vector<16xf32>,
        %parallel_loop3A_294 = arith.mulf %parallel_loop3A_290, %parallel_loop3A_293 : vector<16xf32>
        %parallel_loop3A_295 = arith.index_cast %parallel_loop3A_280 : i32 to index
        %parallel_loop3A_296 = arith.constant 32 : index
        %parallel_loop3A_297 = tpu.vector_load %arg15[%parallel_loop3A_295, %parallel_loop3A_296] {strides = array<i32>} : memref<80x128xf32, #tpu.memory_space<vmem>>, vector<16xf32>,
        %parallel_loop3A_298 = arith.index_cast %parallel_loop3A_280 : i32 to index
        %parallel_loop3A_299 = arith.constant 32 : index
        %parallel_loop3A_300 = tpu.vector_load %arg17[%parallel_loop3A_298, %parallel_loop3A_299] {strides = array<i32>} : memref<80x128xf32, #tpu.memory_space<vmem>>, vector<16xf32>,
        %parallel_loop3A_301 = arith.mulf %parallel_loop3A_297, %parallel_loop3A_300 : vector<16xf32>
        %parallel_loop3A_302 = arith.index_cast %parallel_loop3A_280 : i32 to index
        %parallel_loop3A_303 = arith.constant 48 : index
        %parallel_loop3A_304 = tpu.vector_load %arg15[%parallel_loop3A_302, %parallel_loop3A_303] {strides = array<i32>} : memref<80x128xf32, #tpu.memory_space<vmem>>, vector<16xf32>,
        %parallel_loop3A_305 = arith.index_cast %parallel_loop3A_280 : i32 to index
        %parallel_loop3A_306 = arith.constant 48 : index
        %parallel_loop3A_307 = tpu.vector_load %arg17[%parallel_loop3A_305, %parallel_loop3A_306] {strides = array<i32>} : memref<80x128xf32, #tpu.memory_space<vmem>>, vector<16xf32>,
        %parallel_loop3A_308 = arith.mulf %parallel_loop3A_304, %parallel_loop3A_307 : vector<16xf32>
        %parallel_loop3A_309 = arith.index_cast %parallel_loop3A_280 : i32 to index
        %parallel_loop3A_310 = arith.constant 64 : index
        %parallel_loop3A_311 = tpu.vector_load %arg15[%parallel_loop3A_309, %parallel_loop3A_310] {strides = array<i32>} : memref<80x128xf32, #tpu.memory_space<vmem>>, vector<16xf32>,
        %parallel_loop3A_312 = arith.index_cast %parallel_loop3A_280 : i32 to index
        %parallel_loop3A_313 = arith.constant 64 : index
        %parallel_loop3A_314 = tpu.vector_load %arg17[%parallel_loop3A_312, %parallel_loop3A_313] {strides = array<i32>} : memref<80x128xf32, #tpu.memory_space<vmem>>, vector<16xf32>,
        %parallel_loop3A_315 = arith.mulf %parallel_loop3A_311, %parallel_loop3A_314 : vector<16xf32>
        %parallel_loop3A_316 = arith.index_cast %parallel_loop3A_280 : i32 to index
        %parallel_loop3A_317 = arith.constant 80 : index
        %parallel_loop3A_318 = tpu.vector_load %arg15[%parallel_loop3A_316, %parallel_loop3A_317] {strides = array<i32>} : memref<80x128xf32, #tpu.memory_space<vmem>>, vector<16xf32>,
        %parallel_loop3A_319 = arith.index_cast %parallel_loop3A_280 : i32 to index
        %parallel_loop3A_320 = arith.constant 80 : index
        %parallel_loop3A_321 = tpu.vector_load %arg17[%parallel_loop3A_319, %parallel_loop3A_320] {strides = array<i32>} : memref<80x128xf32, #tpu.memory_space<vmem>>, vector<16xf32>,
        %parallel_loop3A_322 = arith.mulf %parallel_loop3A_318, %parallel_loop3A_321 : vector<16xf32>
        %parallel_loop3A_323 = arith.index_cast %parallel_loop3A_280 : i32 to index
        %parallel_loop3A_324 = arith.constant 96 : index
        %parallel_loop3A_325 = tpu.vector_load %arg15[%parallel_loop3A_323, %parallel_loop3A_324] {strides = array<i32>} : memref<80x128xf32, #tpu.memory_space<vmem>>, vector<16xf32>,
        %parallel_loop3A_326 = arith.index_cast %parallel_loop3A_280 : i32 to index
        %parallel_loop3A_327 = arith.constant 96 : index
        %parallel_loop3A_328 = tpu.vector_load %arg17[%parallel_loop3A_326, %parallel_loop3A_327] {strides = array<i32>} : memref<80x128xf32, #tpu.memory_space<vmem>>, vector<16xf32>,
        %parallel_loop3A_329 = arith.mulf %parallel_loop3A_325, %parallel_loop3A_328 : vector<16xf32>
        %parallel_loop3A_330 = arith.index_cast %parallel_loop3A_280 : i32 to index
        %parallel_loop3A_331 = arith.constant 112 : index
        %parallel_loop3A_332 = tpu.vector_load %arg15[%parallel_loop3A_330, %parallel_loop3A_331] {strides = array<i32>} : memref<80x128xf32, #tpu.memory_space<vmem>>, vector<16xf32>,
        %parallel_loop3A_333 = arith.index_cast %parallel_loop3A_280 : i32 to index
        %parallel_loop3A_334 = arith.constant 112 : index
        %parallel_loop3A_335 = tpu.vector_load %arg17[%parallel_loop3A_333, %parallel_loop3A_334] {strides = array<i32>} : memref<80x128xf32, #tpu.memory_space<vmem>>, vector<16xf32>,
        %parallel_loop3A_336 = arith.mulf %parallel_loop3A_332, %parallel_loop3A_335 : vector<16xf32>
        %parallel_loop3A_337 = arith.addf %parallel_loop3A_287, %parallel_loop3A_294 : vector<16xf32>
        %parallel_loop3A_338 = arith.addf %parallel_loop3A_301, %parallel_loop3A_308 : vector<16xf32>
        %parallel_loop3A_339 = arith.addf %parallel_loop3A_315, %parallel_loop3A_322 : vector<16xf32>
        %parallel_loop3A_340 = arith.addf %parallel_loop3A_329, %parallel_loop3A_336 : vector<16xf32>
        %parallel_loop3A_341 = arith.addf %parallel_loop3A_337, %parallel_loop3A_338 : vector<16xf32>
        %parallel_loop3A_342 = arith.addf %parallel_loop3A_339, %parallel_loop3A_340 : vector<16xf32>
        %parallel_loop3A_343 = arith.addf %parallel_loop3A_341, %parallel_loop3A_342 : vector<16xf32>
        %parallel_loop3A_344 = arith.constant 16 : i32
        %parallel_loop3A_345 = arith.muli %parallel_loop3A_280, %parallel_loop3A_344 : i32
        %parallel_loop3A_346 = arith.index_cast %parallel_loop3A_345 : i32 to index
        %parallel_loop3A_347 = tpu.vector_load %arg21[%parallel_loop3A_346] {strides = array<i32>} : memref<1280xf32, #tpu.memory_space<vmem>>, vector<16xf32>,
        tpu.vector_store %arg21[%parallel_loop3A_346], %parallel_loop3A_343 {strides = array<i32>} : memref<1280xf32, #tpu.memory_space<vmem>>, vector<16xf32>,
      } {sc.loop_unroll_factor = 4 : i64, sc.parallel_access}
      %parallel_loop3A_219 = arith.constant 0 : i32
      %parallel_loop3A_220 = arith.constant 5 : i32
      %parallel_loop3A_221 = arith.constant 1 : i32
      scf.for %parallel_loop3A_280 = %parallel_loop3A_219 to %parallel_loop3A_220 step %parallel_loop3A_221  : i32 {
        %parallel_loop3A_281 = tpu.iota {dimensions = array<i32: 0>} : vector<16xi32>
        %parallel_loop3A_282 = arith.constant 16 : i32
        %parallel_loop3A_283 = vector.broadcast %parallel_loop3A_282 : i32 to vector<16xi32>
        %parallel_loop3A_284 = arith.muli %parallel_loop3A_281, %parallel_loop3A_283 : vector<16xi32>
        %parallel_loop3A_285 = arith.constant 256 : i32
        %parallel_loop3A_286 = arith.muli %parallel_loop3A_280, %parallel_loop3A_285 : i32
        %parallel_loop3A_287 = vector.broadcast %parallel_loop3A_286 : i32 to vector<16xi32>
        %parallel_loop3A_288 = arith.addi %parallel_loop3A_284, %parallel_loop3A_287 : vector<16xi32>
        %parallel_loop3A_289 = arith.constant 0.000000e+00 : f32
        %parallel_loop3A_290 = vector.broadcast %parallel_loop3A_289 : f32 to vector<16xf32>
        %parallel_loop3A_291 = arith.constant 0 : i32
        %parallel_loop3A_292 = vector.broadcast %parallel_loop3A_291 : i32 to vector<16xi32>
        %parallel_loop3A_293 = arith.addi %parallel_loop3A_288, %parallel_loop3A_292 : vector<16xi32>
        %parallel_loop3A_294 = tpu.vector_load_idx %arg21[%parallel_loop3A_293] : memref<1280xf32, #tpu.memory_space<vmem>>[vector<16xi32>], vector<16xf32>,
        %parallel_loop3A_295 = arith.addf %parallel_loop3A_290, %parallel_loop3A_294 : vector<16xf32>
        %parallel_loop3A_296 = arith.constant 1 : i32
        %parallel_loop3A_297 = vector.broadcast %parallel_loop3A_296 : i32 to vector<16xi32>
        %parallel_loop3A_298 = arith.addi %parallel_loop3A_288, %parallel_loop3A_297 : vector<16xi32>
        %parallel_loop3A_299 = tpu.vector_load_idx %arg21[%parallel_loop3A_298] : memref<1280xf32, #tpu.memory_space<vmem>>[vector<16xi32>], vector<16xf32>,
        %parallel_loop3A_300 = arith.addf %parallel_loop3A_295, %parallel_loop3A_299 : vector<16xf32>
        %parallel_loop3A_301 = arith.constant 2 : i32
        %parallel_loop3A_302 = vector.broadcast %parallel_loop3A_301 : i32 to vector<16xi32>
        %parallel_loop3A_303 = arith.addi %parallel_loop3A_288, %parallel_loop3A_302 : vector<16xi32>
        %parallel_loop3A_304 = tpu.vector_load_idx %arg21[%parallel_loop3A_303] : memref<1280xf32, #tpu.memory_space<vmem>>[vector<16xi32>], vector<16xf32>,
        %parallel_loop3A_305 = arith.addf %parallel_loop3A_300, %parallel_loop3A_304 : vector<16xf32>
        %parallel_loop3A_306 = arith.constant 3 : i32
        %parallel_loop3A_307 = vector.broadcast %parallel_loop3A_306 : i32 to vector<16xi32>
        %parallel_loop3A_308 = arith.addi %parallel_loop3A_288, %parallel_loop3A_307 : vector<16xi32>
        %parallel_loop3A_309 = tpu.vector_load_idx %arg21[%parallel_loop3A_308] : memref<1280xf32, #tpu.memory_space<vmem>>[vector<16xi32>], vector<16xf32>,
        %parallel_loop3A_310 = arith.addf %parallel_loop3A_305, %parallel_loop3A_309 : vector<16xf32>
        %parallel_loop3A_311 = arith.constant 4 : i32
        %parallel_loop3A_312 = vector.broadcast %parallel_loop3A_311 : i32 to vector<16xi32>
        %parallel_loop3A_313 = arith.addi %parallel_loop3A_288, %parallel_loop3A_312 : vector<16xi32>
        %parallel_loop3A_314 = tpu.vector_load_idx %arg21[%parallel_loop3A_313] : memref<1280xf32, #tpu.memory_space<vmem>>[vector<16xi32>], vector<16xf32>,
        %parallel_loop3A_315 = arith.addf %parallel_loop3A_310, %parallel_loop3A_314 : vector<16xf32>
        %parallel_loop3A_316 = arith.constant 5 : i32
        %parallel_loop3A_317 = vector.broadcast %parallel_loop3A_316 : i32 to vector<16xi32>
        %parallel_loop3A_318 = arith.addi %parallel_loop3A_288, %parallel_loop3A_317 : vector<16xi32>
        %parallel_loop3A_319 = tpu.vector_load_idx %arg21[%parallel_loop3A_318] : memref<1280xf32, #tpu.memory_space<vmem>>[vector<16xi32>], vector<16xf32>,
        %parallel_loop3A_320 = arith.addf %parallel_loop3A_315, %parallel_loop3A_319 : vector<16xf32>
        %parallel_loop3A_321 = arith.constant 6 : i32
        %parallel_loop3A_322 = vector.broadcast %parallel_loop3A_321 : i32 to vector<16xi32>
        %parallel_loop3A_323 = arith.addi %parallel_loop3A_288, %parallel_loop3A_322 : vector<16xi32>
        %parallel_loop3A_324 = tpu.vector_load_idx %arg21[%parallel_loop3A_323] : memref<1280xf32, #tpu.memory_space<vmem>>[vector<16xi32>], vector<16xf32>,
        %parallel_loop3A_325 = arith.addf %parallel_loop3A_320, %parallel_loop3A_324 : vector<16xf32>
        %parallel_loop3A_326 = arith.constant 7 : i32
        %parallel_loop3A_327 = vector.broadcast %parallel_loop3A_326 : i32 to vector<16xi32>
        %parallel_loop3A_328 = arith.addi %parallel_loop3A_288, %parallel_loop3A_327 : vector<16xi32>
        %parallel_loop3A_329 = tpu.vector_load_idx %arg21[%parallel_loop3A_328] : memref<1280xf32, #tpu.memory_space<vmem>>[vector<16xi32>], vector<16xf32>,
        %parallel_loop3A_330 = arith.addf %parallel_loop3A_325, %parallel_loop3A_329 : vector<16xf32>
        %parallel_loop3A_331 = arith.constant 8 : i32
        %parallel_loop3A_332 = vector.broadcast %parallel_loop3A_331 : i32 to vector<16xi32>
        %parallel_loop3A_333 = arith.addi %parallel_loop3A_288, %parallel_loop3A_332 : vector<16xi32>
        %parallel_loop3A_334 = tpu.vector_load_idx %arg21[%parallel_loop3A_333] : memref<1280xf32, #tpu.memory_space<vmem>>[vector<16xi32>], vector<16xf32>,
        %parallel_loop3A_335 = arith.addf %parallel_loop3A_330, %parallel_loop3A_334 : vector<16xf32>
        %parallel_loop3A_336 = arith.constant 9 : i32
        %parallel_loop3A_337 = vector.broadcast %parallel_loop3A_336 : i32 to vector<16xi32>
        %parallel_loop3A_338 = arith.addi %parallel_loop3A_288, %parallel_loop3A_337 : vector<16xi32>
        %parallel_loop3A_339 = tpu.vector_load_idx %arg21[%parallel_loop3A_338] : memref<1280xf32, #tpu.memory_space<vmem>>[vector<16xi32>], vector<16xf32>,
        %parallel_loop3A_340 = arith.addf %parallel_loop3A_335, %parallel_loop3A_339 : vector<16xf32>
        %parallel_loop3A_341 = arith.constant 10 : i32
        %parallel_loop3A_342 = vector.broadcast %parallel_loop3A_341 : i32 to vector<16xi32>
        %parallel_loop3A_343 = arith.addi %parallel_loop3A_288, %parallel_loop3A_342 : vector<16xi32>
        %parallel_loop3A_344 = tpu.vector_load_idx %arg21[%parallel_loop3A_343] : memref<1280xf32, #tpu.memory_space<vmem>>[vector<16xi32>], vector<16xf32>,
        %parallel_loop3A_345 = arith.addf %parallel_loop3A_340, %parallel_loop3A_344 : vector<16xf32>
        %parallel_loop3A_346 = arith.constant 11 : i32
        %parallel_loop3A_347 = vector.broadcast %parallel_loop3A_346 : i32 to vector<16xi32>
        %parallel_loop3A_348 = arith.addi %parallel_loop3A_288, %parallel_loop3A_347 : vector<16xi32>
        %parallel_loop3A_349 = tpu.vector_load_idx %arg21[%parallel_loop3A_348] : memref<1280xf32, #tpu.memory_space<vmem>>[vector<16xi32>], vector<16xf32>,
        %parallel_loop3A_350 = arith.addf %parallel_loop3A_345, %parallel_loop3A_349 : vector<16xf32>
        %parallel_loop3A_351 = arith.constant 12 : i32
        %parallel_loop3A_352 = vector.broadcast %parallel_loop3A_351 : i32 to vector<16xi32>
        %parallel_loop3A_353 = arith.addi %parallel_loop3A_288, %parallel_loop3A_352 : vector<16xi32>
        %parallel_loop3A_354 = tpu.vector_load_idx %arg21[%parallel_loop3A_353] : memref<1280xf32, #tpu.memory_space<vmem>>[vector<16xi32>], vector<16xf32>,
        %parallel_loop3A_355 = arith.addf %parallel_loop3A_350, %parallel_loop3A_354 : vector<16xf32>
        %parallel_loop3A_356 = arith.constant 13 : i32
        %parallel_loop3A_357 = vector.broadcast %parallel_loop3A_356 : i32 to vector<16xi32>
        %parallel_loop3A_358 = arith.addi %parallel_loop3A_288, %parallel_loop3A_357 : vector<16xi32>
        %parallel_loop3A_359 = tpu.vector_load_idx %arg21[%parallel_loop3A_358] : memref<1280xf32, #tpu.memory_space<vmem>>[vector<16xi32>], vector<16xf32>,
        %parallel_loop3A_360 = arith.addf %parallel_loop3A_355, %parallel_loop3A_359 : vector<16xf32>
        %parallel_loop3A_361 = arith.constant 14 : i32
        %parallel_loop3A_362 = vector.broadcast %parallel_loop3A_361 : i32 to vector<16xi32>
        %parallel_loop3A_363 = arith.addi %parallel_loop3A_288, %parallel_loop3A_362 : vector<16xi32>
        %parallel_loop3A_364 = tpu.vector_load_idx %arg21[%parallel_loop3A_363] : memref<1280xf32, #tpu.memory_space<vmem>>[vector<16xi32>], vector<16xf32>,
        %parallel_loop3A_365 = arith.addf %parallel_loop3A_360, %parallel_loop3A_364 : vector<16xf32>
        %parallel_loop3A_366 = arith.constant 15 : i32
        %parallel_loop3A_367 = vector.broadcast %parallel_loop3A_366 : i32 to vector<16xi32>
        %parallel_loop3A_368 = arith.addi %parallel_loop3A_288, %parallel_loop3A_367 : vector<16xi32>
        %parallel_loop3A_369 = tpu.vector_load_idx %arg21[%parallel_loop3A_368] : memref<1280xf32, #tpu.memory_space<vmem>>[vector<16xi32>], vector<16xf32>,
        %parallel_loop3A_370 = arith.addf %parallel_loop3A_365, %parallel_loop3A_369 : vector<16xf32>
        %parallel_loop3A_371 = arith.constant 16 : i32
        %parallel_loop3A_372 = arith.muli %parallel_loop3A_280, %parallel_loop3A_371 : i32
        %parallel_loop3A_373 = arith.index_cast %parallel_loop3A_372 : i32 to index
        %parallel_loop3A_374 = tpu.vector_load %arg19[%parallel_loop3A_373] {strides = array<i32>} : memref<80xf32, #tpu.memory_space<vmem>>, vector<16xf32>,
        tpu.vector_store %arg19[%parallel_loop3A_373], %parallel_loop3A_370 {strides = array<i32>} : memref<80xf32, #tpu.memory_space<vmem>>, vector<16xf32>,
      } {sc.loop_unroll_factor = 1 : i64, sc.parallel_access}
      %mul3A_222 = arith.constant 80 : i32
      %mul3A_223 = arith.muli %add3A_191, %mul3A_222 : i32
      %add3A_224 = arith.addi %mul3A_2, %mul3A_223 : i32
      %dma_start3A_225 = tpu.memref_slice %arg5[%add3A_224] : memref<320000xf32, #tpu.memory_space<hbm>> -> memref<80xf32, #tpu.memory_space<hbm>>
      %dma_start3A_226 = tpu.memref_slice %arg5[%add3A_224] : memref<320000xf32, #tpu.memory_space<hbm>> -> memref<80xf32, #tpu.memory_space<hbm>>
      tpu.enqueue_dma source(%arg19 : memref<80xf32, #tpu.memory_space<vmem>>) target(%dma_start3A_226 : memref<80xf32, #tpu.memory_space<hbm>>) target_semaphore(%arg28 : memref<!tpu.dma_semaphore, #tpu.memory_space<semaphore_mem>>)
      %add3A_227 = arith.constant 2 : i32
      %add3A_228 = arith.addi %add3A_191, %add3A_227 : i32
      %lt3A_229 = arith.constant 125 : i32
      %lt3A_230 = arith.cmpi slt, %add3A_228, %lt3A_229 : i32
      %convert_element_type3A_231 = arith.extui %lt3A_230 : i1 to i32
      %cond3A_232 = arith.constant 0 : i32
      %cond3A_233 = arith.cmpi ne, %convert_element_type3A_231, %cond3A_232 : i32
      scf.if %cond3A_233 {
        %dma_wait3A_280 = arith.constant 0 : i32
        %dma_wait3A_281 = tpu.memref_slice %arg2[%dma_wait3A_280] : memref<320000xi32, #tpu.memory_space<hbm>> -> memref<80xi32, #tpu.memory_space<hbm>>
        %dma_wait3A_282 = arith.constant 0 : i32
        %dma_wait3A_283 = tpu.memref_slice %arg2[%dma_wait3A_282] : memref<320000xi32, #tpu.memory_space<hbm>> -> memref<80xi32, #tpu.memory_space<hbm>>
        tpu.wait_dma2 semaphore(%arg22 : memref<!tpu.dma_semaphore, #tpu.memory_space<semaphore_mem>>) src(%dma_wait3A_283 : memref<80xi32, #tpu.memory_space<hbm>>) dst(%arg7 : memref<80xi32, #tpu.memory_space<vmem>>)
        %dma_wait3A_284 = arith.constant 0 : i32
        %dma_wait3A_285 = tpu.memref_slice %arg3[%dma_wait3A_284] : memref<320000xi32, #tpu.memory_space<hbm>> -> memref<80xi32, #tpu.memory_space<hbm>>
        %dma_wait3A_286 = arith.constant 0 : i32
        %dma_wait3A_287 = tpu.memref_slice %arg3[%dma_wait3A_286] : memref<320000xi32, #tpu.memory_space<hbm>> -> memref<80xi32, #tpu.memory_space<hbm>>
        tpu.wait_dma2 semaphore(%arg22 : memref<!tpu.dma_semaphore, #tpu.memory_space<semaphore_mem>>) src(%dma_wait3A_287 : memref<80xi32, #tpu.memory_space<hbm>>) dst(%arg11 : memref<80xi32, #tpu.memory_space<vmem>>)
        %dma_start3A_288 = arith.constant 0 : i32
        %dma_start3A_289 = arith.constant 0 : i32
        %dma_start3A_290 = tpu.memref_slice %arg6[%dma_start3A_288, %dma_start3A_289] : memref<10000x128xf32, #tpu.memory_space<vmem_shared>> -> memref<10000x128xf32, #tpu.memory_space<vmem_shared>>
        tpu.enqueue_indirect_dma source(%dma_start3A_290 : memref<10000x128xf32, #tpu.memory_space<vmem_shared>>) target(%arg15 : memref<80x128xf32, #tpu.memory_space<vmem>>) offsets(%arg7 : memref<80xi32, #tpu.memory_space<vmem>>) semaphore(%arg26 : memref<!tpu.dma_semaphore, #tpu.memory_space<semaphore_mem>>)
        %dma_start3A_291 = arith.constant 0 : i32
        %dma_start3A_292 = arith.constant 0 : i32
        %dma_start3A_293 = tpu.memref_slice %arg6[%dma_start3A_291, %dma_start3A_292] : memref<10000x128xf32, #tpu.memory_space<vmem_shared>> -> memref<10000x128xf32, #tpu.memory_space<vmem_shared>>
        tpu.enqueue_indirect_dma source(%dma_start3A_293 : memref<10000x128xf32, #tpu.memory_space<vmem_shared>>) target(%arg17 : memref<80x128xf32, #tpu.memory_space<vmem>>) offsets(%arg11 : memref<80xi32, #tpu.memory_space<vmem>>) semaphore(%arg26 : memref<!tpu.dma_semaphore, #tpu.memory_space<semaphore_mem>>)
      } else {
      }
      %mul3A_234 = arith.constant 4 : i32
      %mul3A_235 = arith.muli %scan3A_97, %mul3A_234 : i32
      %add3A_236 = arith.constant 3 : i32
      %add3A_237 = arith.addi %mul3A_235, %add3A_236 : i32
      %dma_wait3A_238 = arith.constant 0 : i32
      %dma_wait3A_239 = arith.constant 0 : i32
      %dma_wait3A_240 = tpu.memref_slice %arg4[%dma_wait3A_238, %dma_wait3A_239] : memref<10000x128xf32, #tpu.memory_space<hbm>> -> memref<80x128xf32, #tpu.memory_space<hbm>>
      %dma_wait3A_241 = arith.constant 0 : i32
      %dma_wait3A_242 = arith.constant 0 : i32
      %dma_wait3A_243 = tpu.memref_slice %arg4[%dma_wait3A_241, %dma_wait3A_242] : memref<10000x128xf32, #tpu.memory_space<hbm>> -> memref<80x128xf32, #tpu.memory_space<hbm>>
      tpu.wait_dma2 semaphore(%arg27 : memref<!tpu.dma_semaphore, #tpu.memory_space<semaphore_mem>>) src(%dma_wait3A_243 : memref<80x128xf32, #tpu.memory_space<hbm>>) dst(%arg16 : memref<80x128xf32, #tpu.memory_space<vmem>>)
      %dma_wait3A_244 = arith.constant 0 : i32
      %dma_wait3A_245 = arith.constant 0 : i32
      %dma_wait3A_246 = tpu.memref_slice %arg4[%dma_wait3A_244, %dma_wait3A_245] : memref<10000x128xf32, #tpu.memory_space<hbm>> -> memref<80x128xf32, #tpu.memory_space<hbm>>
      %dma_wait3A_247 = arith.constant 0 : i32
      %dma_wait3A_248 = arith.constant 0 : i32
      %dma_wait3A_249 = tpu.memref_slice %arg4[%dma_wait3A_247, %dma_wait3A_248] : memref<10000x128xf32, #tpu.memory_space<hbm>> -> memref<80x128xf32, #tpu.memory_space<hbm>>
      tpu.wait_dma2 semaphore(%arg27 : memref<!tpu.dma_semaphore, #tpu.memory_space<semaphore_mem>>) src(%dma_wait3A_249 : memref<80x128xf32, #tpu.memory_space<hbm>>) dst(%arg18 : memref<80x128xf32, #tpu.memory_space<vmem>>)
      %add3A_250 = arith.constant 4 : i32
      %add3A_251 = arith.addi %add3A_237, %add3A_250 : i32
      %lt3A_252 = arith.constant 125 : i32
      %lt3A_253 = arith.cmpi slt, %add3A_251, %lt3A_252 : i32
      %convert_element_type3A_254 = arith.extui %lt3A_253 : i1 to i32
      %cond3A_255 = arith.constant 0 : i32
      %cond3A_256 = arith.cmpi ne, %convert_element_type3A_254, %cond3A_255 : i32
      scf.if %cond3A_256 {
        %add3A_280 = arith.constant 4 : i32
        %add3A_281 = arith.addi %add3A_237, %add3A_280 : i32
        %mul3A_282 = arith.constant 80 : i32
        %mul3A_283 = arith.muli %add3A_281, %mul3A_282 : i32
        %add3A_284 = arith.addi %mul3A_2, %mul3A_283 : i32
        %dma_start3A_285 = tpu.memref_slice %arg2[%add3A_284] : memref<320000xi32, #tpu.memory_space<hbm>> -> memref<80xi32, #tpu.memory_space<hbm>>
        %dma_start3A_286 = tpu.memref_slice %arg2[%add3A_284] : memref<320000xi32, #tpu.memory_space<hbm>> -> memref<80xi32, #tpu.memory_space<hbm>>
        tpu.enqueue_dma source(%dma_start3A_286 : memref<80xi32, #tpu.memory_space<hbm>>) target(%arg10 : memref<80xi32, #tpu.memory_space<vmem>>) target_semaphore(%arg25 : memref<!tpu.dma_semaphore, #tpu.memory_space<semaphore_mem>>)
        %dma_start3A_287 = tpu.memref_slice %arg3[%add3A_284] : memref<320000xi32, #tpu.memory_space<hbm>> -> memref<80xi32, #tpu.memory_space<hbm>>
        %dma_start3A_288 = tpu.memref_slice %arg3[%add3A_284] : memref<320000xi32, #tpu.memory_space<hbm>> -> memref<80xi32, #tpu.memory_space<hbm>>
        tpu.enqueue_dma source(%dma_start3A_288 : memref<80xi32, #tpu.memory_space<hbm>>) target(%arg14 : memref<80xi32, #tpu.memory_space<vmem>>) target_semaphore(%arg25 : memref<!tpu.dma_semaphore, #tpu.memory_space<semaphore_mem>>)
      } else {
      }
      %ge3A_257 = arith.constant 2 : i32
      %ge3A_258 = arith.cmpi sge, %add3A_237, %ge3A_257 : i32
      %convert_element_type3A_259 = arith.extui %ge3A_258 : i1 to i32
      %cond3A_260 = arith.constant 0 : i32
      %cond3A_261 = arith.cmpi ne, %convert_element_type3A_259, %cond3A_260 : i32
      scf.if %cond3A_261 {
        %dma_wait3A_280 = arith.constant 0 : i32
        %dma_wait3A_281 = tpu.memref_slice %arg5[%dma_wait3A_280] : memref<320000xf32, #tpu.memory_space<hbm>> -> memref<80xf32, #tpu.memory_space<hbm>>
        %dma_wait3A_282 = arith.constant 0 : i32
        %dma_wait3A_283 = tpu.memref_slice %arg5[%dma_wait3A_282] : memref<320000xf32, #tpu.memory_space<hbm>> -> memref<80xf32, #tpu.memory_space<hbm>>
        tpu.wait_dma2 semaphore(%arg29 : memref<!tpu.dma_semaphore, #tpu.memory_space<semaphore_mem>>) src(%arg20 : memref<80xf32, #tpu.memory_space<vmem>>) dst(%dma_wait3A_283 : memref<80xf32, #tpu.memory_space<hbm>>)
      } else {
      }
      %parallel_loop3A_262 = arith.constant 0 : i32
      %parallel_loop3A_263 = arith.constant 80 : i32
      %parallel_loop3A_264 = arith.constant 1 : i32
      scf.for %parallel_loop3A_280 = %parallel_loop3A_262 to %parallel_loop3A_263 step %parallel_loop3A_264  : i32 {
        %parallel_loop3A_281 = arith.index_cast %parallel_loop3A_280 : i32 to index
        %parallel_loop3A_282 = arith.constant 0 : index
        %parallel_loop3A_283 = tpu.vector_load %arg16[%parallel_loop3A_281, %parallel_loop3A_282] {strides = array<i32>} : memref<80x128xf32, #tpu.memory_space<vmem>>, vector<16xf32>,
        %parallel_loop3A_284 = arith.index_cast %parallel_loop3A_280 : i32 to index
        %parallel_loop3A_285 = arith.constant 0 : index
        %parallel_loop3A_286 = tpu.vector_load %arg18[%parallel_loop3A_284, %parallel_loop3A_285] {strides = array<i32>} : memref<80x128xf32, #tpu.memory_space<vmem>>, vector<16xf32>,
        %parallel_loop3A_287 = arith.mulf %parallel_loop3A_283, %parallel_loop3A_286 : vector<16xf32>
        %parallel_loop3A_288 = arith.index_cast %parallel_loop3A_280 : i32 to index
        %parallel_loop3A_289 = arith.constant 16 : index
        %parallel_loop3A_290 = tpu.vector_load %arg16[%parallel_loop3A_288, %parallel_loop3A_289] {strides = array<i32>} : memref<80x128xf32, #tpu.memory_space<vmem>>, vector<16xf32>,
        %parallel_loop3A_291 = arith.index_cast %parallel_loop3A_280 : i32 to index
        %parallel_loop3A_292 = arith.constant 16 : index
        %parallel_loop3A_293 = tpu.vector_load %arg18[%parallel_loop3A_291, %parallel_loop3A_292] {strides = array<i32>} : memref<80x128xf32, #tpu.memory_space<vmem>>, vector<16xf32>,
        %parallel_loop3A_294 = arith.mulf %parallel_loop3A_290, %parallel_loop3A_293 : vector<16xf32>
        %parallel_loop3A_295 = arith.index_cast %parallel_loop3A_280 : i32 to index
        %parallel_loop3A_296 = arith.constant 32 : index
        %parallel_loop3A_297 = tpu.vector_load %arg16[%parallel_loop3A_295, %parallel_loop3A_296] {strides = array<i32>} : memref<80x128xf32, #tpu.memory_space<vmem>>, vector<16xf32>,
        %parallel_loop3A_298 = arith.index_cast %parallel_loop3A_280 : i32 to index
        %parallel_loop3A_299 = arith.constant 32 : index
        %parallel_loop3A_300 = tpu.vector_load %arg18[%parallel_loop3A_298, %parallel_loop3A_299] {strides = array<i32>} : memref<80x128xf32, #tpu.memory_space<vmem>>, vector<16xf32>,
        %parallel_loop3A_301 = arith.mulf %parallel_loop3A_297, %parallel_loop3A_300 : vector<16xf32>
        %parallel_loop3A_302 = arith.index_cast %parallel_loop3A_280 : i32 to index
        %parallel_loop3A_303 = arith.constant 48 : index
        %parallel_loop3A_304 = tpu.vector_load %arg16[%parallel_loop3A_302, %parallel_loop3A_303] {strides = array<i32>} : memref<80x128xf32, #tpu.memory_space<vmem>>, vector<16xf32>,
        %parallel_loop3A_305 = arith.index_cast %parallel_loop3A_280 : i32 to index
        %parallel_loop3A_306 = arith.constant 48 : index
        %parallel_loop3A_307 = tpu.vector_load %arg18[%parallel_loop3A_305, %parallel_loop3A_306] {strides = array<i32>} : memref<80x128xf32, #tpu.memory_space<vmem>>, vector<16xf32>,
        %parallel_loop3A_308 = arith.mulf %parallel_loop3A_304, %parallel_loop3A_307 : vector<16xf32>
        %parallel_loop3A_309 = arith.index_cast %parallel_loop3A_280 : i32 to index
        %parallel_loop3A_310 = arith.constant 64 : index
        %parallel_loop3A_311 = tpu.vector_load %arg16[%parallel_loop3A_309, %parallel_loop3A_310] {strides = array<i32>} : memref<80x128xf32, #tpu.memory_space<vmem>>, vector<16xf32>,
        %parallel_loop3A_312 = arith.index_cast %parallel_loop3A_280 : i32 to index
        %parallel_loop3A_313 = arith.constant 64 : index
        %parallel_loop3A_314 = tpu.vector_load %arg18[%parallel_loop3A_312, %parallel_loop3A_313] {strides = array<i32>} : memref<80x128xf32, #tpu.memory_space<vmem>>, vector<16xf32>,
        %parallel_loop3A_315 = arith.mulf %parallel_loop3A_311, %parallel_loop3A_314 : vector<16xf32>
        %parallel_loop3A_316 = arith.index_cast %parallel_loop3A_280 : i32 to index
        %parallel_loop3A_317 = arith.constant 80 : index
        %parallel_loop3A_318 = tpu.vector_load %arg16[%parallel_loop3A_316, %parallel_loop3A_317] {strides = array<i32>} : memref<80x128xf32, #tpu.memory_space<vmem>>, vector<16xf32>,
        %parallel_loop3A_319 = arith.index_cast %parallel_loop3A_280 : i32 to index
        %parallel_loop3A_320 = arith.constant 80 : index
        %parallel_loop3A_321 = tpu.vector_load %arg18[%parallel_loop3A_319, %parallel_loop3A_320] {strides = array<i32>} : memref<80x128xf32, #tpu.memory_space<vmem>>, vector<16xf32>,
        %parallel_loop3A_322 = arith.mulf %parallel_loop3A_318, %parallel_loop3A_321 : vector<16xf32>
        %parallel_loop3A_323 = arith.index_cast %parallel_loop3A_280 : i32 to index
        %parallel_loop3A_324 = arith.constant 96 : index
        %parallel_loop3A_325 = tpu.vector_load %arg16[%parallel_loop3A_323, %parallel_loop3A_324] {strides = array<i32>} : memref<80x128xf32, #tpu.memory_space<vmem>>, vector<16xf32>,
        %parallel_loop3A_326 = arith.index_cast %parallel_loop3A_280 : i32 to index
        %parallel_loop3A_327 = arith.constant 96 : index
        %parallel_loop3A_328 = tpu.vector_load %arg18[%parallel_loop3A_326, %parallel_loop3A_327] {strides = array<i32>} : memref<80x128xf32, #tpu.memory_space<vmem>>, vector<16xf32>,
        %parallel_loop3A_329 = arith.mulf %parallel_loop3A_325, %parallel_loop3A_328 : vector<16xf32>
        %parallel_loop3A_330 = arith.index_cast %parallel_loop3A_280 : i32 to index
        %parallel_loop3A_331 = arith.constant 112 : index
        %parallel_loop3A_332 = tpu.vector_load %arg16[%parallel_loop3A_330, %parallel_loop3A_331] {strides = array<i32>} : memref<80x128xf32, #tpu.memory_space<vmem>>, vector<16xf32>,
        %parallel_loop3A_333 = arith.index_cast %parallel_loop3A_280 : i32 to index
        %parallel_loop3A_334 = arith.constant 112 : index
        %parallel_loop3A_335 = tpu.vector_load %arg18[%parallel_loop3A_333, %parallel_loop3A_334] {strides = array<i32>} : memref<80x128xf32, #tpu.memory_space<vmem>>, vector<16xf32>,
        %parallel_loop3A_336 = arith.mulf %parallel_loop3A_332, %parallel_loop3A_335 : vector<16xf32>
        %parallel_loop3A_337 = arith.addf %parallel_loop3A_287, %parallel_loop3A_294 : vector<16xf32>
        %parallel_loop3A_338 = arith.addf %parallel_loop3A_301, %parallel_loop3A_308 : vector<16xf32>
        %parallel_loop3A_339 = arith.addf %parallel_loop3A_315, %parallel_loop3A_322 : vector<16xf32>
        %parallel_loop3A_340 = arith.addf %parallel_loop3A_329, %parallel_loop3A_336 : vector<16xf32>
        %parallel_loop3A_341 = arith.addf %parallel_loop3A_337, %parallel_loop3A_338 : vector<16xf32>
        %parallel_loop3A_342 = arith.addf %parallel_loop3A_339, %parallel_loop3A_340 : vector<16xf32>
        %parallel_loop3A_343 = arith.addf %parallel_loop3A_341, %parallel_loop3A_342 : vector<16xf32>
        %parallel_loop3A_344 = arith.constant 16 : i32
        %parallel_loop3A_345 = arith.muli %parallel_loop3A_280, %parallel_loop3A_344 : i32
        %parallel_loop3A_346 = arith.index_cast %parallel_loop3A_345 : i32 to index
        %parallel_loop3A_347 = tpu.vector_load %arg21[%parallel_loop3A_346] {strides = array<i32>} : memref<1280xf32, #tpu.memory_space<vmem>>, vector<16xf32>,
        tpu.vector_store %arg21[%parallel_loop3A_346], %parallel_loop3A_343 {strides = array<i32>} : memref<1280xf32, #tpu.memory_space<vmem>>, vector<16xf32>,
      } {sc.loop_unroll_factor = 4 : i64, sc.parallel_access}
      %parallel_loop3A_265 = arith.constant 0 : i32
      %parallel_loop3A_266 = arith.constant 5 : i32
      %parallel_loop3A_267 = arith.constant 1 : i32
      scf.for %parallel_loop3A_280 = %parallel_loop3A_265 to %parallel_loop3A_266 step %parallel_loop3A_267  : i32 {
        %parallel_loop3A_281 = tpu.iota {dimensions = array<i32: 0>} : vector<16xi32>
        %parallel_loop3A_282 = arith.constant 16 : i32
        %parallel_loop3A_283 = vector.broadcast %parallel_loop3A_282 : i32 to vector<16xi32>
        %parallel_loop3A_284 = arith.muli %parallel_loop3A_281, %parallel_loop3A_283 : vector<16xi32>
        %parallel_loop3A_285 = arith.constant 256 : i32
        %parallel_loop3A_286 = arith.muli %parallel_loop3A_280, %parallel_loop3A_285 : i32
        %parallel_loop3A_287 = vector.broadcast %parallel_loop3A_286 : i32 to vector<16xi32>
        %parallel_loop3A_288 = arith.addi %parallel_loop3A_284, %parallel_loop3A_287 : vector<16xi32>
        %parallel_loop3A_289 = arith.constant 0.000000e+00 : f32
        %parallel_loop3A_290 = vector.broadcast %parallel_loop3A_289 : f32 to vector<16xf32>
        %parallel_loop3A_291 = arith.constant 0 : i32
        %parallel_loop3A_292 = vector.broadcast %parallel_loop3A_291 : i32 to vector<16xi32>
        %parallel_loop3A_293 = arith.addi %parallel_loop3A_288, %parallel_loop3A_292 : vector<16xi32>
        %parallel_loop3A_294 = tpu.vector_load_idx %arg21[%parallel_loop3A_293] : memref<1280xf32, #tpu.memory_space<vmem>>[vector<16xi32>], vector<16xf32>,
        %parallel_loop3A_295 = arith.addf %parallel_loop3A_290, %parallel_loop3A_294 : vector<16xf32>
        %parallel_loop3A_296 = arith.constant 1 : i32
        %parallel_loop3A_297 = vector.broadcast %parallel_loop3A_296 : i32 to vector<16xi32>
        %parallel_loop3A_298 = arith.addi %parallel_loop3A_288, %parallel_loop3A_297 : vector<16xi32>
        %parallel_loop3A_299 = tpu.vector_load_idx %arg21[%parallel_loop3A_298] : memref<1280xf32, #tpu.memory_space<vmem>>[vector<16xi32>], vector<16xf32>,
        %parallel_loop3A_300 = arith.addf %parallel_loop3A_295, %parallel_loop3A_299 : vector<16xf32>
        %parallel_loop3A_301 = arith.constant 2 : i32
        %parallel_loop3A_302 = vector.broadcast %parallel_loop3A_301 : i32 to vector<16xi32>
        %parallel_loop3A_303 = arith.addi %parallel_loop3A_288, %parallel_loop3A_302 : vector<16xi32>
        %parallel_loop3A_304 = tpu.vector_load_idx %arg21[%parallel_loop3A_303] : memref<1280xf32, #tpu.memory_space<vmem>>[vector<16xi32>], vector<16xf32>,
        %parallel_loop3A_305 = arith.addf %parallel_loop3A_300, %parallel_loop3A_304 : vector<16xf32>
        %parallel_loop3A_306 = arith.constant 3 : i32
        %parallel_loop3A_307 = vector.broadcast %parallel_loop3A_306 : i32 to vector<16xi32>
        %parallel_loop3A_308 = arith.addi %parallel_loop3A_288, %parallel_loop3A_307 : vector<16xi32>
        %parallel_loop3A_309 = tpu.vector_load_idx %arg21[%parallel_loop3A_308] : memref<1280xf32, #tpu.memory_space<vmem>>[vector<16xi32>], vector<16xf32>,
        %parallel_loop3A_310 = arith.addf %parallel_loop3A_305, %parallel_loop3A_309 : vector<16xf32>
        %parallel_loop3A_311 = arith.constant 4 : i32
        %parallel_loop3A_312 = vector.broadcast %parallel_loop3A_311 : i32 to vector<16xi32>
        %parallel_loop3A_313 = arith.addi %parallel_loop3A_288, %parallel_loop3A_312 : vector<16xi32>
        %parallel_loop3A_314 = tpu.vector_load_idx %arg21[%parallel_loop3A_313] : memref<1280xf32, #tpu.memory_space<vmem>>[vector<16xi32>], vector<16xf32>,
        %parallel_loop3A_315 = arith.addf %parallel_loop3A_310, %parallel_loop3A_314 : vector<16xf32>
        %parallel_loop3A_316 = arith.constant 5 : i32
        %parallel_loop3A_317 = vector.broadcast %parallel_loop3A_316 : i32 to vector<16xi32>
        %parallel_loop3A_318 = arith.addi %parallel_loop3A_288, %parallel_loop3A_317 : vector<16xi32>
        %parallel_loop3A_319 = tpu.vector_load_idx %arg21[%parallel_loop3A_318] : memref<1280xf32, #tpu.memory_space<vmem>>[vector<16xi32>], vector<16xf32>,
        %parallel_loop3A_320 = arith.addf %parallel_loop3A_315, %parallel_loop3A_319 : vector<16xf32>
        %parallel_loop3A_321 = arith.constant 6 : i32
        %parallel_loop3A_322 = vector.broadcast %parallel_loop3A_321 : i32 to vector<16xi32>
        %parallel_loop3A_323 = arith.addi %parallel_loop3A_288, %parallel_loop3A_322 : vector<16xi32>
        %parallel_loop3A_324 = tpu.vector_load_idx %arg21[%parallel_loop3A_323] : memref<1280xf32, #tpu.memory_space<vmem>>[vector<16xi32>], vector<16xf32>,
        %parallel_loop3A_325 = arith.addf %parallel_loop3A_320, %parallel_loop3A_324 : vector<16xf32>
        %parallel_loop3A_326 = arith.constant 7 : i32
        %parallel_loop3A_327 = vector.broadcast %parallel_loop3A_326 : i32 to vector<16xi32>
        %parallel_loop3A_328 = arith.addi %parallel_loop3A_288, %parallel_loop3A_327 : vector<16xi32>
        %parallel_loop3A_329 = tpu.vector_load_idx %arg21[%parallel_loop3A_328] : memref<1280xf32, #tpu.memory_space<vmem>>[vector<16xi32>], vector<16xf32>,
        %parallel_loop3A_330 = arith.addf %parallel_loop3A_325, %parallel_loop3A_329 : vector<16xf32>
        %parallel_loop3A_331 = arith.constant 8 : i32
        %parallel_loop3A_332 = vector.broadcast %parallel_loop3A_331 : i32 to vector<16xi32>
        %parallel_loop3A_333 = arith.addi %parallel_loop3A_288, %parallel_loop3A_332 : vector<16xi32>
        %parallel_loop3A_334 = tpu.vector_load_idx %arg21[%parallel_loop3A_333] : memref<1280xf32, #tpu.memory_space<vmem>>[vector<16xi32>], vector<16xf32>,
        %parallel_loop3A_335 = arith.addf %parallel_loop3A_330, %parallel_loop3A_334 : vector<16xf32>
        %parallel_loop3A_336 = arith.constant 9 : i32
        %parallel_loop3A_337 = vector.broadcast %parallel_loop3A_336 : i32 to vector<16xi32>
        %parallel_loop3A_338 = arith.addi %parallel_loop3A_288, %parallel_loop3A_337 : vector<16xi32>
        %parallel_loop3A_339 = tpu.vector_load_idx %arg21[%parallel_loop3A_338] : memref<1280xf32, #tpu.memory_space<vmem>>[vector<16xi32>], vector<16xf32>,
        %parallel_loop3A_340 = arith.addf %parallel_loop3A_335, %parallel_loop3A_339 : vector<16xf32>
        %parallel_loop3A_341 = arith.constant 10 : i32
        %parallel_loop3A_342 = vector.broadcast %parallel_loop3A_341 : i32 to vector<16xi32>
        %parallel_loop3A_343 = arith.addi %parallel_loop3A_288, %parallel_loop3A_342 : vector<16xi32>
        %parallel_loop3A_344 = tpu.vector_load_idx %arg21[%parallel_loop3A_343] : memref<1280xf32, #tpu.memory_space<vmem>>[vector<16xi32>], vector<16xf32>,
        %parallel_loop3A_345 = arith.addf %parallel_loop3A_340, %parallel_loop3A_344 : vector<16xf32>
        %parallel_loop3A_346 = arith.constant 11 : i32
        %parallel_loop3A_347 = vector.broadcast %parallel_loop3A_346 : i32 to vector<16xi32>
        %parallel_loop3A_348 = arith.addi %parallel_loop3A_288, %parallel_loop3A_347 : vector<16xi32>
        %parallel_loop3A_349 = tpu.vector_load_idx %arg21[%parallel_loop3A_348] : memref<1280xf32, #tpu.memory_space<vmem>>[vector<16xi32>], vector<16xf32>,
        %parallel_loop3A_350 = arith.addf %parallel_loop3A_345, %parallel_loop3A_349 : vector<16xf32>
        %parallel_loop3A_351 = arith.constant 12 : i32
        %parallel_loop3A_352 = vector.broadcast %parallel_loop3A_351 : i32 to vector<16xi32>
        %parallel_loop3A_353 = arith.addi %parallel_loop3A_288, %parallel_loop3A_352 : vector<16xi32>
        %parallel_loop3A_354 = tpu.vector_load_idx %arg21[%parallel_loop3A_353] : memref<1280xf32, #tpu.memory_space<vmem>>[vector<16xi32>], vector<16xf32>,
        %parallel_loop3A_355 = arith.addf %parallel_loop3A_350, %parallel_loop3A_354 : vector<16xf32>
        %parallel_loop3A_356 = arith.constant 13 : i32
        %parallel_loop3A_357 = vector.broadcast %parallel_loop3A_356 : i32 to vector<16xi32>
        %parallel_loop3A_358 = arith.addi %parallel_loop3A_288, %parallel_loop3A_357 : vector<16xi32>
        %parallel_loop3A_359 = tpu.vector_load_idx %arg21[%parallel_loop3A_358] : memref<1280xf32, #tpu.memory_space<vmem>>[vector<16xi32>], vector<16xf32>,
        %parallel_loop3A_360 = arith.addf %parallel_loop3A_355, %parallel_loop3A_359 : vector<16xf32>
        %parallel_loop3A_361 = arith.constant 14 : i32
        %parallel_loop3A_362 = vector.broadcast %parallel_loop3A_361 : i32 to vector<16xi32>
        %parallel_loop3A_363 = arith.addi %parallel_loop3A_288, %parallel_loop3A_362 : vector<16xi32>
        %parallel_loop3A_364 = tpu.vector_load_idx %arg21[%parallel_loop3A_363] : memref<1280xf32, #tpu.memory_space<vmem>>[vector<16xi32>], vector<16xf32>,
        %parallel_loop3A_365 = arith.addf %parallel_loop3A_360, %parallel_loop3A_364 : vector<16xf32>
        %parallel_loop3A_366 = arith.constant 15 : i32
        %parallel_loop3A_367 = vector.broadcast %parallel_loop3A_366 : i32 to vector<16xi32>
        %parallel_loop3A_368 = arith.addi %parallel_loop3A_288, %parallel_loop3A_367 : vector<16xi32>
        %parallel_loop3A_369 = tpu.vector_load_idx %arg21[%parallel_loop3A_368] : memref<1280xf32, #tpu.memory_space<vmem>>[vector<16xi32>], vector<16xf32>,
        %parallel_loop3A_370 = arith.addf %parallel_loop3A_365, %parallel_loop3A_369 : vector<16xf32>
        %parallel_loop3A_371 = arith.constant 16 : i32
        %parallel_loop3A_372 = arith.muli %parallel_loop3A_280, %parallel_loop3A_371 : i32
        %parallel_loop3A_373 = arith.index_cast %parallel_loop3A_372 : i32 to index
        %parallel_loop3A_374 = tpu.vector_load %arg20[%parallel_loop3A_373] {strides = array<i32>} : memref<80xf32, #tpu.memory_space<vmem>>, vector<16xf32>,
        tpu.vector_store %arg20[%parallel_loop3A_373], %parallel_loop3A_370 {strides = array<i32>} : memref<80xf32, #tpu.memory_space<vmem>>, vector<16xf32>,
      } {sc.loop_unroll_factor = 1 : i64, sc.parallel_access}
      %mul3A_268 = arith.constant 80 : i32
      %mul3A_269 = arith.muli %add3A_237, %mul3A_268 : i32
      %add3A_270 = arith.addi %mul3A_2, %mul3A_269 : i32
      %dma_start3A_271 = tpu.memref_slice %arg5[%add3A_270] : memref<320000xf32, #tpu.memory_space<hbm>> -> memref<80xf32, #tpu.memory_space<hbm>>
      %dma_start3A_272 = tpu.memref_slice %arg5[%add3A_270] : memref<320000xf32, #tpu.memory_space<hbm>> -> memref<80xf32, #tpu.memory_space<hbm>>
      tpu.enqueue_dma source(%arg20 : memref<80xf32, #tpu.memory_space<vmem>>) target(%dma_start3A_272 : memref<80xf32, #tpu.memory_space<hbm>>) target_semaphore(%arg29 : memref<!tpu.dma_semaphore, #tpu.memory_space<semaphore_mem>>)
      %add3A_273 = arith.constant 2 : i32
      %add3A_274 = arith.addi %add3A_237, %add3A_273 : i32
      %lt3A_275 = arith.constant 125 : i32
      %lt3A_276 = arith.cmpi slt, %add3A_274, %lt3A_275 : i32
      %convert_element_type3A_277 = arith.extui %lt3A_276 : i1 to i32
      %cond3A_278 = arith.constant 0 : i32
      %cond3A_279 = arith.cmpi ne, %convert_element_type3A_277, %cond3A_278 : i32
      scf.if %cond3A_279 {
        %dma_wait3A_280 = arith.constant 0 : i32
        %dma_wait3A_281 = tpu.memref_slice %arg2[%dma_wait3A_280] : memref<320000xi32, #tpu.memory_space<hbm>> -> memref<80xi32, #tpu.memory_space<hbm>>
        %dma_wait3A_282 = arith.constant 0 : i32
        %dma_wait3A_283 = tpu.memref_slice %arg2[%dma_wait3A_282] : memref<320000xi32, #tpu.memory_space<hbm>> -> memref<80xi32, #tpu.memory_space<hbm>>
        tpu.wait_dma2 semaphore(%arg23 : memref<!tpu.dma_semaphore, #tpu.memory_space<semaphore_mem>>) src(%dma_wait3A_283 : memref<80xi32, #tpu.memory_space<hbm>>) dst(%arg8 : memref<80xi32, #tpu.memory_space<vmem>>)
        %dma_wait3A_284 = arith.constant 0 : i32
        %dma_wait3A_285 = tpu.memref_slice %arg3[%dma_wait3A_284] : memref<320000xi32, #tpu.memory_space<hbm>> -> memref<80xi32, #tpu.memory_space<hbm>>
        %dma_wait3A_286 = arith.constant 0 : i32
        %dma_wait3A_287 = tpu.memref_slice %arg3[%dma_wait3A_286] : memref<320000xi32, #tpu.memory_space<hbm>> -> memref<80xi32, #tpu.memory_space<hbm>>
        tpu.wait_dma2 semaphore(%arg23 : memref<!tpu.dma_semaphore, #tpu.memory_space<semaphore_mem>>) src(%dma_wait3A_287 : memref<80xi32, #tpu.memory_space<hbm>>) dst(%arg12 : memref<80xi32, #tpu.memory_space<vmem>>)
        %dma_start3A_288 = arith.constant 0 : i32
        %dma_start3A_289 = arith.constant 0 : i32
        %dma_start3A_290 = tpu.memref_slice %arg6[%dma_start3A_288, %dma_start3A_289] : memref<10000x128xf32, #tpu.memory_space<vmem_shared>> -> memref<10000x128xf32, #tpu.memory_space<vmem_shared>>
        tpu.enqueue_indirect_dma source(%dma_start3A_290 : memref<10000x128xf32, #tpu.memory_space<vmem_shared>>) target(%arg16 : memref<80x128xf32, #tpu.memory_space<vmem>>) offsets(%arg8 : memref<80xi32, #tpu.memory_space<vmem>>) semaphore(%arg27 : memref<!tpu.dma_semaphore, #tpu.memory_space<semaphore_mem>>)
        %dma_start3A_291 = arith.constant 0 : i32
        %dma_start3A_292 = arith.constant 0 : i32
        %dma_start3A_293 = tpu.memref_slice %arg6[%dma_start3A_291, %dma_start3A_292] : memref<10000x128xf32, #tpu.memory_space<vmem_shared>> -> memref<10000x128xf32, #tpu.memory_space<vmem_shared>>
        tpu.enqueue_indirect_dma source(%dma_start3A_293 : memref<10000x128xf32, #tpu.memory_space<vmem_shared>>) target(%arg18 : memref<80x128xf32, #tpu.memory_space<vmem>>) offsets(%arg12 : memref<80xi32, #tpu.memory_space<vmem>>) semaphore(%arg27 : memref<!tpu.dma_semaphore, #tpu.memory_space<semaphore_mem>>)
      } else {
      }
    }
    %scan3A_63 = arith.constant 31 : i32
    %dma_wait3A_64 = arith.constant 0 : i32
    %dma_wait3A_65 = arith.constant 0 : i32
    %dma_wait3A_66 = tpu.memref_slice %arg4[%dma_wait3A_64, %dma_wait3A_65] : memref<10000x128xf32, #tpu.memory_space<hbm>> -> memref<80x128xf32, #tpu.memory_space<hbm>>
    %dma_wait3A_67 = arith.constant 0 : i32
    %dma_wait3A_68 = arith.constant 0 : i32
    %dma_wait3A_69 = tpu.memref_slice %arg4[%dma_wait3A_67, %dma_wait3A_68] : memref<10000x128xf32, #tpu.memory_space<hbm>> -> memref<80x128xf32, #tpu.memory_space<hbm>>
    tpu.wait_dma2 semaphore(%arg26 : memref<!tpu.dma_semaphore, #tpu.memory_space<semaphore_mem>>) src(%dma_wait3A_69 : memref<80x128xf32, #tpu.memory_space<hbm>>) dst(%arg15 : memref<80x128xf32, #tpu.memory_space<vmem>>)
    %dma_wait3A_70 = arith.constant 0 : i32
    %dma_wait3A_71 = arith.constant 0 : i32
    %dma_wait3A_72 = tpu.memref_slice %arg4[%dma_wait3A_70, %dma_wait3A_71] : memref<10000x128xf32, #tpu.memory_space<hbm>> -> memref<80x128xf32, #tpu.memory_space<hbm>>
    %dma_wait3A_73 = arith.constant 0 : i32
    %dma_wait3A_74 = arith.constant 0 : i32
    %dma_wait3A_75 = tpu.memref_slice %arg4[%dma_wait3A_73, %dma_wait3A_74] : memref<10000x128xf32, #tpu.memory_space<hbm>> -> memref<80x128xf32, #tpu.memory_space<hbm>>
    tpu.wait_dma2 semaphore(%arg26 : memref<!tpu.dma_semaphore, #tpu.memory_space<semaphore_mem>>) src(%dma_wait3A_75 : memref<80x128xf32, #tpu.memory_space<hbm>>) dst(%arg17 : memref<80x128xf32, #tpu.memory_space<vmem>>)
    %dma_wait3A_76 = arith.constant 0 : i32
    %dma_wait3A_77 = tpu.memref_slice %arg5[%dma_wait3A_76] : memref<320000xf32, #tpu.memory_space<hbm>> -> memref<80xf32, #tpu.memory_space<hbm>>
    %dma_wait3A_78 = arith.constant 0 : i32
    %dma_wait3A_79 = tpu.memref_slice %arg5[%dma_wait3A_78] : memref<320000xf32, #tpu.memory_space<hbm>> -> memref<80xf32, #tpu.memory_space<hbm>>
    tpu.wait_dma2 semaphore(%arg28 : memref<!tpu.dma_semaphore, #tpu.memory_space<semaphore_mem>>) src(%arg19 : memref<80xf32, #tpu.memory_space<vmem>>) dst(%dma_wait3A_79 : memref<80xf32, #tpu.memory_space<hbm>>)
    %parallel_loop3A = arith.constant 0 : i32
    %parallel_loop3A_80 = arith.constant 80 : i32
    %parallel_loop3A_81 = arith.constant 1 : i32
    scf.for %parallel_loop3A_97 = %parallel_loop3A to %parallel_loop3A_80 step %parallel_loop3A_81  : i32 {
      %parallel_loop3A_98 = arith.index_cast %parallel_loop3A_97 : i32 to index
      %parallel_loop3A_99 = arith.constant 0 : index
      %parallel_loop3A_100 = tpu.vector_load %arg15[%parallel_loop3A_98, %parallel_loop3A_99] {strides = array<i32>} : memref<80x128xf32, #tpu.memory_space<vmem>>, vector<16xf32>,
      %parallel_loop3A_101 = arith.index_cast %parallel_loop3A_97 : i32 to index
      %parallel_loop3A_102 = arith.constant 0 : index
      %parallel_loop3A_103 = tpu.vector_load %arg17[%parallel_loop3A_101, %parallel_loop3A_102] {strides = array<i32>} : memref<80x128xf32, #tpu.memory_space<vmem>>, vector<16xf32>,
      %parallel_loop3A_104 = arith.mulf %parallel_loop3A_100, %parallel_loop3A_103 : vector<16xf32>
      %parallel_loop3A_105 = arith.index_cast %parallel_loop3A_97 : i32 to index
      %parallel_loop3A_106 = arith.constant 16 : index
      %parallel_loop3A_107 = tpu.vector_load %arg15[%parallel_loop3A_105, %parallel_loop3A_106] {strides = array<i32>} : memref<80x128xf32, #tpu.memory_space<vmem>>, vector<16xf32>,
      %parallel_loop3A_108 = arith.index_cast %parallel_loop3A_97 : i32 to index
      %parallel_loop3A_109 = arith.constant 16 : index
      %parallel_loop3A_110 = tpu.vector_load %arg17[%parallel_loop3A_108, %parallel_loop3A_109] {strides = array<i32>} : memref<80x128xf32, #tpu.memory_space<vmem>>, vector<16xf32>,
      %parallel_loop3A_111 = arith.mulf %parallel_loop3A_107, %parallel_loop3A_110 : vector<16xf32>
      %parallel_loop3A_112 = arith.index_cast %parallel_loop3A_97 : i32 to index
      %parallel_loop3A_113 = arith.constant 32 : index
      %parallel_loop3A_114 = tpu.vector_load %arg15[%parallel_loop3A_112, %parallel_loop3A_113] {strides = array<i32>} : memref<80x128xf32, #tpu.memory_space<vmem>>, vector<16xf32>,
      %parallel_loop3A_115 = arith.index_cast %parallel_loop3A_97 : i32 to index
      %parallel_loop3A_116 = arith.constant 32 : index
      %parallel_loop3A_117 = tpu.vector_load %arg17[%parallel_loop3A_115, %parallel_loop3A_116] {strides = array<i32>} : memref<80x128xf32, #tpu.memory_space<vmem>>, vector<16xf32>,
      %parallel_loop3A_118 = arith.mulf %parallel_loop3A_114, %parallel_loop3A_117 : vector<16xf32>
      %parallel_loop3A_119 = arith.index_cast %parallel_loop3A_97 : i32 to index
      %parallel_loop3A_120 = arith.constant 48 : index
      %parallel_loop3A_121 = tpu.vector_load %arg15[%parallel_loop3A_119, %parallel_loop3A_120] {strides = array<i32>} : memref<80x128xf32, #tpu.memory_space<vmem>>, vector<16xf32>,
      %parallel_loop3A_122 = arith.index_cast %parallel_loop3A_97 : i32 to index
      %parallel_loop3A_123 = arith.constant 48 : index
      %parallel_loop3A_124 = tpu.vector_load %arg17[%parallel_loop3A_122, %parallel_loop3A_123] {strides = array<i32>} : memref<80x128xf32, #tpu.memory_space<vmem>>, vector<16xf32>,
      %parallel_loop3A_125 = arith.mulf %parallel_loop3A_121, %parallel_loop3A_124 : vector<16xf32>
      %parallel_loop3A_126 = arith.index_cast %parallel_loop3A_97 : i32 to index
      %parallel_loop3A_127 = arith.constant 64 : index
      %parallel_loop3A_128 = tpu.vector_load %arg15[%parallel_loop3A_126, %parallel_loop3A_127] {strides = array<i32>} : memref<80x128xf32, #tpu.memory_space<vmem>>, vector<16xf32>,
      %parallel_loop3A_129 = arith.index_cast %parallel_loop3A_97 : i32 to index
      %parallel_loop3A_130 = arith.constant 64 : index
      %parallel_loop3A_131 = tpu.vector_load %arg17[%parallel_loop3A_129, %parallel_loop3A_130] {strides = array<i32>} : memref<80x128xf32, #tpu.memory_space<vmem>>, vector<16xf32>,
      %parallel_loop3A_132 = arith.mulf %parallel_loop3A_128, %parallel_loop3A_131 : vector<16xf32>
      %parallel_loop3A_133 = arith.index_cast %parallel_loop3A_97 : i32 to index
      %parallel_loop3A_134 = arith.constant 80 : index
      %parallel_loop3A_135 = tpu.vector_load %arg15[%parallel_loop3A_133, %parallel_loop3A_134] {strides = array<i32>} : memref<80x128xf32, #tpu.memory_space<vmem>>, vector<16xf32>,
      %parallel_loop3A_136 = arith.index_cast %parallel_loop3A_97 : i32 to index
      %parallel_loop3A_137 = arith.constant 80 : index
      %parallel_loop3A_138 = tpu.vector_load %arg17[%parallel_loop3A_136, %parallel_loop3A_137] {strides = array<i32>} : memref<80x128xf32, #tpu.memory_space<vmem>>, vector<16xf32>,
      %parallel_loop3A_139 = arith.mulf %parallel_loop3A_135, %parallel_loop3A_138 : vector<16xf32>
      %parallel_loop3A_140 = arith.index_cast %parallel_loop3A_97 : i32 to index
      %parallel_loop3A_141 = arith.constant 96 : index
      %parallel_loop3A_142 = tpu.vector_load %arg15[%parallel_loop3A_140, %parallel_loop3A_141] {strides = array<i32>} : memref<80x128xf32, #tpu.memory_space<vmem>>, vector<16xf32>,
      %parallel_loop3A_143 = arith.index_cast %parallel_loop3A_97 : i32 to index
      %parallel_loop3A_144 = arith.constant 96 : index
      %parallel_loop3A_145 = tpu.vector_load %arg17[%parallel_loop3A_143, %parallel_loop3A_144] {strides = array<i32>} : memref<80x128xf32, #tpu.memory_space<vmem>>, vector<16xf32>,
      %parallel_loop3A_146 = arith.mulf %parallel_loop3A_142, %parallel_loop3A_145 : vector<16xf32>
      %parallel_loop3A_147 = arith.index_cast %parallel_loop3A_97 : i32 to index
      %parallel_loop3A_148 = arith.constant 112 : index
      %parallel_loop3A_149 = tpu.vector_load %arg15[%parallel_loop3A_147, %parallel_loop3A_148] {strides = array<i32>} : memref<80x128xf32, #tpu.memory_space<vmem>>, vector<16xf32>,
      %parallel_loop3A_150 = arith.index_cast %parallel_loop3A_97 : i32 to index
      %parallel_loop3A_151 = arith.constant 112 : index
      %parallel_loop3A_152 = tpu.vector_load %arg17[%parallel_loop3A_150, %parallel_loop3A_151] {strides = array<i32>} : memref<80x128xf32, #tpu.memory_space<vmem>>, vector<16xf32>,
      %parallel_loop3A_153 = arith.mulf %parallel_loop3A_149, %parallel_loop3A_152 : vector<16xf32>
      %parallel_loop3A_154 = arith.addf %parallel_loop3A_104, %parallel_loop3A_111 : vector<16xf32>
      %parallel_loop3A_155 = arith.addf %parallel_loop3A_118, %parallel_loop3A_125 : vector<16xf32>
      %parallel_loop3A_156 = arith.addf %parallel_loop3A_132, %parallel_loop3A_139 : vector<16xf32>
      %parallel_loop3A_157 = arith.addf %parallel_loop3A_146, %parallel_loop3A_153 : vector<16xf32>
      %parallel_loop3A_158 = arith.addf %parallel_loop3A_154, %parallel_loop3A_155 : vector<16xf32>
      %parallel_loop3A_159 = arith.addf %parallel_loop3A_156, %parallel_loop3A_157 : vector<16xf32>
      %parallel_loop3A_160 = arith.addf %parallel_loop3A_158, %parallel_loop3A_159 : vector<16xf32>
      %parallel_loop3A_161 = arith.constant 16 : i32
      %parallel_loop3A_162 = arith.muli %parallel_loop3A_97, %parallel_loop3A_161 : i32
      %parallel_loop3A_163 = arith.index_cast %parallel_loop3A_162 : i32 to index
      %parallel_loop3A_164 = tpu.vector_load %arg21[%parallel_loop3A_163] {strides = array<i32>} : memref<1280xf32, #tpu.memory_space<vmem>>, vector<16xf32>,
      tpu.vector_store %arg21[%parallel_loop3A_163], %parallel_loop3A_160 {strides = array<i32>} : memref<1280xf32, #tpu.memory_space<vmem>>, vector<16xf32>,
    } {sc.loop_unroll_factor = 4 : i64, sc.parallel_access}
    %parallel_loop3A_82 = arith.constant 0 : i32
    %parallel_loop3A_83 = arith.constant 5 : i32
    %parallel_loop3A_84 = arith.constant 1 : i32
    scf.for %parallel_loop3A_97 = %parallel_loop3A_82 to %parallel_loop3A_83 step %parallel_loop3A_84  : i32 {
      %parallel_loop3A_98 = tpu.iota {dimensions = array<i32: 0>} : vector<16xi32>
      %parallel_loop3A_99 = arith.constant 16 : i32
      %parallel_loop3A_100 = vector.broadcast %parallel_loop3A_99 : i32 to vector<16xi32>
      %parallel_loop3A_101 = arith.muli %parallel_loop3A_98, %parallel_loop3A_100 : vector<16xi32>
      %parallel_loop3A_102 = arith.constant 256 : i32
      %parallel_loop3A_103 = arith.muli %parallel_loop3A_97, %parallel_loop3A_102 : i32
      %parallel_loop3A_104 = vector.broadcast %parallel_loop3A_103 : i32 to vector<16xi32>
      %parallel_loop3A_105 = arith.addi %parallel_loop3A_101, %parallel_loop3A_104 : vector<16xi32>
      %parallel_loop3A_106 = arith.constant 0.000000e+00 : f32
      %parallel_loop3A_107 = vector.broadcast %parallel_loop3A_106 : f32 to vector<16xf32>
      %parallel_loop3A_108 = arith.constant 0 : i32
      %parallel_loop3A_109 = vector.broadcast %parallel_loop3A_108 : i32 to vector<16xi32>
      %parallel_loop3A_110 = arith.addi %parallel_loop3A_105, %parallel_loop3A_109 : vector<16xi32>
      %parallel_loop3A_111 = tpu.vector_load_idx %arg21[%parallel_loop3A_110] : memref<1280xf32, #tpu.memory_space<vmem>>[vector<16xi32>], vector<16xf32>,
      %parallel_loop3A_112 = arith.addf %parallel_loop3A_107, %parallel_loop3A_111 : vector<16xf32>
      %parallel_loop3A_113 = arith.constant 1 : i32
      %parallel_loop3A_114 = vector.broadcast %parallel_loop3A_113 : i32 to vector<16xi32>
      %parallel_loop3A_115 = arith.addi %parallel_loop3A_105, %parallel_loop3A_114 : vector<16xi32>
      %parallel_loop3A_116 = tpu.vector_load_idx %arg21[%parallel_loop3A_115] : memref<1280xf32, #tpu.memory_space<vmem>>[vector<16xi32>], vector<16xf32>,
      %parallel_loop3A_117 = arith.addf %parallel_loop3A_112, %parallel_loop3A_116 : vector<16xf32>
      %parallel_loop3A_118 = arith.constant 2 : i32
      %parallel_loop3A_119 = vector.broadcast %parallel_loop3A_118 : i32 to vector<16xi32>
      %parallel_loop3A_120 = arith.addi %parallel_loop3A_105, %parallel_loop3A_119 : vector<16xi32>
      %parallel_loop3A_121 = tpu.vector_load_idx %arg21[%parallel_loop3A_120] : memref<1280xf32, #tpu.memory_space<vmem>>[vector<16xi32>], vector<16xf32>,
      %parallel_loop3A_122 = arith.addf %parallel_loop3A_117, %parallel_loop3A_121 : vector<16xf32>
      %parallel_loop3A_123 = arith.constant 3 : i32
      %parallel_loop3A_124 = vector.broadcast %parallel_loop3A_123 : i32 to vector<16xi32>
      %parallel_loop3A_125 = arith.addi %parallel_loop3A_105, %parallel_loop3A_124 : vector<16xi32>
      %parallel_loop3A_126 = tpu.vector_load_idx %arg21[%parallel_loop3A_125] : memref<1280xf32, #tpu.memory_space<vmem>>[vector<16xi32>], vector<16xf32>,
      %parallel_loop3A_127 = arith.addf %parallel_loop3A_122, %parallel_loop3A_126 : vector<16xf32>
      %parallel_loop3A_128 = arith.constant 4 : i32
      %parallel_loop3A_129 = vector.broadcast %parallel_loop3A_128 : i32 to vector<16xi32>
      %parallel_loop3A_130 = arith.addi %parallel_loop3A_105, %parallel_loop3A_129 : vector<16xi32>
      %parallel_loop3A_131 = tpu.vector_load_idx %arg21[%parallel_loop3A_130] : memref<1280xf32, #tpu.memory_space<vmem>>[vector<16xi32>], vector<16xf32>,
      %parallel_loop3A_132 = arith.addf %parallel_loop3A_127, %parallel_loop3A_131 : vector<16xf32>
      %parallel_loop3A_133 = arith.constant 5 : i32
      %parallel_loop3A_134 = vector.broadcast %parallel_loop3A_133 : i32 to vector<16xi32>
      %parallel_loop3A_135 = arith.addi %parallel_loop3A_105, %parallel_loop3A_134 : vector<16xi32>
      %parallel_loop3A_136 = tpu.vector_load_idx %arg21[%parallel_loop3A_135] : memref<1280xf32, #tpu.memory_space<vmem>>[vector<16xi32>], vector<16xf32>,
      %parallel_loop3A_137 = arith.addf %parallel_loop3A_132, %parallel_loop3A_136 : vector<16xf32>
      %parallel_loop3A_138 = arith.constant 6 : i32
      %parallel_loop3A_139 = vector.broadcast %parallel_loop3A_138 : i32 to vector<16xi32>
      %parallel_loop3A_140 = arith.addi %parallel_loop3A_105, %parallel_loop3A_139 : vector<16xi32>
      %parallel_loop3A_141 = tpu.vector_load_idx %arg21[%parallel_loop3A_140] : memref<1280xf32, #tpu.memory_space<vmem>>[vector<16xi32>], vector<16xf32>,
      %parallel_loop3A_142 = arith.addf %parallel_loop3A_137, %parallel_loop3A_141 : vector<16xf32>
      %parallel_loop3A_143 = arith.constant 7 : i32
      %parallel_loop3A_144 = vector.broadcast %parallel_loop3A_143 : i32 to vector<16xi32>
      %parallel_loop3A_145 = arith.addi %parallel_loop3A_105, %parallel_loop3A_144 : vector<16xi32>
      %parallel_loop3A_146 = tpu.vector_load_idx %arg21[%parallel_loop3A_145] : memref<1280xf32, #tpu.memory_space<vmem>>[vector<16xi32>], vector<16xf32>,
      %parallel_loop3A_147 = arith.addf %parallel_loop3A_142, %parallel_loop3A_146 : vector<16xf32>
      %parallel_loop3A_148 = arith.constant 8 : i32
      %parallel_loop3A_149 = vector.broadcast %parallel_loop3A_148 : i32 to vector<16xi32>
      %parallel_loop3A_150 = arith.addi %parallel_loop3A_105, %parallel_loop3A_149 : vector<16xi32>
      %parallel_loop3A_151 = tpu.vector_load_idx %arg21[%parallel_loop3A_150] : memref<1280xf32, #tpu.memory_space<vmem>>[vector<16xi32>], vector<16xf32>,
      %parallel_loop3A_152 = arith.addf %parallel_loop3A_147, %parallel_loop3A_151 : vector<16xf32>
      %parallel_loop3A_153 = arith.constant 9 : i32
      %parallel_loop3A_154 = vector.broadcast %parallel_loop3A_153 : i32 to vector<16xi32>
      %parallel_loop3A_155 = arith.addi %parallel_loop3A_105, %parallel_loop3A_154 : vector<16xi32>
      %parallel_loop3A_156 = tpu.vector_load_idx %arg21[%parallel_loop3A_155] : memref<1280xf32, #tpu.memory_space<vmem>>[vector<16xi32>], vector<16xf32>,
      %parallel_loop3A_157 = arith.addf %parallel_loop3A_152, %parallel_loop3A_156 : vector<16xf32>
      %parallel_loop3A_158 = arith.constant 10 : i32
      %parallel_loop3A_159 = vector.broadcast %parallel_loop3A_158 : i32 to vector<16xi32>
      %parallel_loop3A_160 = arith.addi %parallel_loop3A_105, %parallel_loop3A_159 : vector<16xi32>
      %parallel_loop3A_161 = tpu.vector_load_idx %arg21[%parallel_loop3A_160] : memref<1280xf32, #tpu.memory_space<vmem>>[vector<16xi32>], vector<16xf32>,
      %parallel_loop3A_162 = arith.addf %parallel_loop3A_157, %parallel_loop3A_161 : vector<16xf32>
      %parallel_loop3A_163 = arith.constant 11 : i32
      %parallel_loop3A_164 = vector.broadcast %parallel_loop3A_163 : i32 to vector<16xi32>
      %parallel_loop3A_165 = arith.addi %parallel_loop3A_105, %parallel_loop3A_164 : vector<16xi32>
      %parallel_loop3A_166 = tpu.vector_load_idx %arg21[%parallel_loop3A_165] : memref<1280xf32, #tpu.memory_space<vmem>>[vector<16xi32>], vector<16xf32>,
      %parallel_loop3A_167 = arith.addf %parallel_loop3A_162, %parallel_loop3A_166 : vector<16xf32>
      %parallel_loop3A_168 = arith.constant 12 : i32
      %parallel_loop3A_169 = vector.broadcast %parallel_loop3A_168 : i32 to vector<16xi32>
      %parallel_loop3A_170 = arith.addi %parallel_loop3A_105, %parallel_loop3A_169 : vector<16xi32>
      %parallel_loop3A_171 = tpu.vector_load_idx %arg21[%parallel_loop3A_170] : memref<1280xf32, #tpu.memory_space<vmem>>[vector<16xi32>], vector<16xf32>,
      %parallel_loop3A_172 = arith.addf %parallel_loop3A_167, %parallel_loop3A_171 : vector<16xf32>
      %parallel_loop3A_173 = arith.constant 13 : i32
      %parallel_loop3A_174 = vector.broadcast %parallel_loop3A_173 : i32 to vector<16xi32>
      %parallel_loop3A_175 = arith.addi %parallel_loop3A_105, %parallel_loop3A_174 : vector<16xi32>
      %parallel_loop3A_176 = tpu.vector_load_idx %arg21[%parallel_loop3A_175] : memref<1280xf32, #tpu.memory_space<vmem>>[vector<16xi32>], vector<16xf32>,
      %parallel_loop3A_177 = arith.addf %parallel_loop3A_172, %parallel_loop3A_176 : vector<16xf32>
      %parallel_loop3A_178 = arith.constant 14 : i32
      %parallel_loop3A_179 = vector.broadcast %parallel_loop3A_178 : i32 to vector<16xi32>
      %parallel_loop3A_180 = arith.addi %parallel_loop3A_105, %parallel_loop3A_179 : vector<16xi32>
      %parallel_loop3A_181 = tpu.vector_load_idx %arg21[%parallel_loop3A_180] : memref<1280xf32, #tpu.memory_space<vmem>>[vector<16xi32>], vector<16xf32>,
      %parallel_loop3A_182 = arith.addf %parallel_loop3A_177, %parallel_loop3A_181 : vector<16xf32>
      %parallel_loop3A_183 = arith.constant 15 : i32
      %parallel_loop3A_184 = vector.broadcast %parallel_loop3A_183 : i32 to vector<16xi32>
      %parallel_loop3A_185 = arith.addi %parallel_loop3A_105, %parallel_loop3A_184 : vector<16xi32>
      %parallel_loop3A_186 = tpu.vector_load_idx %arg21[%parallel_loop3A_185] : memref<1280xf32, #tpu.memory_space<vmem>>[vector<16xi32>], vector<16xf32>,
      %parallel_loop3A_187 = arith.addf %parallel_loop3A_182, %parallel_loop3A_186 : vector<16xf32>
      %parallel_loop3A_188 = arith.constant 16 : i32
      %parallel_loop3A_189 = arith.muli %parallel_loop3A_97, %parallel_loop3A_188 : i32
      %parallel_loop3A_190 = arith.index_cast %parallel_loop3A_189 : i32 to index
      %parallel_loop3A_191 = tpu.vector_load %arg19[%parallel_loop3A_190] {strides = array<i32>} : memref<80xf32, #tpu.memory_space<vmem>>, vector<16xf32>,
      tpu.vector_store %arg19[%parallel_loop3A_190], %parallel_loop3A_187 {strides = array<i32>} : memref<80xf32, #tpu.memory_space<vmem>>, vector<16xf32>,
    } {sc.loop_unroll_factor = 1 : i64, sc.parallel_access}
    %add3A_85 = arith.constant 9920 : i32
    %add3A_86 = arith.addi %mul3A_2, %add3A_85 : i32
    %dma_start3A_87 = tpu.memref_slice %arg5[%add3A_86] : memref<320000xf32, #tpu.memory_space<hbm>> -> memref<80xf32, #tpu.memory_space<hbm>>
    %dma_start3A_88 = tpu.memref_slice %arg5[%add3A_86] : memref<320000xf32, #tpu.memory_space<hbm>> -> memref<80xf32, #tpu.memory_space<hbm>>
    tpu.enqueue_dma source(%arg19 : memref<80xf32, #tpu.memory_space<vmem>>) target(%dma_start3A_88 : memref<80xf32, #tpu.memory_space<hbm>>) target_semaphore(%arg28 : memref<!tpu.dma_semaphore, #tpu.memory_space<semaphore_mem>>)
    %dma_wait3A_89 = arith.constant 0 : i32
    %dma_wait3A_90 = tpu.memref_slice %arg5[%dma_wait3A_89] : memref<320000xf32, #tpu.memory_space<hbm>> -> memref<80xf32, #tpu.memory_space<hbm>>
    %dma_wait3A_91 = arith.constant 0 : i32
    %dma_wait3A_92 = tpu.memref_slice %arg5[%dma_wait3A_91] : memref<320000xf32, #tpu.memory_space<hbm>> -> memref<80xf32, #tpu.memory_space<hbm>>
    tpu.wait_dma2 semaphore(%arg28 : memref<!tpu.dma_semaphore, #tpu.memory_space<semaphore_mem>>) src(%arg19 : memref<80xf32, #tpu.memory_space<vmem>>) dst(%dma_wait3A_92 : memref<80xf32, #tpu.memory_space<hbm>>)
    %dma_wait3A_93 = arith.constant 0 : i32
    %dma_wait3A_94 = tpu.memref_slice %arg5[%dma_wait3A_93] : memref<320000xf32, #tpu.memory_space<hbm>> -> memref<80xf32, #tpu.memory_space<hbm>>
    %dma_wait3A_95 = arith.constant 0 : i32
    %dma_wait3A_96 = tpu.memref_slice %arg5[%dma_wait3A_95] : memref<320000xf32, #tpu.memory_space<hbm>> -> memref<80xf32, #tpu.memory_space<hbm>>
    tpu.wait_dma2 semaphore(%arg29 : memref<!tpu.dma_semaphore, #tpu.memory_space<semaphore_mem>>) src(%arg20 : memref<80xf32, #tpu.memory_space<vmem>>) dst(%dma_wait3A_96 : memref<80xf32, #tpu.memory_space<hbm>>)
    return
  }
}

</mosaic_0001>

<sc_bundles>
// kernel: kernel.3.cloned.1.call-start
scs
__scs_entry_jumppad:
0x0: {  	(pc) =	sbr.rel $0x88, $3  }
0x1: {  	(tag) =	ssettag $0x0;
	lr =	simm.s32 $0x1  }
0x2: {  	[smem:$0x3F9F] =	sst lr;
	_ =	strace $0xD0000000  }
0x3: {  	_ = 	snop  }
0x4: {  	_ = 	snop  }
0x5: {  	_ = 	snop  }
0x6: {  	_ = 	snop  }
0x7: {  	_ = 	snop  }
__scs_overlays_trampoline_lowered:
0x8: {  	[smem:$0x3FAE] =	sst s0  }
0x9: {  	[smem:$0x3FAF] =	sst s1  }
0xa: {  	[smem:$0x3FB0] =	sst s2  }
0xb: {  	[smem:$0x3FB1] =	sst s3  }
0xc: {  	[smem:$0x3FB2] =	sst s4  }
0xd: {  	[smem:$0x3FB3] =	sst s5  }
0xe: {  	[smem:$0x3FB4] =	sst s6  }
0xf: {  	[smem:$0x3FB5] =	sst s7  }
0x10: {  	[smem:$0x3FB6] =	sst s8  }
0x11: {  	[smem:$0x3FB7] =	sst s9;
	s0 =	simm.s32 @!p0 $0x0  }
0x12: {  	s1 =	sld [smem:$0x3F9D];
	s0 =	simm.s32 @p0 $0x1  }
0x13: {  	[smem:$0x3FB8] =	sst s0;
	s0 =	simm.s32 @!p1 $0x0  }
0x14: {  	s2 =	sld [smem:$0x3F9C];
	s0 =	simm.s32 @p1 $0x1  }
0x15: {  	[smem:$0x3FB9] =	sst s0;
	s0 =	simm.s32 @!p2 $0x0  }
0x16: {  	s3 =	sld [smem:$0x3FDB];
	s0 =	simm.s32 @p2 $0x1  }
0x17: {  	s4 =	simm.s32 $0x1BF5;
	[smem:$0x3FBB] =	sst s0  }
0x18: {  	s0 =	sld [smem:$0x3F9E];
	_ =	swait.ge [sflag:s4], $0x0  }
0x19: {  	s7 =	sld [smem:$0x3F9F]  }
0x1a: {  	s8 =	sadd.s32 $0xFFFFE003, lr  }
0x1b: {  	s9 =	sadd.s32 $0xFFFFFEF7, lr;
	s5 =	simm.s32 $0xFFFFFFFF;
	p2 =	slt.u32 s8, $0xFFFFF086  }
0x1c: {  	p1 =	slt.u32 s9, $0xF7A;
	s5 =	simm.s32 @!p2 $0x0  }
0x1d: {  	s5 =	simm.s32 @p1 $0x1;
	p0 =	seq.s32 s7, s2  }
0x1e: {  	s7 =	smul.u32 @!p0 $0xF7A, s2;
	p2 =	seq.s32 @!p0 s5, $0x0  }
0x1f: {  	s9 =	smul.u32 $0xF7A, s1;
	s8 =	simm.s32 @!p0 $0x1BF5;
	p2 =	por !p2, p0  }
0x20: {  	[sflag:s8] =	ssyncset.s32 @!p0 $0xFFFFF086;
	s6 =	sadd.s32 @!p0 s3, s7;
	s7 =	simm.s32 @!p0 $0x108  }
0x21: {  	s3 =	sadd.s32 s3, s9;
	s6 =	sadd.s32 @!p0 $0x88, s6;
	s7 =	simm.s32 @p2 $0x1082  }
0x22: {  	[simem:s7], [sflag:s8] =	dma.local @!p0 [hbm:s6], $0xF7A  }
0x23: {  	s9 =	sor.u32 $0xD0000000, s2;
	s6 =	simm.s32 $0x108;
	_ =	swait.ge @!p0 [sflag:s8], $0x0  }
0x24: {  	s3 =	sadd.s32 $0x88, s3;
	s6 =	simm.s32 @!p1 $0x1082;
	[sflag:s4] =	ssyncset.s32 $0xFFFFF086  }
0x25: {  	[simem:s6], [sflag:s4] =	dma.local [hbm:s3], $0xF7A  }
0x26: {  	[smem:$0x3F9F] =	sst s1;
	(tag) =	ssettag s2;
	_ =	strace s9  }
0x27: {  	s1 =	sld [smem:$0x3FAF]  }
0x28: {  	s2 =	sld [smem:$0x3FB0]  }
0x29: {  	s4 =	sld [smem:$0x3FB2]  }
0x2a: {  	p0 =	seq.s32 s5, $0x0;
	s5 =	sld [smem:$0x3FB3]  }
0x2b: {  	s6 =	sld [smem:$0x3FB4]  }
0x2c: {  	s7 =	sld [smem:$0x3FB5]  }
0x2d: {  	s3 =	simm.s32 $0x108;
	s8 =	sld [smem:$0x3FB6]  }
0x2e: {  	s3 =	simm.s32 @!p0 $0x1082;
	s9 =	sld [smem:$0x3FB7]  }
0x2f: {  	lr =	sadd.s32 s0, s3;
	s0 =	sld [smem:$0x3FAE]  }
0x30: {  	s3 =	sld [smem:$0x3FB1]  }
0x31: {  	[smem:$0x3FBA] =	sst s10  }
0x32: {  	s10 =	sld [smem:$0x3FB8];
	_ =	sdelay $0x3  }
0x33: {  	p0 =	seq.s32 s10, $0x1;
	s10 =	sld [smem:$0x3FBA];
	_ =	sdelay $0x3  }
0x34: {  	[smem:$0x3FBA] =	sst s10  }
0x35: {  	s10 =	sld [smem:$0x3FB9];
	_ =	sdelay $0x3  }
0x36: {  	p1 =	seq.s32 s10, $0x1;
	s10 =	sld [smem:$0x3FBA];
	_ =	sdelay $0x3  }
0x37: {  	[smem:$0x3FBA] =	sst s10  }
0x38: {  	s10 =	sld [smem:$0x3FBB]  }
0x39: {  	_ = 	snop;
	(pc) =	sbr.ind lr, $3  }
0x3a: {  	_ = 	snop  }
0x3b: {  	_ = 	snop  }
0x3c: {  	p2 =	seq.s32 s10, $0x1;
	s10 =	sld [smem:$0x3FBA]  }
0x3d: {  	_ =	shalt  }
0x3e: {  	_ =	shalt  }
0x3f: {  	_ =	shalt  }
0x40: {  	_ =	shalt  }
0x41: {  	_ =	shalt  }
0x42: {  	_ =	shalt  }
0x43: {  	_ =	shalt  }
0x44: {  	_ =	shalt  }
0x45: {  	_ =	shalt  }
0x46: {  	_ =	shalt  }
0x47: {  	_ =	shalt  }
0x48: {  	_ =	shalt  }
0x49: {  	_ =	shalt  }
0x4a: {  	_ =	shalt  }
0x4b: {  	_ =	shalt  }
0x4c: {  	_ =	shalt  }
0x4d: {  	_ =	shalt  }
0x4e: {  	_ =	shalt  }
0x4f: {  	_ =	shalt  }
0x50: {  	_ =	shalt  }
0x51: {  	_ =	shalt  }
0x52: {  	_ =	shalt  }
0x53: {  	_ =	shalt  }
0x54: {  	_ =	shalt  }
0x55: {  	_ =	shalt  }
0x56: {  	_ =	shalt  }
0x57: {  	_ =	shalt  }
0x58: {  	_ =	shalt  }
0x59: {  	_ =	shalt  }
0x5a: {  	_ =	shalt  }
0x5b: {  	_ =	shalt  }
0x5c: {  	_ =	shalt  }
0x5d: {  	_ =	shalt  }
0x5e: {  	_ =	shalt  }
0x5f: {  	_ =	shalt  }
0x60: {  	_ =	shalt  }
0x61: {  	_ =	shalt  }
0x62: {  	_ =	shalt  }
0x63: {  	_ =	shalt  }
0x64: {  	_ =	shalt  }
0x65: {  	_ =	shalt  }
0x66: {  	_ =	shalt  }
0x67: {  	_ =	shalt  }
0x68: {  	_ =	shalt  }
0x69: {  	_ =	shalt  }
0x6a: {  	_ =	shalt  }
0x6b: {  	_ =	shalt  }
0x6c: {  	_ =	shalt  }
0x6d: {  	_ =	shalt  }
0x6e: {  	_ =	shalt  }
0x6f: {  	_ =	shalt  }
0x70: {  	_ =	shalt  }
0x71: {  	_ =	shalt  }
0x72: {  	_ =	shalt  }
0x73: {  	_ =	shalt  }
0x74: {  	_ =	shalt  }
0x75: {  	_ =	shalt  }
0x76: {  	_ =	shalt  }
0x77: {  	_ =	shalt  }
0x78: {  	_ =	shalt  }
0x79: {  	_ =	shalt  }
0x7a: {  	_ =	shalt  }
0x7b: {  	_ =	shalt  }
0x7c: {  	_ =	shalt  }
0x7d: {  	_ =	shalt  }
0x7e: {  	_ =	shalt  }
0x7f: {  	_ =	shalt  }
0x80: {  	_ =	shalt  }
0x81: {  	_ =	shalt  }
0x82: {  	_ =	shalt  }
0x83: {  	_ =	shalt  }
0x84: {  	_ =	shalt  }
0x85: {  	_ =	shalt  }
0x86: {  	_ =	shalt  }
0x87: {  	_ =	shalt  }
.Lfunc_end0:
.L_simem_size_0:
called_computation_lowered:
.L_overlay_start_0:
0x88: {  	s2 =	sld [smem:$0x3FD9]  }
0x89: {  	s3 =	sld [smem:$0x3FFE];
	_ =	sdelay $0x1  }
0x8a: {  	s1 =	srdreg.scid  }
0x8b: {  	s0 =	sand.u32 $0x1, s1  }
0x8c: {  	s17 =	sshll.u32 s0, $0xA;
	s2 =	sadd.s32 s3, s2  }
0x8d: {  	s2 =	sadd.s32 s2, s17  }
0x8e: {  	[smem:$0x3FC6] =	sst s2  }
0x8f: {  	_ = 	snop  }
0x90: {  	s2 =	sld [smem:$0x3FC8]  }
0x91: {  	s18 =	sld [smem:$0x3FD0];
	(tm) =	ssettm $0x1  }
0x92: {  	s4 =	sld [smem:$0x3FFB];
	_ =	sdelay $0x3  }
0x93: {  	_ =	strace s4  }
0x94: {  	s4 =	sld [smem:$0x3FFC];
	_ =	sdelay $0x3  }
0x95: {  	_ =	strace s4  }
0x96: {  	s4 =	sld [smem:$0x3FFD];
	_ =	sdelay $0x3  }
0x97: {  	_ =	strace s4  }
0x98: {  	_ =	strace $0x8FFFFFFF  }
0x99: {  	s19 =	sld [smem:$0x3FDB];
	_ =	sdelay $0x1  }
0x9a: {  	s5 =	simm.s32 $_scs_section_size  }
0x9b: {  	s6 =	simm.s32 $_size__tile_overlayer_lowered;
	s7 =	simm.s32 $_tile_overlayer_lowered  }
0x9c: {  	s22 =	simm.s32 $0x1BFF;
	s21 =	sshll.u32 s7, $0x1;
	s4 =	sadd.s32 s5, s19  }
0x9d: {  	s8 =	simm.s32 $0x0;
	s20 =	sshll.u32 s6, $0x1;
	s6 =	sadd.s32 s21, s4  }
0x9e: {  	[timem:s8], [sflag:s22] =	dma.local [hbm:s6], s20  }
0x9f: {  	_ =	swait.ge [sflag:s22], s20  }
0xa0: {  	s5 =	ssub.s32 $0x0, s20;
	[sflag:s22] =	ssyncset.done $0x0  }
0xa1: {  	[sflag:s22] =	ssyncadd.s32 s5;
	_ =	sdelay $0x1  }
0xa2: {  	s23 =	simm.s32 $0x1B8B  }
0xa3: {  	_ =	swait.ge [sflag:s23], $0x1  }
0xa4: {  	[sflag:s23] =	ssyncset.done $0x0  }
0xa5: {  	s25 =	simm.s32 $0x1B8E;
	s24 =	sld [smem:$0x3FFE];
	[sflag:s23] =	ssyncadd.s32 $0xFFFFFFFF  }
0xa6: {  	s26 =	simm.s32 $execute0_lowered;
	[smem:$0x3FD2] =	sst s25  }
0xa7: {  	s6 =	sshll.u32 s26, $0x1;
	_ =	strace $0x80000046;
	[dreg:$0x1] =	wrdreg $0xFFFFFFFF  }
0xa8: {  	s28 =	simm.s32 $_size_execute0_lowered;
	s4 =	sadd.s32 s4, s6;
	[dreg:$0x0] =	wrdreg $0x0  }
0xa9: {  	s6 =	sshll.u32 s28, $0x1;
	[dreg:$0x2] =	wrdreg s4  }
0xaa: {  	[dreg:$0x3] =	wrdreg s6  }
0xab: {  	[dreg:$0x4] =	wrdreg $0xC0  }
0xac: {  	_ =	task [dreg:s8], $0x5FFFF  }
0xad: {  	[dreg:$0x1] =	wrdreg $0xFFFFFFFF  }
0xae: {  	[dreg:$0x0] =	wrdreg $0x60  }
0xaf: {  	[dreg:$0x2] =	wrdreg s24  }
0xb0: {  	[dreg:$0x3] =	wrdreg s2  }
0xb1: {  	[dreg:$0x4] =	wrdreg s18  }
0xb2: {  	[dreg:$0x5] =	wrdreg $0x0  }
0xb3: {  	[dreg:$0x6] =	wrdreg $0x9  }
0xb4: {  	_ =	task.clear_ibuf [dreg:s8], $0x7FFFF;
	_ =	strace $0x90000046  }
0xb5: {  	s29 =	simm.s32 $0x9;
	_ =	strace $0x80000048  }
0xb6: {  	_ =	swait.ge [sflag:s29], $0x1  }
0xb7: {  	[sflag:s29] =	ssyncadd.s32 $0xFFFFFFFF  }
0xb8: {  	_ =	strace $0x90000048  }
0xb9: {  	_ =	sfence  }
0xba: {  	s30 =	sld [smem:$0x0];
	_ =	sdelay $0x2  }
0xbb: {  	s31 =	sshll.u32 s1, $0xD;
	s1 =	sshrl.u32 s1, $0x2  }
0xbc: {  	s3 =	sand.u32 $0x4000, s31;
	s1 =	sadd.s32 s1, s30  }
0xbd: {  	s0 =	sor.u32 s3, s0;
	s1 =	sshll.u32 s1, $0x11  }
0xbe: {  	s0 =	sor.u32 s1, s0  }
0xbf: {  	s0 =	sadd.s32 $0x8F2B, s0  }
0xc0: {  	[sflag:s0] =	ssyncadd.remote.s32 $0x1  }
0xc1: {  	_ =	sfence.sel $0xFFFF  }
0xc2: {  	[dreg:$0x0] =	wrdreg $0xFFFFFFFF;
	(pc) =	sbr.abs _section_cstart, $3  }
0xc3: {  	[dreg:$0x1] =	wrdreg $0xFFFFFFFF  }
0xc4: {  	_ =	task.clear_ibuf [dreg:s8], $0x2FFFF;
	_ =	strace $0x9FFFFFFF  }
0xc5: {  	(tm) =	ssettm $0x7FFFFFFF  }
tec
execute0_lowered:
.L_overlay_start_1:
0x0: {  	(tag) =	ssettag $0x1  }
0x1: {  	s1 =	rddreg [dreg:$0x0]  }
0x2: {  	s0 =	rddreg [dreg:$0x1]  }
0x3: {  	s2 =	rddreg [dreg:$0x2]  }
0x4: {  	s3 =	rddreg [dreg:$0x3];
	s4 =	simm.s32 $0x0  }
0x5: {  	s6 =	srdreg.scid;
	s7 =	stileid.u32;
	s31 =	simm.s32 $0x13880  }
0x6: {  	s30 =	simm.s32 $0x1DD80;
	[smem:$0x7FF] =	sst s4;
	s5 =	sadd.s32 $0x9E00, s1  }
0x7: {  	s6 =	sand.u32 $0x1, s6;
	s9 =	sshll.u32 s7, $0x1;
	s10 =	smul.u32 $0x4E000, s7  }
0x8: {  	s25 =	smul.u32 $0x2700, s7;
	s28 =	sshll.u32 s7, $0x6;
	p0 =	sne.s32 s7, $0x0  }
0x9: {  	s7 =	simm.s32 $0x3;
	_ =	strace $0x80000047;
	s8 =	ssub.s32 $0x2, s6  }
0xa: {  	s6 =	sor.u32 s6, s9;
	s11 =	sshrl.u32 s8, $0x1;
	s9 =	sadd.s32 s0, s25  }
0xb: {  	s12 =	smul.u32 $0x2710, s6;
	s0 =	sadd.s32 $0x27000, s0;
	[dreg:$0x5] =	wrdreg s9  }
0xc: {  	s26 =	sshrl.u32 s10, $0x2;
	s9 =	sor.u32 $0x1C09, s28;
	[dreg:$0x7] =	wrdreg s0  }
0xd: {  	s10 =	simm.s32 $0x1DD00;
	[dreg:$0x6] =	wrdreg s9;
	s15 =	sadd.s32 $0x50, s12  }
0xe: {  	s8 =	ssub.s32 s8, s11;
	s17 =	sadd.s32 $0xA0, s12;
	[dreg:$0x9] =	wrdreg s15  }
0xf: {  	s6 =	sadd.s32 s26, s3;
	s18 =	sadd.s32 $0xF0, s12;
	[dreg:$0xb] =	wrdreg s17  }
0x10: {  	s9 =	sadd.s32 $0x138000, s3;
	s22 =	sadd.s32 $0x140, s12;
	[dreg:$0xd] =	wrdreg s18  }
0x11: {  	s29 =	sshrl.u32 s12, $0x3;
	s24 =	smax.u32 s8, $0x1;
	[dreg:$0x13] =	wrdreg s22  }
0x12: {  	s25 =	sshrl.u32 s6, $0x3;
	s26 =	sadd.s32 $0x190, s12;
	[dreg:$0x15] =	wrdreg s24  }
0x13: {  	s28 =	sadd.s32 $0x1E0, s12;
	s8 =	simm.s32 $0x1DC80;
	[dreg:$0x16] =	wrdreg s25  }
0x14: {  	s14 =	sadd.s32 s5, s29;
	s16 =	sadd.s32 s1, s29;
	[dreg:$0x18] =	wrdreg s26  }
0x15: {  	s0 =	sshrl.u32 s15, $0x3;
	s11 =	sshrl.u32 s17, $0x3;
	[dreg:$0x19] =	wrdreg s28  }
0x16: {  	s20 =	sshrl.u32 s18, $0x3;
	s23 =	sadd.s32 s2, s29;
	[dreg:$0x8] =	wrdreg s14  }
0x17: {  	s29 =	sadd.s32 $0x230, s12;
	s17 =	simm.s32 $0x1;
	[dreg:$0xa] =	wrdreg s16  }
0x18: {  	s18 =	simm.s32 $0x50;
	s13 =	sadd.s32 s5, s0;
	[dreg:$0x1a] =	wrdreg s29  }
0x19: {  	v0 =	vlaneseq.u32;
	s22 =	simm.s32 $0x2;
	s0 =	sadd.s32 s1, s0;
	[dreg:$0xc] =	wrdreg s13  }
0x1a: {  	v1 =	vand.u32 $0x7, v0;
	v0 =	vmul.u32 $0x10, v0;
	s24 =	simm.s32 $0x1B480;
	s19 =	sadd.s32 s5, s11;
	[dreg:$0xe] =	wrdreg s0  }
0x1b: {  	s25 =	simm.s32 $0x5;
	s11 =	sadd.s32 s1, s11;
	[dreg:$0xf] =	wrdreg s19  }
0x1c: {  	v1 =	vmul.u32 $0x10, v1;
	v2 =	vor.u32 $0x1, v0;
	s21 =	sadd.s32 s5, s20;
	s14 =	simm.s32 $0x7;
	[dreg:$0x10] =	wrdreg s11  }
0x1d: {  	v3 =	vor.u32 $0x2, v0;
	v4 =	vor.u32 $0x3, v0;
	v5 =	vor.u32 $0x4, v0;
	s16 =	simm.s32 $0x8;
	[dreg:$0x11] =	wrdreg s21;
	s0 =	sadd.s32 s1, s20  }
0x1e: {  	v6 =	vor.u32 $0x5, v0;
	v7 =	vor.u32 $0x6, v0;
	v8 =	vor.u32 $0x7, v0;
	s19 =	simm.s32 $0x13C80;
	s20 =	simm.s32 $0x18C80;
	s11 =	simm.s32 $0x0  }
0x1f: {  	v9 =	vor.u32 $0x8, v0;
	v10 =	vor.u32 $0x9, v0;
	v11 =	vor.u32 $0xA, v0;
	[dreg:$0x12] =	wrdreg s0;
	s0 =	sadd.s32 $0x4D8, s23;
	s23 =	smov.u32 s12  }
0x20: {  	v12 =	vor.u32 $0xB, v0;
	v13 =	vor.u32 $0xC, v0;
	v14 =	vor.u32 $0xD, v0;
	s12 =	simm.s32 $0x4;
	[dreg:$0x14] =	wrdreg s0;
	s0 =	sshrl.u32 @!p0 s9, $0x3  }
0x21: {  	v15 =	vor.u32 $0xE, v0;
	v16 =	vor.u32 $0xF, v0;
	v1 =	vor.u32 $0xFFFFFF80, v1;
	s9 =	simm.s32 $0x6;
	[dreg:$0x17] =	wrdreg s0;
	s0 =	simm.s32 $0x13A80  }
.LBB2_1:
0x22: {  	[dreg:$0x1b] =	wrdreg s11  }
0x23: {  	s6 =	rddreg [dreg:$0x5]  }
0x24: {  	s11 =	rddreg [dreg:$0x6]  }
0x25: {  	s13 =	rddreg [dreg:$0x16];
	s29 =	simm.s32 $0x9  }
0x26: {  	[spmem:s13], [sflag:s11] =	dma.local [hbm:s6], $0x2700  }
0x27: {  	_ =	swait.ge [sflag:s29], $0x2700  }
0x28: {  	[sflag:s29] =	ssyncset.done $0x0;
	s6 =	rddreg [dreg:$0x7]  }
0x29: {  	s13 =	rddreg [dreg:$0x17];
	[sflag:s29] =	ssyncadd.s32 $0xFFFFD900  }
0x2a: {  	[spmem:s13], [sflag:s11] =	dma.local @!p0 [hbm:s6], $0x100  }
0x2b: {  	s6 =	simm.s32 @!p0 $0x9  }
0x2c: {  	_ =	swait.ge @!p0 [sflag:s6], $0x100  }
0x2d: {  	[sflag:s6] =	ssyncset.done @!p0 $0x0  }
0x2e: {  	[sflag:s6] =	ssyncadd.s32 @!p0 $0xFFFFFF00  }
0x2f: {  	[bflag:$0x0] =	sbarrier.arrive $0xFFFF  }
0x30: {  	s11 =	rddreg [dreg:$0x8]  }
0x31: {  	[tilespmem:s31], [sflag:$0x1] =	stream.linear.gather [hbm4b:s11+s4], $0x50, $0x38;
	[tilespmem:$0x1E280] =	vst v63  }
0x32: {  	s13 =	rddreg [dreg:$0xa]  }
0x33: {  	[tilespmem:s0], [sflag:$0x1] =	stream.linear.gather [hbm4b:s13+s4], $0x50, $0x38;
	[tilespmem:$0x1E280] =	vst v63  }
0x34: {  	s15 =	rddreg [dreg:$0xc];
	s11 =	simm.s32 $0x13900  }
0x35: {  	[tilespmem:s11], [sflag:$0x2] =	stream.linear.gather [hbm4b:s15+s4], $0x50, $0x38;
	[tilespmem:$0x1E280] =	vst v63  }
0x36: {  	s21 =	rddreg [dreg:$0xe];
	s13 =	simm.s32 $0x13B00  }
0x37: {  	[tilespmem:s13], [sflag:$0x2] =	stream.linear.gather [hbm4b:s21+s4], $0x50, $0x38;
	[tilespmem:$0x1E280] =	vst v63  }
0x38: {  	s26 =	rddreg [dreg:$0xf];
	s15 =	simm.s32 $0x13980  }
0x39: {  	[tilespmem:s15], [sflag:$0x3] =	stream.linear.gather [hbm4b:s26+s4], $0x50, $0x38;
	[tilespmem:$0x1E280] =	vst v63  }
0x3a: {  	s29 =	simm.s32 $0x13B80;
	s28 =	rddreg [dreg:$0x10]  }
0x3b: {  	[tilespmem:s29], [sflag:$0x3] =	stream.linear.gather [hbm4b:s28+s4], $0x50, $0x38;
	[tilespmem:$0x1E280] =	vst v63  }
0x3c: {  	s21 =	simm.s32 $0x13A00;
	s15 =	rddreg [dreg:$0x11]  }
0x3d: {  	[tilespmem:s21], [sflag:$0x4] =	stream.linear.gather [hbm4b:s15+s4], $0x50, $0x38;
	[tilespmem:$0x1E280] =	vst v63  }
0x3e: {  	s26 =	rddreg [dreg:$0x12];
	s28 =	simm.s32 $0x13C00  }
0x3f: {  	[tilespmem:s28], [sflag:$0x4] =	stream.linear.gather [hbm4b:s26+s4], $0x50, $0x38;
	[tilespmem:$0x1E280] =	vst v63  }
0x40: {  	_ =	swait.ge [sflag:s17], $0x50  }
0x41: {  	[sflag:s17] =	ssyncset.done $0x0  }
0x42: {  	[sflag:s17] =	ssyncadd.s32 $0xFFFFFFB0  }
0x43: {  	_ =	swait.ge [sflag:s17], $0x50  }
0x44: {  	[sflag:s17] =	ssyncset.done $0x0  }
0x45: {  	[sflag:s17] =	ssyncadd.s32 $0xFFFFFFB0  }
0x46: {  	[tilespmem:s19], [sflag:$0x5] =	stream.indirect.gather [spmem:s3], $0x80, s31, s18, $0xb8;
	[tilespmem:$0x1E280] =	vst v63  }
0x47: {  	_ = 	snop  }
0x48: {  	[tilespmem:s20], [sflag:$0x5] =	stream.indirect.gather [spmem:s3], $0x80, s0, s18, $0xb8;
	[tilespmem:$0x1E280] =	vst v63  }
0x49: {  	_ =	swait.ge [sflag:s22], $0x50  }
0x4a: {  	[sflag:s22] =	ssyncset.done $0x0  }
0x4b: {  	[sflag:s22] =	ssyncadd.s32 $0xFFFFFFB0  }
0x4c: {  	_ =	swait.ge [sflag:s22], $0x50  }
0x4d: {  	[sflag:s22] =	ssyncset.done $0x0  }
0x4e: {  	s29 =	simm.s32 $0x16480;
	[sflag:s22] =	ssyncadd.s32 $0xFFFFFFB0  }
0x4f: {  	[tilespmem:s29], [sflag:$0x6] =	stream.indirect.gather [spmem:s3], $0x80, s11, s18, $0xb8;
	[tilespmem:$0x1E280] =	vst v63  }
0x50: {  	s11 =	simm.s32 $0x0  }
0x51: {  	[tilespmem:s24], [sflag:$0x6] =	stream.indirect.gather [spmem:s3], $0x80, s13, s18, $0xb8;
	[tilespmem:$0x1E280] =	vst v63  }
.LBB2_2:
0x52: {  	_ =	swait.ge [sflag:s25], $0x2800  }
0x53: {  	[sflag:s25] =	ssyncset.done $0x0  }
0x54: {  	[sflag:s25] =	ssyncadd.s32 $0xFFFFD800  }
0x55: {  	s13 =	smul.u32 $0x140, s11;
	_ =	swait.ge [sflag:s25], $0x2800  }
0x56: {  	s6 =	rddreg [dreg:$0x13]  }
0x57: {  	s6 =	sadd.s32 s13, s6  }
0x58: {  	[sflag:s25] =	ssyncset.done $0x0;
	s6 =	sshrl.u32 s6, $0x3  }
0x59: {  	[sflag:s25] =	ssyncadd.s32 $0xFFFFD800;
	s15 =	sadd.s32 s5, s6  }
0x5a: {  	[tilespmem:s31], [sflag:$0x1] =	stream.linear.gather [hbm4b:s15+s4], $0x50, $0x38;
	[tilespmem:$0x1E280] =	vst v63  }
0x5b: {  	p1 =	seq.s32 s11, $0x0;
	s6 =	sadd.s32 s1, s6  }
0x5c: {  	[tilespmem:s0], [sflag:$0x1] =	stream.linear.gather [hbm4b:s6+s4], $0x50, $0x38;
	[tilespmem:$0x1E280] =	vst v63  }
0x5d: {  	s6 =	simm.s32 @!p1 $0x7  }
0x5e: {  	_ =	swait.ge @!p1 [sflag:s6], $0x50  }
0x5f: {  	[sflag:s6] =	ssyncset.done @!p1 $0x0  }
0x60: {  	s29 =	simm.s32 $0x13D80;
	[sflag:s6] =	ssyncadd.s32 @!p1 $0xFFFFFFB0  }
0x61: {  	s21 =	simm.s32 $0x18D80;
	v18 =	vld [tilespmem:s29+$0x80]  }
0x62: {  	v19 =	vld [tilespmem:s21+$0x80]  }
0x63: {  	v20 =	vld [tilespmem:s29+$0x90]  }
0x64: {  	v21 =	vld [tilespmem:s21+$0x90]  }
0x65: {  	v22 =	vld [tilespmem:s29+$0xA0]  }
0x66: {  	v23 =	vld [tilespmem:s21+$0xA0]  }
0x67: {  	v24 =	vld [tilespmem:s29+$0xB0]  }
0x68: {  	v25 =	vld [tilespmem:s21+$0xB0]  }
0x69: {  	v26 =	vld [tilespmem:s29+$0xC0]  }
0x6a: {  	v27 =	vld [tilespmem:s21+$0xC0]  }
0x6b: {  	v28 =	vld [tilespmem:s29+$0xD0]  }
0x6c: {  	v29 =	vld [tilespmem:s21+$0xD0]  }
0x6d: {  	v30 =	vld [tilespmem:s29+$0xE0]  }
0x6e: {  	v31 =	vld [tilespmem:s21+$0xE0]  }
0x6f: {  	v32 =	vld [tilespmem:s29+$0xF0]  }
0x70: {  	v33 =	vld [tilespmem:s21+$0xF0]  }
0x71: {  	v17 =	vld [tilespmem:s21+$0xFFFFFF00]  }
0x72: {  	v34 =	vld [tilespmem:s29+$0xFFFFFF10]  }
0x73: {  	v35 =	vld [tilespmem:s21+$0xFFFFFF10]  }
0x74: {  	v36 =	vld [tilespmem:s29+$0xFFFFFF20]  }
0x75: {  	v37 =	vld [tilespmem:s21+$0xFFFFFF20]  }
0x76: {  	v38 =	vld [tilespmem:s29+$0xFFFFFF30]  }
0x77: {  	v39 =	vld [tilespmem:s21+$0xFFFFFF30]  }
0x78: {  	v40 =	vld [tilespmem:s29+$0xFFFFFF40]  }
0x79: {  	v41 =	vld [tilespmem:s21+$0xFFFFFF40]  }
0x7a: {  	v42 =	vld [tilespmem:s29+$0xFFFFFF50]  }
0x7b: {  	v43 =	vld [tilespmem:s21+$0xFFFFFF50]  }
0x7c: {  	v44 =	vld [tilespmem:s29+$0xFFFFFF60]  }
0x7d: {  	v45 =	vld [tilespmem:s21+$0xFFFFFF60]  }
0x7e: {  	v46 =	vld [tilespmem:s29+$0xFFFFFF70]  }
0x7f: {  	v47 =	vld [tilespmem:s21+$0xFFFFFF70]  }
0x80: {  	v48 =	vld [tilespmem:s29+$0xFFFFFF80]  }
0x81: {  	v49 =	vld [tilespmem:s21+$0xFFFFFF80]  }
0x82: {  	v50 =	vld [tilespmem:s29+$0xFFFFFF90]  }
0x83: {  	v51 =	vld [tilespmem:s21+$0xFFFFFF90]  }
0x84: {  	v52 =	vld [tilespmem:s29+$0xFFFFFFA0]  }
0x85: {  	v53 =	vld [tilespmem:s21+$0xFFFFFFA0]  }
0x86: {  	v54 =	vld [tilespmem:s29+$0xFFFFFFB0]  }
0x87: {  	v55 =	vld [tilespmem:s21+$0xFFFFFFB0]  }
0x88: {  	v56 =	vld [tilespmem:s29+$0xFFFFFFC0]  }
0x89: {  	v57 =	vld [tilespmem:s21+$0xFFFFFFC0]  }
0x8a: {  	v58 =	vld [tilespmem:s29+$0xFFFFFFD0]  }
0x8b: {  	v59 =	vld [tilespmem:s21+$0xFFFFFFD0]  }
0x8c: {  	v60 =	vld [tilespmem:s29+$0xFFFFFFE0]  }
0x8d: {  	v61 =	vld [tilespmem:s21+$0xFFFFFFE0]  }
0x8e: {  	v18 =	vmul.f32 v19, v18;
	v19 =	vmul.f32 v21, v20;
	v20 =	vld [tilespmem:s29+$0xFFFFFFF0]  }
0x8f: {  	v21 =	vmul.f32 v23, v22;
	v22 =	vmul.f32 v25, v24;
	v23 =	vld [tilespmem:s21+$0xFFFFFFF0]  }
0x90: {  	v24 =	vmul.f32 v27, v26;
	v25 =	vmul.f32 v29, v28;
	v26 =	vld [tilespmem:s29+$0x0]  }
0x91: {  	v27 =	vmul.f32 v31, v30;
	v28 =	vmul.f32 v33, v32;
	v29 =	vld [tilespmem:s21+$0x0]  }
0x92: {  	v30 =	vld [tilespmem:s29+$0x20];
	v18 =	vadd.f32 v19, v18;
	v19 =	vadd.f32 v22, v21  }
0x93: {  	v31 =	vmul.f32 v55, v54;
	v55 =	vld [tilespmem:s21+$0x20];
	v22 =	vadd.f32 v25, v24;
	v24 =	vadd.f32 v28, v27  }
0x94: {  	v56 =	vmul.f32 v57, v56;
	v57 =	vmul.f32 v59, v58;
	v21 =	vld [tilespmem:s29+$0x10]  }
0x95: {  	v25 =	vmul.f32 v37, v36;
	v27 =	vld [tilespmem:s21+$0x10];
	v18 =	vadd.f32 v19, v18;
	v22 =	vadd.f32 v24, v22  }
0x96: {  	v58 =	vld [tilespmem:s29+$0x30];
	v28 =	vmul.f32 v51, v50;
	v33 =	vadd.f32 v57, v56;
	v19 =	vmul.f32 v49, v48  }
0x97: {  	v24 =	vmul.f32 v53, v52;
	v20 =	vmul.f32 v23, v20;
	v59 =	vadd.f32 v22, v18;
	v22 =	vld [tilespmem:s21+$0x30]  }
0x98: {  	v62 =	vld [tilespmem:s29+$0x50];
	v23 =	vmul.f32 v41, v40;
	v18 =	vmul.f32 v61, v60;
	v19 =	vadd.f32 v28, v19  }
0x99: {  	v24 =	vadd.f32 v31, v24;
	v28 =	vld [tilespmem:s29+$0x40];
	v31 =	vmul.f32 v43, v42;
	v61 =	vmul.f32 v47, v46  }
0x9a: {  	v60 =	vld [tilespmem:s21+$0x40];
	v21 =	vmul.f32 v27, v21;
	v27 =	vmul.f32 v55, v30;
	v18 =	vadd.f32 v20, v18  }
0x9b: {  	v20 =	vmul.f32 v45, v44;
	v19 =	vadd.f32 v24, v19;
	v24 =	vmul.f32 v29, v26;
	v29 =	vld [tilespmem:s21+$0x50]  }
0x9c: {  	v26 =	vadd.f32 v31, v23;
	v23 =	vld [tilespmem:s21+$0x60];
	v18 =	vadd.f32 v18, v33;
	v30 =	vmul.f32 v22, v58  }
0x9d: {  	v31 =	vmul.f32 v39, v38;
	v20 =	vadd.f32 v61, v20;
	v21 =	vadd.f32 v21, v24;
	v22 =	vld [tilespmem:s29+$0x60]  }
0x9e: {  	s6 =	simm.s32 $0x1DDA0;
	v24 =	vld [tilespmem:s29+$0x70];
	v63 =	vadd.f32 v18, v19;
	v30 =	vadd.f32 v30, v27  }
0x9f: {  	[tilespmem:s6+$0x10] =	vst v59;
	v18 =	vmul.f32 v35, v34;
	v19 =	vadd.f32 v31, v25;
	v20 =	vadd.f32 v20, v26;
	v25 =	vld [tilespmem:s21+$0x70]  }
0xa0: {  	s26 =	simm.s32 $0x0;
	s28 =	simm.s32 $0x13F80;
	v26 =	vmul.f32 v60, v28;
	v27 =	vld [tilespmem:s29+$0xFFFFFF00];
	v28 =	vmul.f32 v29, v62;
	[tilespmem:s6+$0xFFFFFFF0] =	vst v63;
	v21 =	vadd.f32 v30, v21  }
.LBB2_3:
0xa1: {  	v29 =	vld [tilespmem:s28+$0x80];
	s21 =	sadd.s32 $0x200, s21  }
0xa2: {  	v30 =	vld [tilespmem:s21+$0x80];
	v22 =	vmul.f32 v23, v22;
	v23 =	vadd.f32 v28, v26  }
0xa3: {  	v26 =	vld [tilespmem:s28+$0x90]  }
0xa4: {  	v28 =	vld [tilespmem:s21+$0x90];
	v24 =	vmul.f32 v25, v24  }
0xa5: {  	v25 =	vld [tilespmem:s28+$0xA0];
	v17 =	vmul.f32 v17, v27  }
0xa6: {  	v27 =	vld [tilespmem:s21+$0xA0];
	v22 =	vadd.f32 v24, v22  }
0xa7: {  	v24 =	vld [tilespmem:s28+$0xB0];
	v17 =	vadd.f32 v18, v17  }
0xa8: {  	v18 =	vld [tilespmem:s21+$0xB0];
	v22 =	vadd.f32 v22, v23  }
0xa9: {  	v23 =	vld [tilespmem:s28+$0xC0];
	v17 =	vadd.f32 v19, v17  }
0xaa: {  	v19 =	vld [tilespmem:s21+$0xC0];
	v21 =	vadd.f32 v22, v21  }
0xab: {  	v22 =	vld [tilespmem:s28+$0xD0];
	v17 =	vadd.f32 v20, v17  }
0xac: {  	v20 =	vld [tilespmem:s21+$0xD0];
	[tilespmem:s6+$0x0] =	vst v21  }
0xad: {  	v21 =	vld [tilespmem:s28+$0xE0];
	[tilespmem:s6+$0xFFFFFFE0] =	vst v17  }
0xae: {  	v31 =	vld [tilespmem:s21+$0xE0]  }
0xaf: {  	v32 =	vld [tilespmem:s28+$0xF0]  }
0xb0: {  	s26 =	sadd.s32 $0x4, s26;
	v33 =	vld [tilespmem:s21+$0xF0]  }
0xb1: {  	p1 =	slt.u32 s26, $0x4C;
	v17 =	vld [tilespmem:s21+$0xFFFFFF00]  }
0xb2: {  	v29 =	vmul.f32 v30, v29;
	v26 =	vmul.f32 v28, v26;
	v34 =	vld [tilespmem:s28+$0xFFFFFF10]  }
0xb3: {  	v25 =	vmul.f32 v27, v25;
	v18 =	vmul.f32 v18, v24;
	v28 =	vld [tilespmem:s21+$0xFFFFFF10]  }
0xb4: {  	v19 =	vmul.f32 v19, v23;
	v20 =	vmul.f32 v20, v22;
	v24 =	vld [tilespmem:s28+$0xFFFFFF20]  }
0xb5: {  	v21 =	vmul.f32 v31, v21;
	v22 =	vld [tilespmem:s21+$0xFFFFFF20];
	v23 =	vmul.f32 v33, v32  }
0xb6: {  	v26 =	vadd.f32 v26, v29;
	v25 =	vadd.f32 v18, v25;
	v27 =	vld [tilespmem:s28+$0xFFFFFF30]  }
0xb7: {  	v19 =	vadd.f32 v20, v19;
	v29 =	vld [tilespmem:s21+$0xFFFFFF30];
	v20 =	vadd.f32 v23, v21  }
0xb8: {  	v18 =	vmul.f32 v28, v34;
	v21 =	vld [tilespmem:s28+$0xFFFFFF40]  }
0xb9: {  	v25 =	vadd.f32 v25, v26;
	v23 =	vld [tilespmem:s21+$0xFFFFFF40];
	v19 =	vadd.f32 v20, v19  }
0xba: {  	v20 =	vmul.f32 v22, v24;
	v22 =	vld [tilespmem:s28+$0xFFFFFF50]  }
0xbb: {  	v24 =	vld [tilespmem:s21+$0xFFFFFF50];
	v19 =	vadd.f32 v19, v25  }
0xbc: {  	s6 =	sadd.s32 $0x40, s6;
	v25 =	vmul.f32 v29, v27;
	v26 =	vld [tilespmem:s28+$0xFFFFFF60]  }
0xbd: {  	s29 =	simm.s32 $0x0;
	s15 =	simm.s32 $0x1DC80;
	v27 =	vld [tilespmem:s21+$0xFFFFFF60];
	[tilespmem:s6+$0x10] =	vst v19  }
0xbe: {  	v21 =	vmul.f32 v23, v21;
	v23 =	vld [tilespmem:s28+$0xFFFFFF70];
	v19 =	vadd.f32 v25, v20  }
0xbf: {  	v20 =	vld [tilespmem:s21+$0xFFFFFF70]  }
0xc0: {  	v22 =	vmul.f32 v24, v22;
	v24 =	vld [tilespmem:s28+$0xFFFFFF80]  }
0xc1: {  	v25 =	vld [tilespmem:s21+$0xFFFFFF80]  }
0xc2: {  	v26 =	vmul.f32 v27, v26;
	v21 =	vadd.f32 v22, v21;
	v22 =	vld [tilespmem:s28+$0xFFFFFF90]  }
0xc3: {  	v27 =	vld [tilespmem:s21+$0xFFFFFF90]  }
0xc4: {  	v20 =	vmul.f32 v20, v23;
	v23 =	vld [tilespmem:s28+$0xFFFFFFA0]  }
0xc5: {  	v28 =	vld [tilespmem:s21+$0xFFFFFFA0]  }
0xc6: {  	v20 =	vadd.f32 v20, v26;
	v24 =	vmul.f32 v25, v24;
	v25 =	vld [tilespmem:s28+$0xFFFFFFB0]  }
0xc7: {  	v26 =	vld [tilespmem:s21+$0xFFFFFFB0]  }
0xc8: {  	v20 =	vadd.f32 v20, v21;
	v21 =	vmul.f32 v27, v22;
	v22 =	vld [tilespmem:s28+$0xFFFFFFC0]  }
0xc9: {  	v27 =	vld [tilespmem:s21+$0xFFFFFFC0]  }
0xca: {  	v23 =	vmul.f32 v28, v23;
	v28 =	vld [tilespmem:s28+$0xFFFFFFD0];
	v21 =	vadd.f32 v21, v24  }
0xcb: {  	v24 =	vld [tilespmem:s21+$0xFFFFFFD0]  }
0xcc: {  	v25 =	vmul.f32 v26, v25;
	v26 =	vld [tilespmem:s28+$0xFFFFFFE0]  }
0xcd: {  	v29 =	vld [tilespmem:s21+$0xFFFFFFE0]  }
0xce: {  	v22 =	vmul.f32 v27, v22;
	v27 =	vld [tilespmem:s28+$0xFFFFFFF0];
	v23 =	vadd.f32 v25, v23  }
0xcf: {  	v25 =	vld [tilespmem:s21+$0xFFFFFFF0]  }
0xd0: {  	v24 =	vmul.f32 v24, v28;
	v21 =	vadd.f32 v23, v21;
	v23 =	vld [tilespmem:s28+$0x0]  }
0xd1: {  	v28 =	vld [tilespmem:s21+$0x0]  }
0xd2: {  	v26 =	vmul.f32 v29, v26;
	v22 =	vadd.f32 v24, v22;
	v24 =	vld [tilespmem:s28+$0x10]  }
0xd3: {  	v29 =	vld [tilespmem:s21+$0x10]  }
0xd4: {  	v25 =	vmul.f32 v25, v27;
	v27 =	vld [tilespmem:s28+$0x20]  }
0xd5: {  	v30 =	vld [tilespmem:s21+$0x20]  }
0xd6: {  	v25 =	vadd.f32 v25, v26;
	v23 =	vmul.f32 v28, v23;
	v26 =	vld [tilespmem:s28+$0x30]  }
0xd7: {  	v28 =	vld [tilespmem:s21+$0x30]  }
0xd8: {  	v22 =	vadd.f32 v25, v22;
	v24 =	vmul.f32 v29, v24;
	v25 =	vld [tilespmem:s28+$0x40]  }
0xd9: {  	v29 =	vld [tilespmem:s21+$0x40]  }
0xda: {  	v21 =	vadd.f32 v22, v21;
	v27 =	vmul.f32 v30, v27;
	v30 =	vld [tilespmem:s28+$0x50];
	v31 =	vadd.f32 v24, v23  }
0xdb: {  	v32 =	vld [tilespmem:s21+$0x50]  }
.Ltmp0:
0xdc: {  	[tilespmem:s6+$0xFFFFFFF0] =	vst v21;
	v21 =	vmul.f32 v28, v26;
	v22 =	vld [tilespmem:s28+$0x60];
	(pc) =	sbr.rel @p1 .LBB2_3-.Ltmp0, $4  }
0xdd: {  	v23 =	vld [tilespmem:s21+$0x60]  }
0xde: {  	v26 =	vmul.f32 v29, v25;
	v24 =	vld [tilespmem:s28+$0x70];
	v21 =	vadd.f32 v21, v27  }
0xdf: {  	v25 =	vld [tilespmem:s21+$0x70]  }
0xe0: {  	v27 =	vld [tilespmem:s28+$0xFFFFFF00];
	v28 =	vmul.f32 v32, v30;
	v21 =	vadd.f32 v21, v31;
	s28 =	sadd.s32 $0x200, s28  }
0xe1: {  	_ =	sdelay $0x2  }
0xe2: {  	v22 =	vmul.f32 v23, v22;
	v23 =	vmul.f32 v25, v24  }
0xe3: {  	v17 =	vmul.f32 v17, v27  }
0xe4: {  	v24 =	vadd.f32 v28, v26;
	v22 =	vadd.f32 v23, v22  }
0xe5: {  	v17 =	vadd.f32 v18, v17  }
0xe6: {  	v18 =	vadd.f32 v22, v24;
	v22 =	vor.u32 s29, v0  }
0xe7: {  	v17 =	vadd.f32 v19, v17;
	v19 =	vand.u32 v1, v22  }
0xe8: {  	v22 =	vor.u32 s29, v8;
	v18 =	vadd.f32 v18, v21  }
0xe9: {  	v21 =	vor.u32 s29, v2;
	v17 =	vadd.f32 v20, v17  }
0xea: {  	v23 =	vor.u32 s29, v5;
	[tilespmem:s6+$0x0] =	vst v18  }
0xeb: {  	v20 =	vor.u32 s29, v3;
	[tilespmem:s6+$0xFFFFFFE0] =	vst v17  }
0xec: {  	v17 =	vor.u32 s29, v12;
	v19 =	vld.idx.msk [tilespmem:v19+s30+$0x0], $0xffff  }
0xed: {  	v18 =	vor.u32 s29, v4;
	v22 =	vld.idx.msk [tilespmem:v22+s30+$0x0], $0xffff  }
0xee: {  	v24 =	vor.u32 s29, v7;
	v21 =	vld.idx.msk [tilespmem:v21+s30+$0x0], $0xffff  }
0xef: {  	v31 =	vor.u32 s29, v16;
	v23 =	vld.idx.msk [tilespmem:v23+s30+$0x0], $0xffff  }
0xf0: {  	s21 =	simm.s32 $0x100;
	v25 =	vor.u32 s29, v6;
	v20 =	vld.idx.msk [tilespmem:v20+s30+$0x0], $0xffff  }
0xf1: {  	v27 =	vor.u32 s21, v2;
	v26 =	vld.idx.msk [tilespmem:v17+s30+$0x0], $0xffff;
	v17 =	vor.u32 s21, v0;
	v19 =	vadd.f32 $0.0e+00, v19  }
0xf2: {  	v18 =	vld.idx.msk [tilespmem:v18+s30+$0x0], $0xffff;
	v17 =	vand.u32 v1, v17  }
0xf3: {  	v32 =	vor.u32 s29, v14;
	v24 =	vld.idx.msk [tilespmem:v24+s30+$0x0], $0xffff;
	v19 =	vadd.f32 v21, v19  }
0xf4: {  	v35 =	vld.idx.msk [tilespmem:v31+s30+$0x0], $0xffff;
	v31 =	vor.u32 s21, v8  }
0xf5: {  	v28 =	vor.u32 s21, v3;
	v25 =	vld.idx.msk [tilespmem:v25+s30+$0x0], $0xffff;
	v19 =	vadd.f32 v20, v19  }
0xf6: {  	v29 =	vor.u32 s21, v12;
	v20 =	vld.idx.msk [tilespmem:v27+s30+$0x0], $0xffff  }
0xf7: {  	s6 =	simm.s32 $0x200;
	v27 =	vor.u32 s29, v9;
	v30 =	vld.idx.msk [tilespmem:v17+s30+$0x0], $0xffff;
	v17 =	vadd.f32 v18, v19  }
0xf8: {  	v32 =	vld.idx.msk [tilespmem:v32+s30+$0x0], $0xffff;
	v36 =	vor.u32 s6, v2  }
0xf9: {  	v60 =	vld.idx.msk [tilespmem:v31+s30+$0x0], $0xffff;
	v19 =	vor.u32 s29, v10;
	v23 =	vadd.f32 v23, v17  }
0xfa: {  	v21 =	vor.u32 s21, v4;
	v18 =	vld.idx.msk [tilespmem:v28+s30+$0x0], $0xffff  }
0xfb: {  	v17 =	vld.idx.msk [tilespmem:v29+s30+$0x0], $0xffff;
	v29 =	vor.u32 s29, v11;
	v23 =	vadd.f32 v25, v23  }
0xfc: {  	v28 =	vor.u32 s29, v15;
	v27 =	vld.idx.msk [tilespmem:v27+s30+$0x0], $0xffff  }
0xfd: {  	v33 =	vor.u32 s21, v7;
	v36 =	vld.idx.msk [tilespmem:v36+s30+$0x0], $0xffff;
	v23 =	vadd.f32 v24, v23  }
0xfe: {  	v25 =	vor.u32 s29, v13;
	v19 =	vld.idx.msk [tilespmem:v19+s30+$0x0], $0xffff  }
0xff: {  	v21 =	vld.idx.msk [tilespmem:v21+s30+$0x0], $0xffff;
	v30 =	vadd.f32 $0.0e+00, v30;
	v24 =	vor.u32 s21, v5;
	v22 =	vadd.f32 v22, v23  }
0x100: {  	v34 =	vor.u32 s6, v0;
	v31 =	vor.u32 s6, v3;
	v29 =	vld.idx.msk [tilespmem:v29+s30+$0x0], $0xffff  }
0x101: {  	v28 =	vld.idx.msk [tilespmem:v28+s30+$0x0], $0xffff;
	v20 =	vadd.f32 v20, v30;
	v23 =	vor.u32 s21, v6;
	v22 =	vadd.f32 v27, v22  }
0x102: {  	v30 =	vld.idx.msk [tilespmem:v33+s30+$0x0], $0xffff;
	v27 =	vand.u32 v1, v34  }
0x103: {  	v18 =	vadd.f32 v18, v20;
	v25 =	vld.idx.msk [tilespmem:v25+s30+$0x0], $0xffff;
	v19 =	vadd.f32 v19, v22;
	v22 =	vor.u32 s6, v4  }
0x104: {  	v61 =	vor.u32 s6, v12;
	v24 =	vld.idx.msk [tilespmem:v24+s30+$0x0], $0xffff  }
0x105: {  	v18 =	vadd.f32 v21, v18;
	v21 =	vld.idx.msk [tilespmem:v31+s30+$0x0], $0xffff;
	v31 =	vor.u32 s21, v10;
	v19 =	vadd.f32 v29, v19  }
0x106: {  	v23 =	vld.idx.msk [tilespmem:v23+s30+$0x0], $0xffff;
	v29 =	vor.u32 s21, v9  }
0x107: {  	v37 =	vor.u32 s21, v16;
	v27 =	vld.idx.msk [tilespmem:v27+s30+$0x0], $0xffff;
	v19 =	vadd.f32 v26, v19  }
0x108: {  	v38 =	vor.u32 s21, v15;
	v20 =	vld.idx.msk [tilespmem:v22+s30+$0x0], $0xffff  }
0x109: {  	v62 =	vor.u32 s21, v11;
	v18 =	vadd.f32 v24, v18;
	v22 =	vadd.f32 v25, v19;
	v19 =	vld.idx.msk [tilespmem:v61+s30+$0x0], $0xffff  }
0x10a: {  	v39 =	vor.u32 s21, v14;
	v25 =	vld.idx.msk [tilespmem:v31+s30+$0x0], $0xffff  }
0x10b: {  	v18 =	vadd.f32 v23, v18;
	v24 =	vld.idx.msk [tilespmem:v29+s30+$0x0], $0xffff;
	v23 =	vadd.f32 v32, v22  }
0x10c: {  	v26 =	vor.u32 s21, v13;
	v22 =	vld.idx.msk [tilespmem:v37+s30+$0x0], $0xffff;
	v27 =	vadd.f32 $0.0e+00, v27  }
0x10d: {  	v29 =	vor.u32 s6, v8;
	v63 =	vadd.f32 v30, v18;
	v18 =	vld.idx.msk [tilespmem:v38+s30+$0x0], $0xffff;
	v28 =	vadd.f32 v28, v23  }
0x10e: {  	v33 =	vor.u32 s6, v6;
	v32 =	vor.u32 s6, v5;
	v30 =	vadd.f32 v36, v27;
	v27 =	vld.idx.msk [tilespmem:v62+s30+$0x0], $0xffff  }
0x10f: {  	s26 =	simm.s32 $0x300;
	s21 =	simm.s32 $0x1DC80;
	v31 =	vor.u32 s6, v7;
	v34 =	vadd.f32 v60, v63;
	v23 =	vld.idx.msk [tilespmem:v39+s30+$0x0], $0xffff;
	v28 =	vadd.f32 v35, v28  }
.LBB2_5:
0x110: {  	p1 =	sne.s32 s26, $0x400  }
0x111: {  	v35 =	vor.u32 s26, v0;
	v36 =	vor.u32 s26, v2;
	v24 =	vadd.f32 v24, v34;
	v26 =	vld.idx.msk [tilespmem:v26+s30+$0x0], $0xffff;
	s15 =	sadd.s32 $0x10, s15;
	s28 =	smov.u32 s26;
	s26 =	sadd.s32 $0x100, s26  }
0x112: {  	v34 =	vand.u32 v1, v35;
	v35 =	vld.idx.msk [tilespmem:v29+s30+$0x0], $0xffff;
	[tilespmem:s21+$0x0] =	vst v28;
	v28 =	vmov v22;
	s21 =	smov.u32 s15  }
0x113: {  	v22 =	vor.u32 s28, v3;
	v29 =	vld.idx.msk [tilespmem:v32+s30+$0x0], $0xffff;
	v24 =	vadd.f32 v25, v24  }
0x114: {  	v25 =	vor.u32 s28, v4;
	v31 =	vld.idx.msk [tilespmem:v31+s30+$0x0], $0xffff  }
0x115: {  	v21 =	vadd.f32 v21, v30;
	v32 =	vor.u32 s28, v12;
	v30 =	vld.idx.msk [tilespmem:v33+s30+$0x0], $0xffff;
	v24 =	vadd.f32 v27, v24  }
0x116: {  	v33 =	vor.u32 s6, v9;
	v27 =	vld.idx.msk [tilespmem:v36+s30+$0x0], $0xffff  }
0x117: {  	v37 =	vor.u32 s6, v16;
	v36 =	vadd.f32 v20, v21;
	v34 =	vld.idx.msk [tilespmem:v34+s30+$0x0], $0xffff;
	v24 =	vadd.f32 v17, v24;
	v17 =	vmovc v19  }
0x118: {  	v38 =	vor.u32 s6, v10;
	v21 =	vld.idx.msk [tilespmem:v22+s30+$0x0], $0xffff  }
0x119: {  	v22 =	vadd.f32 v29, v36;
	v36 =	vor.u32 s6, v15;
	v20 =	vld.idx.msk [tilespmem:v25+s30+$0x0], $0xffff;
	v25 =	vadd.f32 v26, v24  }
0x11a: {  	v39 =	vor.u32 s6, v11;
	v19 =	vld.idx.msk [tilespmem:v32+s30+$0x0], $0xffff  }
0x11b: {  	v40 =	vor.u32 s6, v14;
	v30 =	vadd.f32 v30, v22;
	v24 =	vld.idx.msk [tilespmem:v33+s30+$0x0], $0xffff;
	v23 =	vadd.f32 v23, v25  }
.Ltmp1:
0x11c: {  	v26 =	vor.u32 s6, v13;
	s6 =	smov.u32 s28;
	v22 =	vld.idx.msk [tilespmem:v37+s30+$0x0], $0xffff;
	(pc) =	sbr.rel @p1 .LBB2_5-.Ltmp1, $4  }
0x11d: {  	v29 =	vor.u32 s6, v8;
	v33 =	vadd.f32 $0.0e+00, v34;
	v34 =	vadd.f32 v31, v30;
	v25 =	vld.idx.msk [tilespmem:v38+s30+$0x0], $0xffff  }
0x11e: {  	v32 =	vor.u32 s6, v5;
	v37 =	vadd.f32 v18, v23;
	v18 =	vld.idx.msk [tilespmem:v36+s30+$0x0], $0xffff  }
0x11f: {  	v31 =	vor.u32 s6, v7;
	v30 =	vadd.f32 v27, v33;
	v34 =	vadd.f32 v35, v34;
	v27 =	vld.idx.msk [tilespmem:v39+s30+$0x0], $0xffff  }
0x120: {  	v33 =	vor.u32 s6, v6;
	v28 =	vadd.f32 v28, v37;
	v23 =	vld.idx.msk [tilespmem:v40+s30+$0x0], $0xffff  }
0x121: {  	_ =	sdelay $0x3  }
0x122: {  	v32 =	vld.idx.msk [tilespmem:v32+s30+$0x0], $0xffff  }
0x123: {  	v21 =	vadd.f32 v21, v30  }
0x124: {  	v30 =	vld.idx.msk [tilespmem:v33+s30+$0x0], $0xffff  }
0x125: {  	v52 =	vor.u32 s6, v9;
	v20 =	vadd.f32 v20, v21  }
0x126: {  	v21 =	vld.idx.msk [tilespmem:v31+s30+$0x0], $0xffff  }
0x127: {  	v31 =	vor.u32 s6, v10;
	v20 =	vadd.f32 v32, v20  }
0x128: {  	v29 =	vld.idx.msk [tilespmem:v29+s30+$0x0], $0xffff  }
0x129: {  	v53 =	vor.u32 s6, v11;
	v20 =	vadd.f32 v30, v20  }
0x12a: {  	v30 =	vld.idx.msk [tilespmem:v52+s30+$0x0], $0xffff  }
0x12b: {  	v20 =	vadd.f32 v21, v20  }
0x12c: {  	v21 =	vld.idx.msk [tilespmem:v31+s30+$0x0], $0xffff  }
0x12d: {  	v31 =	vor.u32 s6, v13;
	v20 =	vadd.f32 v29, v20  }
0x12e: {  	v24 =	vadd.f32 v24, v34;
	v29 =	vld.idx.msk [tilespmem:v53+s30+$0x0], $0xffff  }
0x12f: {  	v54 =	vor.u32 s6, v14;
	v20 =	vadd.f32 v30, v20  }
0x130: {  	v24 =	vadd.f32 v25, v24  }
0x131: {  	v25 =	vld.idx.msk [tilespmem:v26+s30+$0x0], $0xffff;
	v26 =	vor.u32 s6, v15;
	v20 =	vadd.f32 v21, v20  }
0x132: {  	v21 =	vadd.f32 v27, v24;
	v24 =	vld.idx.msk [tilespmem:v31+s30+$0x0], $0xffff  }
0x133: {  	v27 =	vor.u32 s6, v16;
	v20 =	vadd.f32 v29, v20  }
0x134: {  	v17 =	vadd.f32 v17, v21;
	v21 =	vld.idx.msk [tilespmem:v54+s30+$0x0], $0xffff  }
0x135: {  	v19 =	vadd.f32 v19, v20  }
0x136: {  	v17 =	vadd.f32 v25, v17;
	v20 =	vld.idx.msk [tilespmem:v26+s30+$0x0], $0xffff  }
0x137: {  	v19 =	vadd.f32 v24, v19  }
0x138: {  	v17 =	vadd.f32 v23, v17;
	v23 =	vld.idx.msk [tilespmem:v27+s30+$0x0], $0xffff  }
0x139: {  	v19 =	vadd.f32 v21, v19  }
0x13a: {  	v17 =	vadd.f32 v18, v17  }
0x13b: {  	v18 =	vadd.f32 v20, v19  }
0x13c: {  	v17 =	vadd.f32 v22, v17  }
0x13d: {  	s15 =	sadd.s32 $0x10, s15;
	s26 =	sadd.s32 s23, s13;
	[tilespmem:s21+$0x0] =	vst v28;
	v18 =	vadd.f32 v23, v18  }
0x13e: {  	s29 =	sadd.s32 $0x10, s15;
	[tilespmem:s15+$0x0] =	vst v17;
	s15 =	sshrl.u32 s26, $0x3  }
0x13f: {  	s6 =	sadd.s32 s2, s15;
	[tilespmem:s29+$0x0] =	vst v18  }
0x140: {  	[hbm4b:s6+s4] =	stream.linear.scatter [tilespmem:s8], [sflag:$0x7], $0x50, $0x38;
	[tilespmem:$0x1E280] =	vst v63  }
0x141: {  	_ =	swait.ge [sflag:s7], $0x50  }
0x142: {  	[sflag:s7] =	ssyncset.done $0x0  }
0x143: {  	[sflag:s7] =	ssyncadd.s32 $0xFFFFFFB0  }
0x144: {  	_ =	swait.ge [sflag:s7], $0x50  }
0x145: {  	[sflag:s7] =	ssyncset.done $0x0  }
0x146: {  	s21 =	simm.s32 $0x13980;
	[sflag:s7] =	ssyncadd.s32 $0xFFFFFFB0  }
0x147: {  	[tilespmem:s19], [sflag:$0x5] =	stream.indirect.gather [spmem:s3], $0x80, s21, s18, $0xb8;
	[tilespmem:$0x1E280] =	vst v63  }
0x148: {  	s26 =	simm.s32 $0x13B80  }
0x149: {  	[tilespmem:s20], [sflag:$0x5] =	stream.indirect.gather [spmem:s3], $0x80, s26, s18, $0xb8;
	[tilespmem:$0x1E280] =	vst v63  }
0x14a: {  	_ =	swait.ge [sflag:s9], $0x2800  }
0x14b: {  	[sflag:s9] =	ssyncset.done $0x0  }
0x14c: {  	[sflag:s9] =	ssyncadd.s32 $0xFFFFD800  }
0x14d: {  	_ =	swait.ge [sflag:s9], $0x2800  }
0x14e: {  	p1 =	seq.s32 s11, $0x1E;
	s6 =	rddreg [dreg:$0x18]  }
0x14f: {  	p2 =	seq.s32 @!p1 s11, $0x0;
	s6 =	sadd.s32 @!p1 s13, s6  }
0x150: {  	s21 =	simm.s32 @!p1 $0x0;
	[sflag:s9] =	ssyncset.done $0x0;
	s6 =	sshrl.u32 @!p1 s6, $0x3  }
0x151: {  	s26 =	simm.s32 @!p1 $0x13900;
	[sflag:s9] =	ssyncadd.s32 $0xFFFFD800;
	s15 =	sadd.s32 @!p1 s5, s6  }
0x152: {  	[tilespmem:s26], [sflag:$0x2] =	stream.linear.gather @!p1 [hbm4b:s15+s21], $0x50, $0x38;
	[tilespmem:$0x1E280] =	vst v63  }
0x153: {  	p2 =	por p1, !p2;
	s6 =	sadd.s32 @!p1 s1, s6;
	s15 =	simm.s32 @!p1 $0x13B00  }
0x154: {  	[tilespmem:s15], [sflag:$0x2] =	stream.linear.gather @!p1 [hbm4b:s6+s21], $0x50, $0x38;
	[tilespmem:$0x1E280] =	vst v63  }
0x155: {  	_ =	swait.ge @p2 [sflag:s16], $0x50  }
0x156: {  	[sflag:s16] =	ssyncset.done @p2 $0x0  }
0x157: {  	s29 =	simm.s32 $0x16580;
	[sflag:s16] =	ssyncadd.s32 @p2 $0xFFFFFFB0  }
0x158: {  	s21 =	simm.s32 $0x1B580;
	v18 =	vld [tilespmem:s29+$0x80]  }
0x159: {  	v19 =	vld [tilespmem:s21+$0x80]  }
0x15a: {  	v20 =	vld [tilespmem:s29+$0x90]  }
0x15b: {  	v21 =	vld [tilespmem:s21+$0x90]  }
0x15c: {  	v22 =	vld [tilespmem:s29+$0xA0]  }
0x15d: {  	v23 =	vld [tilespmem:s21+$0xA0]  }
0x15e: {  	v24 =	vld [tilespmem:s29+$0xB0]  }
0x15f: {  	v25 =	vld [tilespmem:s21+$0xB0]  }
0x160: {  	v26 =	vld [tilespmem:s29+$0xC0]  }
0x161: {  	v27 =	vld [tilespmem:s21+$0xC0]  }
0x162: {  	v28 =	vld [tilespmem:s29+$0xD0]  }
0x163: {  	v29 =	vld [tilespmem:s21+$0xD0]  }
0x164: {  	v30 =	vld [tilespmem:s29+$0xE0]  }
0x165: {  	v31 =	vld [tilespmem:s21+$0xE0]  }
0x166: {  	v32 =	vld [tilespmem:s29+$0xF0]  }
0x167: {  	v33 =	vld [tilespmem:s21+$0xF0]  }
0x168: {  	v17 =	vld [tilespmem:s21+$0xFFFFFF00]  }
0x169: {  	v34 =	vld [tilespmem:s29+$0xFFFFFF10]  }
0x16a: {  	v35 =	vld [tilespmem:s21+$0xFFFFFF10]  }
0x16b: {  	v36 =	vld [tilespmem:s29+$0xFFFFFF20]  }
0x16c: {  	v37 =	vld [tilespmem:s21+$0xFFFFFF20]  }
0x16d: {  	v38 =	vld [tilespmem:s29+$0xFFFFFF30]  }
0x16e: {  	v39 =	vld [tilespmem:s21+$0xFFFFFF30]  }
0x16f: {  	v40 =	vld [tilespmem:s29+$0xFFFFFF40]  }
0x170: {  	v41 =	vld [tilespmem:s21+$0xFFFFFF40]  }
0x171: {  	v42 =	vld [tilespmem:s29+$0xFFFFFF50]  }
0x172: {  	v43 =	vld [tilespmem:s21+$0xFFFFFF50]  }
0x173: {  	v44 =	vld [tilespmem:s29+$0xFFFFFF60]  }
0x174: {  	v45 =	vld [tilespmem:s21+$0xFFFFFF60]  }
0x175: {  	v46 =	vld [tilespmem:s29+$0xFFFFFF70]  }
0x176: {  	v47 =	vld [tilespmem:s21+$0xFFFFFF70]  }
0x177: {  	v48 =	vld [tilespmem:s29+$0xFFFFFF80]  }
0x178: {  	v49 =	vld [tilespmem:s21+$0xFFFFFF80]  }
0x179: {  	v50 =	vld [tilespmem:s29+$0xFFFFFF90]  }
0x17a: {  	v51 =	vld [tilespmem:s21+$0xFFFFFF90]  }
0x17b: {  	v52 =	vld [tilespmem:s29+$0xFFFFFFA0]  }
0x17c: {  	v53 =	vld [tilespmem:s21+$0xFFFFFFA0]  }
0x17d: {  	v54 =	vld [tilespmem:s29+$0xFFFFFFB0]  }
0x17e: {  	v55 =	vld [tilespmem:s21+$0xFFFFFFB0]  }
0x17f: {  	v56 =	vld [tilespmem:s29+$0xFFFFFFC0]  }
0x180: {  	v57 =	vld [tilespmem:s21+$0xFFFFFFC0]  }
0x181: {  	v58 =	vld [tilespmem:s29+$0xFFFFFFD0]  }
0x182: {  	v59 =	vld [tilespmem:s21+$0xFFFFFFD0]  }
0x183: {  	v60 =	vld [tilespmem:s29+$0xFFFFFFE0]  }
0x184: {  	v61 =	vld [tilespmem:s21+$0xFFFFFFE0]  }
0x185: {  	v18 =	vmul.f32 v19, v18;
	v19 =	vmul.f32 v21, v20;
	v20 =	vld [tilespmem:s29+$0xFFFFFFF0]  }
0x186: {  	v21 =	vmul.f32 v23, v22;
	v22 =	vmul.f32 v25, v24;
	v23 =	vld [tilespmem:s21+$0xFFFFFFF0]  }
0x187: {  	v24 =	vmul.f32 v27, v26;
	v25 =	vmul.f32 v29, v28;
	v26 =	vld [tilespmem:s29+$0x0]  }
0x188: {  	v27 =	vmul.f32 v31, v30;
	v28 =	vmul.f32 v33, v32;
	v29 =	vld [tilespmem:s21+$0x0]  }
0x189: {  	v30 =	vld [tilespmem:s29+$0x20];
	v18 =	vadd.f32 v19, v18;
	v19 =	vadd.f32 v22, v21  }
0x18a: {  	v31 =	vmul.f32 v55, v54;
	v55 =	vld [tilespmem:s21+$0x20];
	v22 =	vadd.f32 v25, v24;
	v24 =	vadd.f32 v28, v27  }
0x18b: {  	v56 =	vmul.f32 v57, v56;
	v57 =	vmul.f32 v59, v58;
	v21 =	vld [tilespmem:s29+$0x10]  }
0x18c: {  	v25 =	vmul.f32 v37, v36;
	v27 =	vld [tilespmem:s21+$0x10];
	v18 =	vadd.f32 v19, v18;
	v22 =	vadd.f32 v24, v22  }
0x18d: {  	v58 =	vld [tilespmem:s29+$0x30];
	v28 =	vmul.f32 v51, v50;
	v33 =	vadd.f32 v57, v56;
	v19 =	vmul.f32 v49, v48  }
0x18e: {  	v24 =	vmul.f32 v53, v52;
	v20 =	vmul.f32 v23, v20;
	v59 =	vadd.f32 v22, v18;
	v22 =	vld [tilespmem:s21+$0x30]  }
0x18f: {  	v62 =	vld [tilespmem:s29+$0x50];
	v23 =	vmul.f32 v41, v40;
	v18 =	vmul.f32 v61, v60;
	v19 =	vadd.f32 v28, v19  }
0x190: {  	v24 =	vadd.f32 v31, v24;
	v28 =	vld [tilespmem:s29+$0x40];
	v31 =	vmul.f32 v43, v42;
	v61 =	vmul.f32 v47, v46  }
0x191: {  	v60 =	vld [tilespmem:s21+$0x40];
	v21 =	vmul.f32 v27, v21;
	v27 =	vmul.f32 v55, v30;
	v18 =	vadd.f32 v20, v18  }
0x192: {  	v20 =	vmul.f32 v45, v44;
	v19 =	vadd.f32 v24, v19;
	v24 =	vmul.f32 v29, v26;
	v29 =	vld [tilespmem:s21+$0x50]  }
0x193: {  	v26 =	vadd.f32 v31, v23;
	v23 =	vld [tilespmem:s21+$0x60];
	v18 =	vadd.f32 v18, v33;
	v30 =	vmul.f32 v22, v58  }
0x194: {  	v31 =	vmul.f32 v39, v38;
	v20 =	vadd.f32 v61, v20;
	v21 =	vadd.f32 v21, v24;
	v22 =	vld [tilespmem:s29+$0x60]  }
0x195: {  	s6 =	simm.s32 $0x1DDA0;
	v24 =	vld [tilespmem:s29+$0x70];
	v63 =	vadd.f32 v18, v19;
	v30 =	vadd.f32 v30, v27  }
0x196: {  	[tilespmem:s6+$0x10] =	vst v59;
	v18 =	vmul.f32 v35, v34;
	v19 =	vadd.f32 v31, v25;
	v20 =	vadd.f32 v20, v26;
	v25 =	vld [tilespmem:s21+$0x70]  }
0x197: {  	s28 =	simm.s32 $0x16780;
	s26 =	simm.s32 $0x0;
	v26 =	vmul.f32 v60, v28;
	v27 =	vld [tilespmem:s29+$0xFFFFFF00];
	v28 =	vmul.f32 v29, v62;
	[tilespmem:s6+$0xFFFFFFF0] =	vst v63;
	v21 =	vadd.f32 v30, v21  }
.LBB2_7:
0x198: {  	v29 =	vld [tilespmem:s28+$0x80];
	s21 =	sadd.s32 $0x200, s21  }
0x199: {  	v30 =	vld [tilespmem:s21+$0x80];
	v22 =	vmul.f32 v23, v22;
	v23 =	vadd.f32 v28, v26  }
0x19a: {  	v26 =	vld [tilespmem:s28+$0x90]  }
0x19b: {  	v28 =	vld [tilespmem:s21+$0x90];
	v24 =	vmul.f32 v25, v24  }
0x19c: {  	v25 =	vld [tilespmem:s28+$0xA0];
	v17 =	vmul.f32 v17, v27  }
0x19d: {  	v27 =	vld [tilespmem:s21+$0xA0];
	v22 =	vadd.f32 v24, v22  }
0x19e: {  	v24 =	vld [tilespmem:s28+$0xB0];
	v17 =	vadd.f32 v18, v17  }
0x19f: {  	v18 =	vld [tilespmem:s21+$0xB0];
	v22 =	vadd.f32 v22, v23  }
0x1a0: {  	v23 =	vld [tilespmem:s28+$0xC0];
	v17 =	vadd.f32 v19, v17  }
0x1a1: {  	v19 =	vld [tilespmem:s21+$0xC0];
	v21 =	vadd.f32 v22, v21  }
0x1a2: {  	v22 =	vld [tilespmem:s28+$0xD0];
	v17 =	vadd.f32 v20, v17  }
0x1a3: {  	v20 =	vld [tilespmem:s21+$0xD0];
	[tilespmem:s6+$0x0] =	vst v21  }
0x1a4: {  	v21 =	vld [tilespmem:s28+$0xE0];
	[tilespmem:s6+$0xFFFFFFE0] =	vst v17  }
0x1a5: {  	v31 =	vld [tilespmem:s21+$0xE0]  }
0x1a6: {  	v32 =	vld [tilespmem:s28+$0xF0]  }
0x1a7: {  	s26 =	sadd.s32 $0x4, s26;
	v33 =	vld [tilespmem:s21+$0xF0]  }
0x1a8: {  	p2 =	slt.u32 s26, $0x4C;
	v17 =	vld [tilespmem:s21+$0xFFFFFF00]  }
0x1a9: {  	v29 =	vmul.f32 v30, v29;
	v26 =	vmul.f32 v28, v26;
	v34 =	vld [tilespmem:s28+$0xFFFFFF10]  }
0x1aa: {  	v25 =	vmul.f32 v27, v25;
	v18 =	vmul.f32 v18, v24;
	v28 =	vld [tilespmem:s21+$0xFFFFFF10]  }
0x1ab: {  	v19 =	vmul.f32 v19, v23;
	v20 =	vmul.f32 v20, v22;
	v24 =	vld [tilespmem:s28+$0xFFFFFF20]  }
0x1ac: {  	v21 =	vmul.f32 v31, v21;
	v22 =	vld [tilespmem:s21+$0xFFFFFF20];
	v23 =	vmul.f32 v33, v32  }
0x1ad: {  	v26 =	vadd.f32 v26, v29;
	v25 =	vadd.f32 v18, v25;
	v27 =	vld [tilespmem:s28+$0xFFFFFF30]  }
0x1ae: {  	v19 =	vadd.f32 v20, v19;
	v29 =	vld [tilespmem:s21+$0xFFFFFF30];
	v20 =	vadd.f32 v23, v21  }
0x1af: {  	v18 =	vmul.f32 v28, v34;
	v21 =	vld [tilespmem:s28+$0xFFFFFF40]  }
0x1b0: {  	v25 =	vadd.f32 v25, v26;
	v23 =	vld [tilespmem:s21+$0xFFFFFF40];
	v19 =	vadd.f32 v20, v19  }
0x1b1: {  	v20 =	vmul.f32 v22, v24;
	v22 =	vld [tilespmem:s28+$0xFFFFFF50]  }
0x1b2: {  	v24 =	vld [tilespmem:s21+$0xFFFFFF50];
	v19 =	vadd.f32 v19, v25  }
0x1b3: {  	s6 =	sadd.s32 $0x40, s6;
	v25 =	vmul.f32 v29, v27;
	v26 =	vld [tilespmem:s28+$0xFFFFFF60]  }
0x1b4: {  	s29 =	simm.s32 $0x0;
	s15 =	simm.s32 $0x1DD00;
	v27 =	vld [tilespmem:s21+$0xFFFFFF60];
	[tilespmem:s6+$0x10] =	vst v19  }
0x1b5: {  	v21 =	vmul.f32 v23, v21;
	v23 =	vld [tilespmem:s28+$0xFFFFFF70];
	v19 =	vadd.f32 v25, v20  }
0x1b6: {  	v20 =	vld [tilespmem:s21+$0xFFFFFF70]  }
0x1b7: {  	v22 =	vmul.f32 v24, v22;
	v24 =	vld [tilespmem:s28+$0xFFFFFF80]  }
0x1b8: {  	v25 =	vld [tilespmem:s21+$0xFFFFFF80]  }
0x1b9: {  	v26 =	vmul.f32 v27, v26;
	v21 =	vadd.f32 v22, v21;
	v22 =	vld [tilespmem:s28+$0xFFFFFF90]  }
0x1ba: {  	v27 =	vld [tilespmem:s21+$0xFFFFFF90]  }
0x1bb: {  	v20 =	vmul.f32 v20, v23;
	v23 =	vld [tilespmem:s28+$0xFFFFFFA0]  }
0x1bc: {  	v28 =	vld [tilespmem:s21+$0xFFFFFFA0]  }
0x1bd: {  	v20 =	vadd.f32 v20, v26;
	v24 =	vmul.f32 v25, v24;
	v25 =	vld [tilespmem:s28+$0xFFFFFFB0]  }
0x1be: {  	v26 =	vld [tilespmem:s21+$0xFFFFFFB0]  }
0x1bf: {  	v20 =	vadd.f32 v20, v21;
	v21 =	vmul.f32 v27, v22;
	v22 =	vld [tilespmem:s28+$0xFFFFFFC0]  }
0x1c0: {  	v27 =	vld [tilespmem:s21+$0xFFFFFFC0]  }
0x1c1: {  	v23 =	vmul.f32 v28, v23;
	v28 =	vld [tilespmem:s28+$0xFFFFFFD0];
	v21 =	vadd.f32 v21, v24  }
0x1c2: {  	v24 =	vld [tilespmem:s21+$0xFFFFFFD0]  }
0x1c3: {  	v25 =	vmul.f32 v26, v25;
	v26 =	vld [tilespmem:s28+$0xFFFFFFE0]  }
0x1c4: {  	v29 =	vld [tilespmem:s21+$0xFFFFFFE0]  }
0x1c5: {  	v22 =	vmul.f32 v27, v22;
	v27 =	vld [tilespmem:s28+$0xFFFFFFF0];
	v23 =	vadd.f32 v25, v23  }
0x1c6: {  	v25 =	vld [tilespmem:s21+$0xFFFFFFF0]  }
0x1c7: {  	v24 =	vmul.f32 v24, v28;
	v21 =	vadd.f32 v23, v21;
	v23 =	vld [tilespmem:s28+$0x0]  }
0x1c8: {  	v28 =	vld [tilespmem:s21+$0x0]  }
0x1c9: {  	v26 =	vmul.f32 v29, v26;
	v22 =	vadd.f32 v24, v22;
	v24 =	vld [tilespmem:s28+$0x10]  }
0x1ca: {  	v29 =	vld [tilespmem:s21+$0x10]  }
0x1cb: {  	v25 =	vmul.f32 v25, v27;
	v27 =	vld [tilespmem:s28+$0x20]  }
0x1cc: {  	v30 =	vld [tilespmem:s21+$0x20]  }
0x1cd: {  	v25 =	vadd.f32 v25, v26;
	v23 =	vmul.f32 v28, v23;
	v26 =	vld [tilespmem:s28+$0x30]  }
0x1ce: {  	v28 =	vld [tilespmem:s21+$0x30]  }
0x1cf: {  	v22 =	vadd.f32 v25, v22;
	v24 =	vmul.f32 v29, v24;
	v25 =	vld [tilespmem:s28+$0x40]  }
0x1d0: {  	v29 =	vld [tilespmem:s21+$0x40]  }
0x1d1: {  	v21 =	vadd.f32 v22, v21;
	v27 =	vmul.f32 v30, v27;
	v30 =	vld [tilespmem:s28+$0x50];
	v31 =	vadd.f32 v24, v23  }
0x1d2: {  	v32 =	vld [tilespmem:s21+$0x50]  }
.Ltmp2:
0x1d3: {  	[tilespmem:s6+$0xFFFFFFF0] =	vst v21;
	v21 =	vmul.f32 v28, v26;
	v22 =	vld [tilespmem:s28+$0x60];
	(pc) =	sbr.rel @p2 .LBB2_7-.Ltmp2, $4  }
0x1d4: {  	v23 =	vld [tilespmem:s21+$0x60]  }
0x1d5: {  	v26 =	vmul.f32 v29, v25;
	v24 =	vld [tilespmem:s28+$0x70];
	v21 =	vadd.f32 v21, v27  }
0x1d6: {  	v25 =	vld [tilespmem:s21+$0x70]  }
0x1d7: {  	v27 =	vld [tilespmem:s28+$0xFFFFFF00];
	v28 =	vmul.f32 v32, v30;
	v21 =	vadd.f32 v21, v31;
	s28 =	sadd.s32 $0x200, s28  }
0x1d8: {  	_ =	sdelay $0x2  }
0x1d9: {  	v22 =	vmul.f32 v23, v22;
	v23 =	vmul.f32 v25, v24  }
0x1da: {  	v17 =	vmul.f32 v17, v27  }
0x1db: {  	v24 =	vadd.f32 v28, v26;
	v22 =	vadd.f32 v23, v22  }
0x1dc: {  	v17 =	vadd.f32 v18, v17  }
0x1dd: {  	v18 =	vadd.f32 v22, v24;
	v22 =	vor.u32 s29, v0  }
0x1de: {  	v17 =	vadd.f32 v19, v17;
	v19 =	vand.u32 v1, v22  }
0x1df: {  	v22 =	vor.u32 s29, v8;
	v18 =	vadd.f32 v18, v21  }
0x1e0: {  	v21 =	vor.u32 s29, v2;
	v17 =	vadd.f32 v20, v17  }
0x1e1: {  	v23 =	vor.u32 s29, v5;
	[tilespmem:s6+$0x0] =	vst v18  }
0x1e2: {  	v20 =	vor.u32 s29, v3;
	[tilespmem:s6+$0xFFFFFFE0] =	vst v17  }
0x1e3: {  	v17 =	vor.u32 s29, v12;
	v19 =	vld.idx.msk [tilespmem:v19+s30+$0x0], $0xffff  }
0x1e4: {  	v18 =	vor.u32 s29, v4;
	v22 =	vld.idx.msk [tilespmem:v22+s30+$0x0], $0xffff  }
0x1e5: {  	v24 =	vor.u32 s29, v7;
	v21 =	vld.idx.msk [tilespmem:v21+s30+$0x0], $0xffff  }
0x1e6: {  	v31 =	vor.u32 s29, v16;
	v23 =	vld.idx.msk [tilespmem:v23+s30+$0x0], $0xffff  }
0x1e7: {  	s21 =	simm.s32 $0x100;
	v25 =	vor.u32 s29, v6;
	v20 =	vld.idx.msk [tilespmem:v20+s30+$0x0], $0xffff  }
0x1e8: {  	v27 =	vor.u32 s21, v2;
	v26 =	vld.idx.msk [tilespmem:v17+s30+$0x0], $0xffff;
	v17 =	vor.u32 s21, v0;
	v19 =	vadd.f32 $0.0e+00, v19  }
0x1e9: {  	v18 =	vld.idx.msk [tilespmem:v18+s30+$0x0], $0xffff;
	v17 =	vand.u32 v1, v17  }
0x1ea: {  	v32 =	vor.u32 s29, v14;
	v24 =	vld.idx.msk [tilespmem:v24+s30+$0x0], $0xffff;
	v19 =	vadd.f32 v21, v19  }
0x1eb: {  	v35 =	vld.idx.msk [tilespmem:v31+s30+$0x0], $0xffff;
	v31 =	vor.u32 s21, v8  }
0x1ec: {  	v28 =	vor.u32 s21, v3;
	v25 =	vld.idx.msk [tilespmem:v25+s30+$0x0], $0xffff;
	v19 =	vadd.f32 v20, v19  }
0x1ed: {  	v29 =	vor.u32 s21, v12;
	v20 =	vld.idx.msk [tilespmem:v27+s30+$0x0], $0xffff  }
0x1ee: {  	s6 =	simm.s32 $0x200;
	v27 =	vor.u32 s29, v9;
	v30 =	vld.idx.msk [tilespmem:v17+s30+$0x0], $0xffff;
	v17 =	vadd.f32 v18, v19  }
0x1ef: {  	v32 =	vld.idx.msk [tilespmem:v32+s30+$0x0], $0xffff;
	v36 =	vor.u32 s6, v2  }
0x1f0: {  	v60 =	vld.idx.msk [tilespmem:v31+s30+$0x0], $0xffff;
	v19 =	vor.u32 s29, v10;
	v23 =	vadd.f32 v23, v17  }
0x1f1: {  	v21 =	vor.u32 s21, v4;
	v18 =	vld.idx.msk [tilespmem:v28+s30+$0x0], $0xffff  }
0x1f2: {  	v17 =	vld.idx.msk [tilespmem:v29+s30+$0x0], $0xffff;
	v29 =	vor.u32 s29, v11;
	v23 =	vadd.f32 v25, v23  }
0x1f3: {  	v28 =	vor.u32 s29, v15;
	v27 =	vld.idx.msk [tilespmem:v27+s30+$0x0], $0xffff  }
0x1f4: {  	v33 =	vor.u32 s21, v7;
	v36 =	vld.idx.msk [tilespmem:v36+s30+$0x0], $0xffff;
	v23 =	vadd.f32 v24, v23  }
0x1f5: {  	v25 =	vor.u32 s29, v13;
	v19 =	vld.idx.msk [tilespmem:v19+s30+$0x0], $0xffff  }
0x1f6: {  	v21 =	vld.idx.msk [tilespmem:v21+s30+$0x0], $0xffff;
	v30 =	vadd.f32 $0.0e+00, v30;
	v24 =	vor.u32 s21, v5;
	v22 =	vadd.f32 v22, v23  }
0x1f7: {  	v34 =	vor.u32 s6, v0;
	v31 =	vor.u32 s6, v3;
	v29 =	vld.idx.msk [tilespmem:v29+s30+$0x0], $0xffff  }
0x1f8: {  	v28 =	vld.idx.msk [tilespmem:v28+s30+$0x0], $0xffff;
	v20 =	vadd.f32 v20, v30;
	v23 =	vor.u32 s21, v6;
	v22 =	vadd.f32 v27, v22  }
0x1f9: {  	v30 =	vld.idx.msk [tilespmem:v33+s30+$0x0], $0xffff;
	v27 =	vand.u32 v1, v34  }
0x1fa: {  	v18 =	vadd.f32 v18, v20;
	v25 =	vld.idx.msk [tilespmem:v25+s30+$0x0], $0xffff;
	v19 =	vadd.f32 v19, v22;
	v22 =	vor.u32 s6, v4  }
0x1fb: {  	v61 =	vor.u32 s6, v12;
	v24 =	vld.idx.msk [tilespmem:v24+s30+$0x0], $0xffff  }
0x1fc: {  	v18 =	vadd.f32 v21, v18;
	v21 =	vld.idx.msk [tilespmem:v31+s30+$0x0], $0xffff;
	v31 =	vor.u32 s21, v10;
	v19 =	vadd.f32 v29, v19  }
0x1fd: {  	v23 =	vld.idx.msk [tilespmem:v23+s30+$0x0], $0xffff;
	v29 =	vor.u32 s21, v9  }
0x1fe: {  	v37 =	vor.u32 s21, v16;
	v27 =	vld.idx.msk [tilespmem:v27+s30+$0x0], $0xffff;
	v19 =	vadd.f32 v26, v19  }
0x1ff: {  	v38 =	vor.u32 s21, v15;
	v20 =	vld.idx.msk [tilespmem:v22+s30+$0x0], $0xffff  }
0x200: {  	v62 =	vor.u32 s21, v11;
	v18 =	vadd.f32 v24, v18;
	v22 =	vadd.f32 v25, v19;
	v19 =	vld.idx.msk [tilespmem:v61+s30+$0x0], $0xffff  }
0x201: {  	v39 =	vor.u32 s21, v14;
	v25 =	vld.idx.msk [tilespmem:v31+s30+$0x0], $0xffff  }
0x202: {  	v18 =	vadd.f32 v23, v18;
	v24 =	vld.idx.msk [tilespmem:v29+s30+$0x0], $0xffff;
	v23 =	vadd.f32 v32, v22  }
0x203: {  	v26 =	vor.u32 s21, v13;
	v22 =	vld.idx.msk [tilespmem:v37+s30+$0x0], $0xffff;
	v27 =	vadd.f32 $0.0e+00, v27  }
0x204: {  	v29 =	vor.u32 s6, v8;
	v63 =	vadd.f32 v30, v18;
	v18 =	vld.idx.msk [tilespmem:v38+s30+$0x0], $0xffff;
	v28 =	vadd.f32 v28, v23  }
0x205: {  	v33 =	vor.u32 s6, v6;
	v32 =	vor.u32 s6, v5;
	v30 =	vadd.f32 v36, v27;
	v27 =	vld.idx.msk [tilespmem:v62+s30+$0x0], $0xffff  }
0x206: {  	s26 =	simm.s32 $0x300;
	s21 =	simm.s32 $0x1DD00;
	v31 =	vor.u32 s6, v7;
	v34 =	vadd.f32 v60, v63;
	v23 =	vld.idx.msk [tilespmem:v39+s30+$0x0], $0xffff;
	v28 =	vadd.f32 v35, v28  }
.LBB2_9:
0x207: {  	p2 =	sne.s32 s26, $0x400  }
0x208: {  	v35 =	vor.u32 s26, v0;
	v36 =	vor.u32 s26, v2;
	v24 =	vadd.f32 v24, v34;
	v26 =	vld.idx.msk [tilespmem:v26+s30+$0x0], $0xffff;
	s15 =	sadd.s32 $0x10, s15;
	s28 =	smov.u32 s26;
	s26 =	sadd.s32 $0x100, s26  }
0x209: {  	v34 =	vand.u32 v1, v35;
	v35 =	vld.idx.msk [tilespmem:v29+s30+$0x0], $0xffff;
	[tilespmem:s21+$0x0] =	vst v28;
	v28 =	vmov v22;
	s21 =	smov.u32 s15  }
0x20a: {  	v22 =	vor.u32 s28, v3;
	v29 =	vld.idx.msk [tilespmem:v32+s30+$0x0], $0xffff;
	v24 =	vadd.f32 v25, v24  }
0x20b: {  	v25 =	vor.u32 s28, v4;
	v31 =	vld.idx.msk [tilespmem:v31+s30+$0x0], $0xffff  }
0x20c: {  	v21 =	vadd.f32 v21, v30;
	v32 =	vor.u32 s28, v12;
	v30 =	vld.idx.msk [tilespmem:v33+s30+$0x0], $0xffff;
	v24 =	vadd.f32 v27, v24  }
0x20d: {  	v33 =	vor.u32 s6, v9;
	v27 =	vld.idx.msk [tilespmem:v36+s30+$0x0], $0xffff  }
0x20e: {  	v37 =	vor.u32 s6, v16;
	v36 =	vadd.f32 v20, v21;
	v34 =	vld.idx.msk [tilespmem:v34+s30+$0x0], $0xffff;
	v24 =	vadd.f32 v17, v24;
	v17 =	vmovc v19  }
0x20f: {  	v38 =	vor.u32 s6, v10;
	v21 =	vld.idx.msk [tilespmem:v22+s30+$0x0], $0xffff  }
0x210: {  	v22 =	vadd.f32 v29, v36;
	v36 =	vor.u32 s6, v15;
	v20 =	vld.idx.msk [tilespmem:v25+s30+$0x0], $0xffff;
	v25 =	vadd.f32 v26, v24  }
0x211: {  	v39 =	vor.u32 s6, v11;
	v19 =	vld.idx.msk [tilespmem:v32+s30+$0x0], $0xffff  }
0x212: {  	v40 =	vor.u32 s6, v14;
	v30 =	vadd.f32 v30, v22;
	v24 =	vld.idx.msk [tilespmem:v33+s30+$0x0], $0xffff;
	v23 =	vadd.f32 v23, v25  }
.Ltmp3:
0x213: {  	v26 =	vor.u32 s6, v13;
	s6 =	smov.u32 s28;
	v22 =	vld.idx.msk [tilespmem:v37+s30+$0x0], $0xffff;
	(pc) =	sbr.rel @p2 .LBB2_9-.Ltmp3, $4  }
0x214: {  	v29 =	vor.u32 s6, v8;
	v33 =	vadd.f32 $0.0e+00, v34;
	v34 =	vadd.f32 v31, v30;
	v25 =	vld.idx.msk [tilespmem:v38+s30+$0x0], $0xffff  }
0x215: {  	v32 =	vor.u32 s6, v5;
	v37 =	vadd.f32 v18, v23;
	v18 =	vld.idx.msk [tilespmem:v36+s30+$0x0], $0xffff  }
0x216: {  	v31 =	vor.u32 s6, v7;
	v30 =	vadd.f32 v27, v33;
	v34 =	vadd.f32 v35, v34;
	v27 =	vld.idx.msk [tilespmem:v39+s30+$0x0], $0xffff  }
0x217: {  	v33 =	vor.u32 s6, v6;
	v28 =	vadd.f32 v28, v37;
	v23 =	vld.idx.msk [tilespmem:v40+s30+$0x0], $0xffff  }
0x218: {  	_ =	sdelay $0x3  }
0x219: {  	v32 =	vld.idx.msk [tilespmem:v32+s30+$0x0], $0xffff  }
0x21a: {  	v21 =	vadd.f32 v21, v30  }
0x21b: {  	v30 =	vld.idx.msk [tilespmem:v33+s30+$0x0], $0xffff  }
0x21c: {  	v52 =	vor.u32 s6, v9;
	v20 =	vadd.f32 v20, v21  }
0x21d: {  	v21 =	vld.idx.msk [tilespmem:v31+s30+$0x0], $0xffff  }
0x21e: {  	v31 =	vor.u32 s6, v10;
	v20 =	vadd.f32 v32, v20  }
0x21f: {  	v29 =	vld.idx.msk [tilespmem:v29+s30+$0x0], $0xffff  }
0x220: {  	v53 =	vor.u32 s6, v11;
	v20 =	vadd.f32 v30, v20  }
0x221: {  	v30 =	vld.idx.msk [tilespmem:v52+s30+$0x0], $0xffff  }
0x222: {  	v20 =	vadd.f32 v21, v20  }
0x223: {  	v21 =	vld.idx.msk [tilespmem:v31+s30+$0x0], $0xffff  }
0x224: {  	v31 =	vor.u32 s6, v13;
	v20 =	vadd.f32 v29, v20  }
0x225: {  	v24 =	vadd.f32 v24, v34;
	v29 =	vld.idx.msk [tilespmem:v53+s30+$0x0], $0xffff  }
0x226: {  	v54 =	vor.u32 s6, v14;
	v20 =	vadd.f32 v30, v20  }
0x227: {  	v24 =	vadd.f32 v25, v24  }
0x228: {  	v25 =	vld.idx.msk [tilespmem:v26+s30+$0x0], $0xffff;
	v26 =	vor.u32 s6, v15;
	v20 =	vadd.f32 v21, v20  }
0x229: {  	v21 =	vadd.f32 v27, v24;
	v24 =	vld.idx.msk [tilespmem:v31+s30+$0x0], $0xffff  }
0x22a: {  	v27 =	vor.u32 s6, v16;
	v20 =	vadd.f32 v29, v20  }
0x22b: {  	v17 =	vadd.f32 v17, v21;
	v21 =	vld.idx.msk [tilespmem:v54+s30+$0x0], $0xffff  }
0x22c: {  	v19 =	vadd.f32 v19, v20  }
0x22d: {  	v17 =	vadd.f32 v25, v17;
	v20 =	vld.idx.msk [tilespmem:v26+s30+$0x0], $0xffff  }
0x22e: {  	v19 =	vadd.f32 v24, v19  }
0x22f: {  	v17 =	vadd.f32 v23, v17;
	v23 =	vld.idx.msk [tilespmem:v27+s30+$0x0], $0xffff  }
0x230: {  	v19 =	vadd.f32 v21, v19  }
0x231: {  	v17 =	vadd.f32 v18, v17  }
0x232: {  	[tilespmem:s21+$0x0] =	vst v28;
	v18 =	vadd.f32 v20, v19  }
0x233: {  	s21 =	rddreg [dreg:$0x9];
	v17 =	vadd.f32 v22, v17  }
0x234: {  	s29 =	sadd.s32 $0x10, s15;
	s15 =	sadd.s32 s13, s21;
	v18 =	vadd.f32 v23, v18  }
0x235: {  	s26 =	sadd.s32 $0x10, s29;
	[tilespmem:s29+$0x0] =	vst v17;
	s29 =	sshrl.u32 s15, $0x3  }
0x236: {  	s6 =	sadd.s32 s2, s29;
	[tilespmem:s26+$0x0] =	vst v18  }
0x237: {  	[hbm4b:s6+s4] =	stream.linear.scatter [tilespmem:s10], [sflag:$0x8], $0x50, $0x38;
	[tilespmem:$0x1E280] =	vst v63  }
0x238: {  	_ =	swait.ge [sflag:s12], $0x50  }
0x239: {  	[sflag:s12] =	ssyncset.done $0x0  }
0x23a: {  	[sflag:s12] =	ssyncadd.s32 $0xFFFFFFB0  }
0x23b: {  	_ =	swait.ge [sflag:s12], $0x50  }
0x23c: {  	[sflag:s12] =	ssyncset.done $0x0  }
0x23d: {  	s21 =	simm.s32 $0x16480;
	s15 =	simm.s32 $0x13A00;
	[sflag:s12] =	ssyncadd.s32 $0xFFFFFFB0  }
0x23e: {  	[tilespmem:s21], [sflag:$0x6] =	stream.indirect.gather [spmem:s3], $0x80, s15, s18, $0xb8;
	[tilespmem:$0x1E280] =	vst v63  }
0x23f: {  	s26 =	simm.s32 $0x13C00  }
0x240: {  	[tilespmem:s24], [sflag:$0x6] =	stream.indirect.gather [spmem:s3], $0x80, s26, s18, $0xb8;
	[tilespmem:$0x1E280] =	vst v63  }
0x241: {  	_ =	swait.ge [sflag:s25], $0x2800  }
0x242: {  	[sflag:s25] =	ssyncset.done $0x0  }
0x243: {  	[sflag:s25] =	ssyncadd.s32 $0xFFFFD800  }
0x244: {  	_ =	swait.ge [sflag:s25], $0x2800  }
0x245: {  	s6 =	rddreg [dreg:$0x19]  }
0x246: {  	s6 =	sadd.s32 @!p1 s13, s6  }
0x247: {  	s21 =	simm.s32 @!p1 $0x0;
	[sflag:s25] =	ssyncset.done $0x0;
	s6 =	sshrl.u32 @!p1 s6, $0x3  }
0x248: {  	s26 =	simm.s32 @!p1 $0x13980;
	[sflag:s25] =	ssyncadd.s32 $0xFFFFD800;
	s15 =	sadd.s32 @!p1 s5, s6  }
0x249: {  	[tilespmem:s26], [sflag:$0x3] =	stream.linear.gather @!p1 [hbm4b:s15+s21], $0x50, $0x38;
	[tilespmem:$0x1E280] =	vst v63  }
0x24a: {  	s6 =	sadd.s32 @!p1 s1, s6;
	s15 =	simm.s32 @!p1 $0x13B80  }
0x24b: {  	[tilespmem:s15], [sflag:$0x3] =	stream.linear.gather @!p1 [hbm4b:s6+s21], $0x50, $0x38;
	[tilespmem:$0x1E280] =	vst v63  }
0x24c: {  	_ =	swait.ge [sflag:s14], $0x50  }
0x24d: {  	[sflag:s14] =	ssyncset.done $0x0  }
0x24e: {  	s29 =	simm.s32 $0x13D80;
	[sflag:s14] =	ssyncadd.s32 $0xFFFFFFB0  }
0x24f: {  	s21 =	simm.s32 $0x18D80;
	v18 =	vld [tilespmem:s29+$0x80]  }
0x250: {  	v19 =	vld [tilespmem:s21+$0x80]  }
0x251: {  	v20 =	vld [tilespmem:s29+$0x90]  }
0x252: {  	v21 =	vld [tilespmem:s21+$0x90]  }
0x253: {  	v22 =	vld [tilespmem:s29+$0xA0]  }
0x254: {  	v23 =	vld [tilespmem:s21+$0xA0]  }
0x255: {  	v24 =	vld [tilespmem:s29+$0xB0]  }
0x256: {  	v25 =	vld [tilespmem:s21+$0xB0]  }
0x257: {  	v26 =	vld [tilespmem:s29+$0xC0]  }
0x258: {  	v27 =	vld [tilespmem:s21+$0xC0]  }
0x259: {  	v28 =	vld [tilespmem:s29+$0xD0]  }
0x25a: {  	v29 =	vld [tilespmem:s21+$0xD0]  }
0x25b: {  	v30 =	vld [tilespmem:s29+$0xE0]  }
0x25c: {  	v31 =	vld [tilespmem:s21+$0xE0]  }
0x25d: {  	v32 =	vld [tilespmem:s29+$0xF0]  }
0x25e: {  	v33 =	vld [tilespmem:s21+$0xF0]  }
0x25f: {  	v17 =	vld [tilespmem:s21+$0xFFFFFF00]  }
0x260: {  	v34 =	vld [tilespmem:s29+$0xFFFFFF10]  }
0x261: {  	v35 =	vld [tilespmem:s21+$0xFFFFFF10]  }
0x262: {  	v36 =	vld [tilespmem:s29+$0xFFFFFF20]  }
0x263: {  	v37 =	vld [tilespmem:s21+$0xFFFFFF20]  }
0x264: {  	v38 =	vld [tilespmem:s29+$0xFFFFFF30]  }
0x265: {  	v39 =	vld [tilespmem:s21+$0xFFFFFF30]  }
0x266: {  	v40 =	vld [tilespmem:s29+$0xFFFFFF40]  }
0x267: {  	v41 =	vld [tilespmem:s21+$0xFFFFFF40]  }
0x268: {  	v42 =	vld [tilespmem:s29+$0xFFFFFF50]  }
0x269: {  	v43 =	vld [tilespmem:s21+$0xFFFFFF50]  }
0x26a: {  	v44 =	vld [tilespmem:s29+$0xFFFFFF60]  }
0x26b: {  	v45 =	vld [tilespmem:s21+$0xFFFFFF60]  }
0x26c: {  	v46 =	vld [tilespmem:s29+$0xFFFFFF70]  }
0x26d: {  	v47 =	vld [tilespmem:s21+$0xFFFFFF70]  }
0x26e: {  	v48 =	vld [tilespmem:s29+$0xFFFFFF80]  }
0x26f: {  	v49 =	vld [tilespmem:s21+$0xFFFFFF80]  }
0x270: {  	v50 =	vld [tilespmem:s29+$0xFFFFFF90]  }
0x271: {  	v51 =	vld [tilespmem:s21+$0xFFFFFF90]  }
0x272: {  	v52 =	vld [tilespmem:s29+$0xFFFFFFA0]  }
0x273: {  	v53 =	vld [tilespmem:s21+$0xFFFFFFA0]  }
0x274: {  	v54 =	vld [tilespmem:s29+$0xFFFFFFB0]  }
0x275: {  	v55 =	vld [tilespmem:s21+$0xFFFFFFB0]  }
0x276: {  	v56 =	vld [tilespmem:s29+$0xFFFFFFC0]  }
0x277: {  	v57 =	vld [tilespmem:s21+$0xFFFFFFC0]  }
0x278: {  	v58 =	vld [tilespmem:s29+$0xFFFFFFD0]  }
0x279: {  	v59 =	vld [tilespmem:s21+$0xFFFFFFD0]  }
0x27a: {  	v60 =	vld [tilespmem:s29+$0xFFFFFFE0]  }
0x27b: {  	v61 =	vld [tilespmem:s21+$0xFFFFFFE0]  }
0x27c: {  	v18 =	vmul.f32 v19, v18;
	v19 =	vmul.f32 v21, v20;
	v20 =	vld [tilespmem:s29+$0xFFFFFFF0]  }
0x27d: {  	v21 =	vmul.f32 v23, v22;
	v22 =	vmul.f32 v25, v24;
	v23 =	vld [tilespmem:s21+$0xFFFFFFF0]  }
0x27e: {  	v24 =	vmul.f32 v27, v26;
	v25 =	vmul.f32 v29, v28;
	v26 =	vld [tilespmem:s29+$0x0]  }
0x27f: {  	v27 =	vmul.f32 v31, v30;
	v28 =	vmul.f32 v33, v32;
	v29 =	vld [tilespmem:s21+$0x0]  }
0x280: {  	v30 =	vld [tilespmem:s29+$0x20];
	v18 =	vadd.f32 v19, v18;
	v19 =	vadd.f32 v22, v21  }
0x281: {  	v31 =	vmul.f32 v55, v54;
	v55 =	vld [tilespmem:s21+$0x20];
	v22 =	vadd.f32 v25, v24;
	v24 =	vadd.f32 v28, v27  }
0x282: {  	v56 =	vmul.f32 v57, v56;
	v57 =	vmul.f32 v59, v58;
	v21 =	vld [tilespmem:s29+$0x10]  }
0x283: {  	v25 =	vmul.f32 v37, v36;
	v27 =	vld [tilespmem:s21+$0x10];
	v18 =	vadd.f32 v19, v18;
	v22 =	vadd.f32 v24, v22  }
0x284: {  	v58 =	vld [tilespmem:s29+$0x30];
	v28 =	vmul.f32 v51, v50;
	v33 =	vadd.f32 v57, v56;
	v19 =	vmul.f32 v49, v48  }
0x285: {  	v24 =	vmul.f32 v53, v52;
	v20 =	vmul.f32 v23, v20;
	v59 =	vadd.f32 v22, v18;
	v22 =	vld [tilespmem:s21+$0x30]  }
0x286: {  	v62 =	vld [tilespmem:s29+$0x50];
	v23 =	vmul.f32 v41, v40;
	v18 =	vmul.f32 v61, v60;
	v19 =	vadd.f32 v28, v19  }
0x287: {  	v24 =	vadd.f32 v31, v24;
	v28 =	vld [tilespmem:s29+$0x40];
	v31 =	vmul.f32 v43, v42;
	v61 =	vmul.f32 v47, v46  }
0x288: {  	v60 =	vld [tilespmem:s21+$0x40];
	v21 =	vmul.f32 v27, v21;
	v27 =	vmul.f32 v55, v30;
	v18 =	vadd.f32 v20, v18  }
0x289: {  	v20 =	vmul.f32 v45, v44;
	v19 =	vadd.f32 v24, v19;
	v24 =	vmul.f32 v29, v26;
	v29 =	vld [tilespmem:s21+$0x50]  }
0x28a: {  	v26 =	vadd.f32 v31, v23;
	v23 =	vld [tilespmem:s21+$0x60];
	v18 =	vadd.f32 v18, v33;
	v30 =	vmul.f32 v22, v58  }
0x28b: {  	v31 =	vmul.f32 v39, v38;
	v20 =	vadd.f32 v61, v20;
	v21 =	vadd.f32 v21, v24;
	v22 =	vld [tilespmem:s29+$0x60]  }
0x28c: {  	s6 =	simm.s32 $0x1DDA0;
	v24 =	vld [tilespmem:s29+$0x70];
	v63 =	vadd.f32 v18, v19;
	v30 =	vadd.f32 v30, v27  }
0x28d: {  	[tilespmem:s6+$0x10] =	vst v59;
	v18 =	vmul.f32 v35, v34;
	v19 =	vadd.f32 v31, v25;
	v20 =	vadd.f32 v20, v26;
	v25 =	vld [tilespmem:s21+$0x70]  }
0x28e: {  	s28 =	simm.s32 $0x13F80;
	s26 =	simm.s32 $0x0;
	v26 =	vmul.f32 v60, v28;
	v27 =	vld [tilespmem:s29+$0xFFFFFF00];
	v28 =	vmul.f32 v29, v62;
	[tilespmem:s6+$0xFFFFFFF0] =	vst v63;
	v21 =	vadd.f32 v30, v21  }
.LBB2_11:
0x28f: {  	v29 =	vld [tilespmem:s28+$0x80];
	s21 =	sadd.s32 $0x200, s21  }
0x290: {  	v30 =	vld [tilespmem:s21+$0x80];
	v22 =	vmul.f32 v23, v22;
	v23 =	vadd.f32 v28, v26  }
0x291: {  	v26 =	vld [tilespmem:s28+$0x90]  }
0x292: {  	v28 =	vld [tilespmem:s21+$0x90];
	v24 =	vmul.f32 v25, v24  }
0x293: {  	v25 =	vld [tilespmem:s28+$0xA0];
	v17 =	vmul.f32 v17, v27  }
0x294: {  	v27 =	vld [tilespmem:s21+$0xA0];
	v22 =	vadd.f32 v24, v22  }
0x295: {  	v24 =	vld [tilespmem:s28+$0xB0];
	v17 =	vadd.f32 v18, v17  }
0x296: {  	v18 =	vld [tilespmem:s21+$0xB0];
	v22 =	vadd.f32 v22, v23  }
0x297: {  	v23 =	vld [tilespmem:s28+$0xC0];
	v17 =	vadd.f32 v19, v17  }
0x298: {  	v19 =	vld [tilespmem:s21+$0xC0];
	v21 =	vadd.f32 v22, v21  }
0x299: {  	v22 =	vld [tilespmem:s28+$0xD0];
	v17 =	vadd.f32 v20, v17  }
0x29a: {  	v20 =	vld [tilespmem:s21+$0xD0];
	[tilespmem:s6+$0x0] =	vst v21  }
0x29b: {  	v21 =	vld [tilespmem:s28+$0xE0];
	[tilespmem:s6+$0xFFFFFFE0] =	vst v17  }
0x29c: {  	v31 =	vld [tilespmem:s21+$0xE0]  }
0x29d: {  	v32 =	vld [tilespmem:s28+$0xF0]  }
0x29e: {  	s26 =	sadd.s32 $0x4, s26;
	v33 =	vld [tilespmem:s21+$0xF0]  }
0x29f: {  	p2 =	slt.u32 s26, $0x4C;
	v17 =	vld [tilespmem:s21+$0xFFFFFF00]  }
0x2a0: {  	v29 =	vmul.f32 v30, v29;
	v26 =	vmul.f32 v28, v26;
	v34 =	vld [tilespmem:s28+$0xFFFFFF10]  }
0x2a1: {  	v25 =	vmul.f32 v27, v25;
	v18 =	vmul.f32 v18, v24;
	v28 =	vld [tilespmem:s21+$0xFFFFFF10]  }
0x2a2: {  	v19 =	vmul.f32 v19, v23;
	v20 =	vmul.f32 v20, v22;
	v24 =	vld [tilespmem:s28+$0xFFFFFF20]  }
0x2a3: {  	v21 =	vmul.f32 v31, v21;
	v22 =	vld [tilespmem:s21+$0xFFFFFF20];
	v23 =	vmul.f32 v33, v32  }
0x2a4: {  	v26 =	vadd.f32 v26, v29;
	v25 =	vadd.f32 v18, v25;
	v27 =	vld [tilespmem:s28+$0xFFFFFF30]  }
0x2a5: {  	v19 =	vadd.f32 v20, v19;
	v29 =	vld [tilespmem:s21+$0xFFFFFF30];
	v20 =	vadd.f32 v23, v21  }
0x2a6: {  	v18 =	vmul.f32 v28, v34;
	v21 =	vld [tilespmem:s28+$0xFFFFFF40]  }
0x2a7: {  	v25 =	vadd.f32 v25, v26;
	v23 =	vld [tilespmem:s21+$0xFFFFFF40];
	v19 =	vadd.f32 v20, v19  }
0x2a8: {  	v20 =	vmul.f32 v22, v24;
	v22 =	vld [tilespmem:s28+$0xFFFFFF50]  }
0x2a9: {  	v24 =	vld [tilespmem:s21+$0xFFFFFF50];
	v19 =	vadd.f32 v19, v25  }
0x2aa: {  	s6 =	sadd.s32 $0x40, s6;
	v25 =	vmul.f32 v29, v27;
	v26 =	vld [tilespmem:s28+$0xFFFFFF60]  }
0x2ab: {  	s29 =	simm.s32 $0x0;
	s15 =	simm.s32 $0x1DC80;
	v27 =	vld [tilespmem:s21+$0xFFFFFF60];
	[tilespmem:s6+$0x10] =	vst v19  }
0x2ac: {  	v21 =	vmul.f32 v23, v21;
	v23 =	vld [tilespmem:s28+$0xFFFFFF70];
	v19 =	vadd.f32 v25, v20  }
0x2ad: {  	v20 =	vld [tilespmem:s21+$0xFFFFFF70]  }
0x2ae: {  	v22 =	vmul.f32 v24, v22;
	v24 =	vld [tilespmem:s28+$0xFFFFFF80]  }
0x2af: {  	v25 =	vld [tilespmem:s21+$0xFFFFFF80]  }
0x2b0: {  	v26 =	vmul.f32 v27, v26;
	v21 =	vadd.f32 v22, v21;
	v22 =	vld [tilespmem:s28+$0xFFFFFF90]  }
0x2b1: {  	v27 =	vld [tilespmem:s21+$0xFFFFFF90]  }
0x2b2: {  	v20 =	vmul.f32 v20, v23;
	v23 =	vld [tilespmem:s28+$0xFFFFFFA0]  }
0x2b3: {  	v28 =	vld [tilespmem:s21+$0xFFFFFFA0]  }
0x2b4: {  	v20 =	vadd.f32 v20, v26;
	v24 =	vmul.f32 v25, v24;
	v25 =	vld [tilespmem:s28+$0xFFFFFFB0]  }
0x2b5: {  	v26 =	vld [tilespmem:s21+$0xFFFFFFB0]  }
0x2b6: {  	v20 =	vadd.f32 v20, v21;
	v21 =	vmul.f32 v27, v22;
	v22 =	vld [tilespmem:s28+$0xFFFFFFC0]  }
0x2b7: {  	v27 =	vld [tilespmem:s21+$0xFFFFFFC0]  }
0x2b8: {  	v23 =	vmul.f32 v28, v23;
	v28 =	vld [tilespmem:s28+$0xFFFFFFD0];
	v21 =	vadd.f32 v21, v24  }
0x2b9: {  	v24 =	vld [tilespmem:s21+$0xFFFFFFD0]  }
0x2ba: {  	v25 =	vmul.f32 v26, v25;
	v26 =	vld [tilespmem:s28+$0xFFFFFFE0]  }
0x2bb: {  	v29 =	vld [tilespmem:s21+$0xFFFFFFE0]  }
0x2bc: {  	v22 =	vmul.f32 v27, v22;
	v27 =	vld [tilespmem:s28+$0xFFFFFFF0];
	v23 =	vadd.f32 v25, v23  }
0x2bd: {  	v25 =	vld [tilespmem:s21+$0xFFFFFFF0]  }
0x2be: {  	v24 =	vmul.f32 v24, v28;
	v21 =	vadd.f32 v23, v21;
	v23 =	vld [tilespmem:s28+$0x0]  }
0x2bf: {  	v28 =	vld [tilespmem:s21+$0x0]  }
0x2c0: {  	v26 =	vmul.f32 v29, v26;
	v22 =	vadd.f32 v24, v22;
	v24 =	vld [tilespmem:s28+$0x10]  }
0x2c1: {  	v29 =	vld [tilespmem:s21+$0x10]  }
0x2c2: {  	v25 =	vmul.f32 v25, v27;
	v27 =	vld [tilespmem:s28+$0x20]  }
0x2c3: {  	v30 =	vld [tilespmem:s21+$0x20]  }
0x2c4: {  	v25 =	vadd.f32 v25, v26;
	v23 =	vmul.f32 v28, v23;
	v26 =	vld [tilespmem:s28+$0x30]  }
0x2c5: {  	v28 =	vld [tilespmem:s21+$0x30]  }
0x2c6: {  	v22 =	vadd.f32 v25, v22;
	v24 =	vmul.f32 v29, v24;
	v25 =	vld [tilespmem:s28+$0x40]  }
0x2c7: {  	v29 =	vld [tilespmem:s21+$0x40]  }
0x2c8: {  	v21 =	vadd.f32 v22, v21;
	v27 =	vmul.f32 v30, v27;
	v30 =	vld [tilespmem:s28+$0x50];
	v31 =	vadd.f32 v24, v23  }
0x2c9: {  	v32 =	vld [tilespmem:s21+$0x50]  }
.Ltmp4:
0x2ca: {  	[tilespmem:s6+$0xFFFFFFF0] =	vst v21;
	v21 =	vmul.f32 v28, v26;
	v22 =	vld [tilespmem:s28+$0x60];
	(pc) =	sbr.rel @p2 .LBB2_11-.Ltmp4, $4  }
0x2cb: {  	v23 =	vld [tilespmem:s21+$0x60]  }
0x2cc: {  	v26 =	vmul.f32 v29, v25;
	v24 =	vld [tilespmem:s28+$0x70];
	v21 =	vadd.f32 v21, v27  }
0x2cd: {  	v25 =	vld [tilespmem:s21+$0x70]  }
0x2ce: {  	v27 =	vld [tilespmem:s28+$0xFFFFFF00];
	v28 =	vmul.f32 v32, v30;
	v21 =	vadd.f32 v21, v31;
	s28 =	sadd.s32 $0x200, s28  }
0x2cf: {  	_ =	sdelay $0x2  }
0x2d0: {  	v22 =	vmul.f32 v23, v22;
	v23 =	vmul.f32 v25, v24  }
0x2d1: {  	v17 =	vmul.f32 v17, v27  }
0x2d2: {  	v24 =	vadd.f32 v28, v26;
	v22 =	vadd.f32 v23, v22  }
0x2d3: {  	v17 =	vadd.f32 v18, v17  }
0x2d4: {  	v18 =	vadd.f32 v22, v24;
	v22 =	vor.u32 s29, v0  }
0x2d5: {  	v17 =	vadd.f32 v19, v17;
	v19 =	vand.u32 v1, v22  }
0x2d6: {  	v22 =	vor.u32 s29, v8;
	v18 =	vadd.f32 v18, v21  }
0x2d7: {  	v21 =	vor.u32 s29, v2;
	v17 =	vadd.f32 v20, v17  }
0x2d8: {  	v23 =	vor.u32 s29, v5;
	[tilespmem:s6+$0x0] =	vst v18  }
0x2d9: {  	v20 =	vor.u32 s29, v3;
	[tilespmem:s6+$0xFFFFFFE0] =	vst v17  }
0x2da: {  	v17 =	vor.u32 s29, v12;
	v19 =	vld.idx.msk [tilespmem:v19+s30+$0x0], $0xffff  }
0x2db: {  	v18 =	vor.u32 s29, v4;
	v22 =	vld.idx.msk [tilespmem:v22+s30+$0x0], $0xffff  }
0x2dc: {  	v24 =	vor.u32 s29, v7;
	v21 =	vld.idx.msk [tilespmem:v21+s30+$0x0], $0xffff  }
0x2dd: {  	v31 =	vor.u32 s29, v16;
	v23 =	vld.idx.msk [tilespmem:v23+s30+$0x0], $0xffff  }
0x2de: {  	s21 =	simm.s32 $0x100;
	v25 =	vor.u32 s29, v6;
	v20 =	vld.idx.msk [tilespmem:v20+s30+$0x0], $0xffff  }
0x2df: {  	v27 =	vor.u32 s21, v2;
	v26 =	vld.idx.msk [tilespmem:v17+s30+$0x0], $0xffff;
	v17 =	vor.u32 s21, v0;
	v19 =	vadd.f32 $0.0e+00, v19  }
0x2e0: {  	v18 =	vld.idx.msk [tilespmem:v18+s30+$0x0], $0xffff;
	v17 =	vand.u32 v1, v17  }
0x2e1: {  	v32 =	vor.u32 s29, v14;
	v24 =	vld.idx.msk [tilespmem:v24+s30+$0x0], $0xffff;
	v19 =	vadd.f32 v21, v19  }
0x2e2: {  	v35 =	vld.idx.msk [tilespmem:v31+s30+$0x0], $0xffff;
	v31 =	vor.u32 s21, v8  }
0x2e3: {  	v28 =	vor.u32 s21, v3;
	v25 =	vld.idx.msk [tilespmem:v25+s30+$0x0], $0xffff;
	v19 =	vadd.f32 v20, v19  }
0x2e4: {  	v29 =	vor.u32 s21, v12;
	v20 =	vld.idx.msk [tilespmem:v27+s30+$0x0], $0xffff  }
0x2e5: {  	s6 =	simm.s32 $0x200;
	v27 =	vor.u32 s29, v9;
	v30 =	vld.idx.msk [tilespmem:v17+s30+$0x0], $0xffff;
	v17 =	vadd.f32 v18, v19  }
0x2e6: {  	v32 =	vld.idx.msk [tilespmem:v32+s30+$0x0], $0xffff;
	v36 =	vor.u32 s6, v2  }
0x2e7: {  	v60 =	vld.idx.msk [tilespmem:v31+s30+$0x0], $0xffff;
	v19 =	vor.u32 s29, v10;
	v23 =	vadd.f32 v23, v17  }
0x2e8: {  	v21 =	vor.u32 s21, v4;
	v18 =	vld.idx.msk [tilespmem:v28+s30+$0x0], $0xffff  }
0x2e9: {  	v17 =	vld.idx.msk [tilespmem:v29+s30+$0x0], $0xffff;
	v29 =	vor.u32 s29, v11;
	v23 =	vadd.f32 v25, v23  }
0x2ea: {  	v28 =	vor.u32 s29, v15;
	v27 =	vld.idx.msk [tilespmem:v27+s30+$0x0], $0xffff  }
0x2eb: {  	v33 =	vor.u32 s21, v7;
	v36 =	vld.idx.msk [tilespmem:v36+s30+$0x0], $0xffff;
	v23 =	vadd.f32 v24, v23  }
0x2ec: {  	v25 =	vor.u32 s29, v13;
	v19 =	vld.idx.msk [tilespmem:v19+s30+$0x0], $0xffff  }
0x2ed: {  	v21 =	vld.idx.msk [tilespmem:v21+s30+$0x0], $0xffff;
	v30 =	vadd.f32 $0.0e+00, v30;
	v24 =	vor.u32 s21, v5;
	v22 =	vadd.f32 v22, v23  }
0x2ee: {  	v34 =	vor.u32 s6, v0;
	v31 =	vor.u32 s6, v3;
	v29 =	vld.idx.msk [tilespmem:v29+s30+$0x0], $0xffff  }
0x2ef: {  	v28 =	vld.idx.msk [tilespmem:v28+s30+$0x0], $0xffff;
	v20 =	vadd.f32 v20, v30;
	v23 =	vor.u32 s21, v6;
	v22 =	vadd.f32 v27, v22  }
0x2f0: {  	v30 =	vld.idx.msk [tilespmem:v33+s30+$0x0], $0xffff;
	v27 =	vand.u32 v1, v34  }
0x2f1: {  	v18 =	vadd.f32 v18, v20;
	v25 =	vld.idx.msk [tilespmem:v25+s30+$0x0], $0xffff;
	v19 =	vadd.f32 v19, v22;
	v22 =	vor.u32 s6, v4  }
0x2f2: {  	v61 =	vor.u32 s6, v12;
	v24 =	vld.idx.msk [tilespmem:v24+s30+$0x0], $0xffff  }
0x2f3: {  	v18 =	vadd.f32 v21, v18;
	v21 =	vld.idx.msk [tilespmem:v31+s30+$0x0], $0xffff;
	v31 =	vor.u32 s21, v10;
	v19 =	vadd.f32 v29, v19  }
0x2f4: {  	v23 =	vld.idx.msk [tilespmem:v23+s30+$0x0], $0xffff;
	v29 =	vor.u32 s21, v9  }
0x2f5: {  	v37 =	vor.u32 s21, v16;
	v27 =	vld.idx.msk [tilespmem:v27+s30+$0x0], $0xffff;
	v19 =	vadd.f32 v26, v19  }
0x2f6: {  	v38 =	vor.u32 s21, v15;
	v20 =	vld.idx.msk [tilespmem:v22+s30+$0x0], $0xffff  }
0x2f7: {  	v62 =	vor.u32 s21, v11;
	v18 =	vadd.f32 v24, v18;
	v22 =	vadd.f32 v25, v19;
	v19 =	vld.idx.msk [tilespmem:v61+s30+$0x0], $0xffff  }
0x2f8: {  	v39 =	vor.u32 s21, v14;
	v25 =	vld.idx.msk [tilespmem:v31+s30+$0x0], $0xffff  }
0x2f9: {  	v18 =	vadd.f32 v23, v18;
	v24 =	vld.idx.msk [tilespmem:v29+s30+$0x0], $0xffff;
	v23 =	vadd.f32 v32, v22  }
0x2fa: {  	v26 =	vor.u32 s21, v13;
	v22 =	vld.idx.msk [tilespmem:v37+s30+$0x0], $0xffff;
	v27 =	vadd.f32 $0.0e+00, v27  }
0x2fb: {  	v29 =	vor.u32 s6, v8;
	v63 =	vadd.f32 v30, v18;
	v18 =	vld.idx.msk [tilespmem:v38+s30+$0x0], $0xffff;
	v28 =	vadd.f32 v28, v23  }
0x2fc: {  	v33 =	vor.u32 s6, v6;
	v32 =	vor.u32 s6, v5;
	v30 =	vadd.f32 v36, v27;
	v27 =	vld.idx.msk [tilespmem:v62+s30+$0x0], $0xffff  }
0x2fd: {  	s26 =	simm.s32 $0x300;
	s21 =	simm.s32 $0x1DC80;
	v31 =	vor.u32 s6, v7;
	v34 =	vadd.f32 v60, v63;
	v23 =	vld.idx.msk [tilespmem:v39+s30+$0x0], $0xffff;
	v28 =	vadd.f32 v35, v28  }
.LBB2_13:
0x2fe: {  	p2 =	sne.s32 s26, $0x400  }
0x2ff: {  	v35 =	vor.u32 s26, v0;
	v36 =	vor.u32 s26, v2;
	v24 =	vadd.f32 v24, v34;
	v26 =	vld.idx.msk [tilespmem:v26+s30+$0x0], $0xffff;
	s15 =	sadd.s32 $0x10, s15;
	s28 =	smov.u32 s26;
	s26 =	sadd.s32 $0x100, s26  }
0x300: {  	v34 =	vand.u32 v1, v35;
	v35 =	vld.idx.msk [tilespmem:v29+s30+$0x0], $0xffff;
	[tilespmem:s21+$0x0] =	vst v28;
	v28 =	vmov v22;
	s21 =	smov.u32 s15  }
0x301: {  	v22 =	vor.u32 s28, v3;
	v29 =	vld.idx.msk [tilespmem:v32+s30+$0x0], $0xffff;
	v24 =	vadd.f32 v25, v24  }
0x302: {  	v25 =	vor.u32 s28, v4;
	v31 =	vld.idx.msk [tilespmem:v31+s30+$0x0], $0xffff  }
0x303: {  	v21 =	vadd.f32 v21, v30;
	v32 =	vor.u32 s28, v12;
	v30 =	vld.idx.msk [tilespmem:v33+s30+$0x0], $0xffff;
	v24 =	vadd.f32 v27, v24  }
0x304: {  	v33 =	vor.u32 s6, v9;
	v27 =	vld.idx.msk [tilespmem:v36+s30+$0x0], $0xffff  }
0x305: {  	v37 =	vor.u32 s6, v16;
	v36 =	vadd.f32 v20, v21;
	v34 =	vld.idx.msk [tilespmem:v34+s30+$0x0], $0xffff;
	v24 =	vadd.f32 v17, v24;
	v17 =	vmovc v19  }
0x306: {  	v38 =	vor.u32 s6, v10;
	v21 =	vld.idx.msk [tilespmem:v22+s30+$0x0], $0xffff  }
0x307: {  	v22 =	vadd.f32 v29, v36;
	v36 =	vor.u32 s6, v15;
	v20 =	vld.idx.msk [tilespmem:v25+s30+$0x0], $0xffff;
	v25 =	vadd.f32 v26, v24  }
0x308: {  	v39 =	vor.u32 s6, v11;
	v19 =	vld.idx.msk [tilespmem:v32+s30+$0x0], $0xffff  }
0x309: {  	v40 =	vor.u32 s6, v14;
	v30 =	vadd.f32 v30, v22;
	v24 =	vld.idx.msk [tilespmem:v33+s30+$0x0], $0xffff;
	v23 =	vadd.f32 v23, v25  }
.Ltmp5:
0x30a: {  	v26 =	vor.u32 s6, v13;
	s6 =	smov.u32 s28;
	v22 =	vld.idx.msk [tilespmem:v37+s30+$0x0], $0xffff;
	(pc) =	sbr.rel @p2 .LBB2_13-.Ltmp5, $4  }
0x30b: {  	v29 =	vor.u32 s6, v8;
	v33 =	vadd.f32 $0.0e+00, v34;
	v34 =	vadd.f32 v31, v30;
	v25 =	vld.idx.msk [tilespmem:v38+s30+$0x0], $0xffff  }
0x30c: {  	v32 =	vor.u32 s6, v5;
	v37 =	vadd.f32 v18, v23;
	v18 =	vld.idx.msk [tilespmem:v36+s30+$0x0], $0xffff  }
0x30d: {  	v31 =	vor.u32 s6, v7;
	v30 =	vadd.f32 v27, v33;
	v34 =	vadd.f32 v35, v34;
	v27 =	vld.idx.msk [tilespmem:v39+s30+$0x0], $0xffff  }
0x30e: {  	v33 =	vor.u32 s6, v6;
	v28 =	vadd.f32 v28, v37;
	v23 =	vld.idx.msk [tilespmem:v40+s30+$0x0], $0xffff  }
0x30f: {  	_ =	sdelay $0x3  }
0x310: {  	v32 =	vld.idx.msk [tilespmem:v32+s30+$0x0], $0xffff  }
0x311: {  	v21 =	vadd.f32 v21, v30  }
0x312: {  	v30 =	vld.idx.msk [tilespmem:v33+s30+$0x0], $0xffff  }
0x313: {  	v52 =	vor.u32 s6, v9;
	v20 =	vadd.f32 v20, v21  }
0x314: {  	v21 =	vld.idx.msk [tilespmem:v31+s30+$0x0], $0xffff  }
0x315: {  	v31 =	vor.u32 s6, v10;
	v20 =	vadd.f32 v32, v20  }
0x316: {  	v29 =	vld.idx.msk [tilespmem:v29+s30+$0x0], $0xffff  }
0x317: {  	v53 =	vor.u32 s6, v11;
	v20 =	vadd.f32 v30, v20  }
0x318: {  	v30 =	vld.idx.msk [tilespmem:v52+s30+$0x0], $0xffff  }
0x319: {  	v20 =	vadd.f32 v21, v20  }
0x31a: {  	v21 =	vld.idx.msk [tilespmem:v31+s30+$0x0], $0xffff  }
0x31b: {  	v31 =	vor.u32 s6, v13;
	v20 =	vadd.f32 v29, v20  }
0x31c: {  	v24 =	vadd.f32 v24, v34;
	v29 =	vld.idx.msk [tilespmem:v53+s30+$0x0], $0xffff  }
0x31d: {  	v54 =	vor.u32 s6, v14;
	v20 =	vadd.f32 v30, v20  }
0x31e: {  	v24 =	vadd.f32 v25, v24  }
0x31f: {  	v25 =	vld.idx.msk [tilespmem:v26+s30+$0x0], $0xffff;
	v26 =	vor.u32 s6, v15;
	v20 =	vadd.f32 v21, v20  }
0x320: {  	v21 =	vadd.f32 v27, v24;
	v24 =	vld.idx.msk [tilespmem:v31+s30+$0x0], $0xffff  }
0x321: {  	v27 =	vor.u32 s6, v16;
	v20 =	vadd.f32 v29, v20  }
0x322: {  	v17 =	vadd.f32 v17, v21;
	v21 =	vld.idx.msk [tilespmem:v54+s30+$0x0], $0xffff  }
0x323: {  	v19 =	vadd.f32 v19, v20  }
0x324: {  	v17 =	vadd.f32 v25, v17;
	v20 =	vld.idx.msk [tilespmem:v26+s30+$0x0], $0xffff  }
0x325: {  	v19 =	vadd.f32 v24, v19  }
0x326: {  	v17 =	vadd.f32 v23, v17;
	v23 =	vld.idx.msk [tilespmem:v27+s30+$0x0], $0xffff  }
0x327: {  	v19 =	vadd.f32 v21, v19  }
0x328: {  	v17 =	vadd.f32 v18, v17  }
0x329: {  	[tilespmem:s21+$0x0] =	vst v28;
	v18 =	vadd.f32 v20, v19  }
0x32a: {  	s26 =	rddreg [dreg:$0xb];
	v17 =	vadd.f32 v22, v17  }
0x32b: {  	s6 =	sadd.s32 $0x10, s15;
	s15 =	sadd.s32 s26, s13;
	v18 =	vadd.f32 v23, v18  }
0x32c: {  	s29 =	sadd.s32 $0x10, s6;
	s26 =	sshrl.u32 s15, $0x3;
	[tilespmem:s6+$0x0] =	vst v17  }
0x32d: {  	s6 =	sadd.s32 s2, s26;
	[tilespmem:s29+$0x0] =	vst v18  }
0x32e: {  	[hbm4b:s6+s4] =	stream.linear.scatter [tilespmem:s8], [sflag:$0x7], $0x50, $0x38;
	[tilespmem:$0x1E280] =	vst v63  }
0x32f: {  	_ =	swait.ge [sflag:s17], $0x50  }
0x330: {  	[sflag:s17] =	ssyncset.done $0x0  }
0x331: {  	[sflag:s17] =	ssyncadd.s32 $0xFFFFFFB0  }
0x332: {  	_ =	swait.ge [sflag:s17], $0x50  }
0x333: {  	[sflag:s17] =	ssyncset.done $0x0  }
0x334: {  	[sflag:s17] =	ssyncadd.s32 $0xFFFFFFB0  }
0x335: {  	[tilespmem:s19], [sflag:$0x5] =	stream.indirect.gather [spmem:s3], $0x80, s31, s18, $0xb8;
	[tilespmem:$0x1E280] =	vst v63  }
0x336: {  	_ = 	snop  }
0x337: {  	[tilespmem:s20], [sflag:$0x5] =	stream.indirect.gather [spmem:s3], $0x80, s0, s18, $0xb8;
	[tilespmem:$0x1E280] =	vst v63  }
0x338: {  	_ =	swait.ge [sflag:s9], $0x2800  }
0x339: {  	[sflag:s9] =	ssyncset.done $0x0  }
0x33a: {  	[sflag:s9] =	ssyncadd.s32 $0xFFFFD800  }
0x33b: {  	_ =	swait.ge [sflag:s9], $0x2800  }
0x33c: {  	s6 =	rddreg [dreg:$0x1a]  }
0x33d: {  	s6 =	sadd.s32 @!p1 s13, s6  }
0x33e: {  	s21 =	simm.s32 @!p1 $0x0;
	[sflag:s9] =	ssyncset.done $0x0;
	s6 =	sshrl.u32 @!p1 s6, $0x3  }
0x33f: {  	s26 =	simm.s32 @!p1 $0x13A00;
	[sflag:s9] =	ssyncadd.s32 $0xFFFFD800;
	s15 =	sadd.s32 @!p1 s5, s6  }
0x340: {  	[tilespmem:s26], [sflag:$0x4] =	stream.linear.gather @!p1 [hbm4b:s15+s21], $0x50, $0x38;
	[tilespmem:$0x1E280] =	vst v63  }
0x341: {  	s6 =	sadd.s32 @!p1 s1, s6;
	s15 =	simm.s32 @!p1 $0x13C00  }
0x342: {  	[tilespmem:s15], [sflag:$0x4] =	stream.linear.gather @!p1 [hbm4b:s6+s21], $0x50, $0x38;
	[tilespmem:$0x1E280] =	vst v63  }
0x343: {  	_ =	swait.ge [sflag:s16], $0x50  }
0x344: {  	[sflag:s16] =	ssyncset.done $0x0  }
0x345: {  	s29 =	simm.s32 $0x16580;
	[sflag:s16] =	ssyncadd.s32 $0xFFFFFFB0  }
0x346: {  	s21 =	simm.s32 $0x1B580;
	v18 =	vld [tilespmem:s29+$0x80]  }
0x347: {  	v19 =	vld [tilespmem:s21+$0x80]  }
0x348: {  	v20 =	vld [tilespmem:s29+$0x90]  }
0x349: {  	v21 =	vld [tilespmem:s21+$0x90]  }
0x34a: {  	v22 =	vld [tilespmem:s29+$0xA0]  }
0x34b: {  	v23 =	vld [tilespmem:s21+$0xA0]  }
0x34c: {  	v24 =	vld [tilespmem:s29+$0xB0]  }
0x34d: {  	v25 =	vld [tilespmem:s21+$0xB0]  }
0x34e: {  	v26 =	vld [tilespmem:s29+$0xC0]  }
0x34f: {  	v27 =	vld [tilespmem:s21+$0xC0]  }
0x350: {  	v28 =	vld [tilespmem:s29+$0xD0]  }
0x351: {  	v29 =	vld [tilespmem:s21+$0xD0]  }
0x352: {  	v30 =	vld [tilespmem:s29+$0xE0]  }
0x353: {  	v31 =	vld [tilespmem:s21+$0xE0]  }
0x354: {  	v32 =	vld [tilespmem:s29+$0xF0]  }
0x355: {  	v33 =	vld [tilespmem:s21+$0xF0]  }
0x356: {  	v17 =	vld [tilespmem:s21+$0xFFFFFF00]  }
0x357: {  	v34 =	vld [tilespmem:s29+$0xFFFFFF10]  }
0x358: {  	v35 =	vld [tilespmem:s21+$0xFFFFFF10]  }
0x359: {  	v36 =	vld [tilespmem:s29+$0xFFFFFF20]  }
0x35a: {  	v37 =	vld [tilespmem:s21+$0xFFFFFF20]  }
0x35b: {  	v38 =	vld [tilespmem:s29+$0xFFFFFF30]  }
0x35c: {  	v39 =	vld [tilespmem:s21+$0xFFFFFF30]  }
0x35d: {  	v40 =	vld [tilespmem:s29+$0xFFFFFF40]  }
0x35e: {  	v41 =	vld [tilespmem:s21+$0xFFFFFF40]  }
0x35f: {  	v42 =	vld [tilespmem:s29+$0xFFFFFF50]  }
0x360: {  	v43 =	vld [tilespmem:s21+$0xFFFFFF50]  }
0x361: {  	v44 =	vld [tilespmem:s29+$0xFFFFFF60]  }
0x362: {  	v45 =	vld [tilespmem:s21+$0xFFFFFF60]  }
0x363: {  	v46 =	vld [tilespmem:s29+$0xFFFFFF70]  }
0x364: {  	v47 =	vld [tilespmem:s21+$0xFFFFFF70]  }
0x365: {  	v48 =	vld [tilespmem:s29+$0xFFFFFF80]  }
0x366: {  	v49 =	vld [tilespmem:s21+$0xFFFFFF80]  }
0x367: {  	v50 =	vld [tilespmem:s29+$0xFFFFFF90]  }
0x368: {  	v51 =	vld [tilespmem:s21+$0xFFFFFF90]  }
0x369: {  	v52 =	vld [tilespmem:s29+$0xFFFFFFA0]  }
0x36a: {  	v53 =	vld [tilespmem:s21+$0xFFFFFFA0]  }
0x36b: {  	v54 =	vld [tilespmem:s29+$0xFFFFFFB0]  }
0x36c: {  	v55 =	vld [tilespmem:s21+$0xFFFFFFB0]  }
0x36d: {  	v56 =	vld [tilespmem:s29+$0xFFFFFFC0]  }
0x36e: {  	v57 =	vld [tilespmem:s21+$0xFFFFFFC0]  }
0x36f: {  	v58 =	vld [tilespmem:s29+$0xFFFFFFD0]  }
0x370: {  	v59 =	vld [tilespmem:s21+$0xFFFFFFD0]  }
0x371: {  	v60 =	vld [tilespmem:s29+$0xFFFFFFE0]  }
0x372: {  	v61 =	vld [tilespmem:s21+$0xFFFFFFE0]  }
0x373: {  	v18 =	vmul.f32 v19, v18;
	v19 =	vmul.f32 v21, v20;
	v20 =	vld [tilespmem:s29+$0xFFFFFFF0]  }
0x374: {  	v21 =	vmul.f32 v23, v22;
	v22 =	vmul.f32 v25, v24;
	v23 =	vld [tilespmem:s21+$0xFFFFFFF0]  }
0x375: {  	v24 =	vmul.f32 v27, v26;
	v25 =	vmul.f32 v29, v28;
	v26 =	vld [tilespmem:s29+$0x0]  }
0x376: {  	v27 =	vmul.f32 v31, v30;
	v28 =	vmul.f32 v33, v32;
	v29 =	vld [tilespmem:s21+$0x0]  }
0x377: {  	v30 =	vld [tilespmem:s29+$0x20];
	v18 =	vadd.f32 v19, v18;
	v19 =	vadd.f32 v22, v21  }
0x378: {  	v31 =	vmul.f32 v55, v54;
	v55 =	vld [tilespmem:s21+$0x20];
	v22 =	vadd.f32 v25, v24;
	v24 =	vadd.f32 v28, v27  }
0x379: {  	v56 =	vmul.f32 v57, v56;
	v57 =	vmul.f32 v59, v58;
	v21 =	vld [tilespmem:s29+$0x10]  }
0x37a: {  	v25 =	vmul.f32 v37, v36;
	v27 =	vld [tilespmem:s21+$0x10];
	v18 =	vadd.f32 v19, v18;
	v22 =	vadd.f32 v24, v22  }
0x37b: {  	v58 =	vld [tilespmem:s29+$0x30];
	v28 =	vmul.f32 v51, v50;
	v33 =	vadd.f32 v57, v56;
	v19 =	vmul.f32 v49, v48  }
0x37c: {  	v24 =	vmul.f32 v53, v52;
	v20 =	vmul.f32 v23, v20;
	v59 =	vadd.f32 v22, v18;
	v22 =	vld [tilespmem:s21+$0x30]  }
0x37d: {  	v62 =	vld [tilespmem:s29+$0x50];
	v23 =	vmul.f32 v41, v40;
	v18 =	vmul.f32 v61, v60;
	v19 =	vadd.f32 v28, v19  }
0x37e: {  	v24 =	vadd.f32 v31, v24;
	v28 =	vld [tilespmem:s29+$0x40];
	v31 =	vmul.f32 v43, v42;
	v61 =	vmul.f32 v47, v46  }
0x37f: {  	v60 =	vld [tilespmem:s21+$0x40];
	v21 =	vmul.f32 v27, v21;
	v27 =	vmul.f32 v55, v30;
	v18 =	vadd.f32 v20, v18  }
0x380: {  	v20 =	vmul.f32 v45, v44;
	v19 =	vadd.f32 v24, v19;
	v24 =	vmul.f32 v29, v26;
	v29 =	vld [tilespmem:s21+$0x50]  }
0x381: {  	v26 =	vadd.f32 v31, v23;
	v23 =	vld [tilespmem:s21+$0x60];
	v18 =	vadd.f32 v18, v33;
	v30 =	vmul.f32 v22, v58  }
0x382: {  	v31 =	vmul.f32 v39, v38;
	v20 =	vadd.f32 v61, v20;
	v21 =	vadd.f32 v21, v24;
	v22 =	vld [tilespmem:s29+$0x60]  }
0x383: {  	s6 =	simm.s32 $0x1DDA0;
	v24 =	vld [tilespmem:s29+$0x70];
	v63 =	vadd.f32 v18, v19;
	v30 =	vadd.f32 v30, v27  }
0x384: {  	[tilespmem:s6+$0x10] =	vst v59;
	v18 =	vmul.f32 v35, v34;
	v19 =	vadd.f32 v31, v25;
	v20 =	vadd.f32 v20, v26;
	v25 =	vld [tilespmem:s21+$0x70]  }
0x385: {  	s28 =	simm.s32 $0x16780;
	s26 =	simm.s32 $0x0;
	v26 =	vmul.f32 v60, v28;
	v27 =	vld [tilespmem:s29+$0xFFFFFF00];
	v28 =	vmul.f32 v29, v62;
	[tilespmem:s6+$0xFFFFFFF0] =	vst v63;
	v21 =	vadd.f32 v30, v21  }
.LBB2_15:
0x386: {  	v29 =	vld [tilespmem:s28+$0x80];
	s21 =	sadd.s32 $0x200, s21  }
0x387: {  	v30 =	vld [tilespmem:s21+$0x80];
	v22 =	vmul.f32 v23, v22;
	v23 =	vadd.f32 v28, v26  }
0x388: {  	v26 =	vld [tilespmem:s28+$0x90]  }
0x389: {  	v28 =	vld [tilespmem:s21+$0x90];
	v24 =	vmul.f32 v25, v24  }
0x38a: {  	v25 =	vld [tilespmem:s28+$0xA0];
	v17 =	vmul.f32 v17, v27  }
0x38b: {  	v27 =	vld [tilespmem:s21+$0xA0];
	v22 =	vadd.f32 v24, v22  }
0x38c: {  	v24 =	vld [tilespmem:s28+$0xB0];
	v17 =	vadd.f32 v18, v17  }
0x38d: {  	v18 =	vld [tilespmem:s21+$0xB0];
	v22 =	vadd.f32 v22, v23  }
0x38e: {  	v23 =	vld [tilespmem:s28+$0xC0];
	v17 =	vadd.f32 v19, v17  }
0x38f: {  	v19 =	vld [tilespmem:s21+$0xC0];
	v21 =	vadd.f32 v22, v21  }
0x390: {  	v22 =	vld [tilespmem:s28+$0xD0];
	v17 =	vadd.f32 v20, v17  }
0x391: {  	v20 =	vld [tilespmem:s21+$0xD0];
	[tilespmem:s6+$0x0] =	vst v21  }
0x392: {  	v21 =	vld [tilespmem:s28+$0xE0];
	[tilespmem:s6+$0xFFFFFFE0] =	vst v17  }
0x393: {  	v31 =	vld [tilespmem:s21+$0xE0]  }
0x394: {  	v32 =	vld [tilespmem:s28+$0xF0]  }
0x395: {  	s26 =	sadd.s32 $0x4, s26;
	v33 =	vld [tilespmem:s21+$0xF0]  }
0x396: {  	p2 =	slt.u32 s26, $0x4C;
	v17 =	vld [tilespmem:s21+$0xFFFFFF00]  }
0x397: {  	v29 =	vmul.f32 v30, v29;
	v26 =	vmul.f32 v28, v26;
	v34 =	vld [tilespmem:s28+$0xFFFFFF10]  }
0x398: {  	v25 =	vmul.f32 v27, v25;
	v18 =	vmul.f32 v18, v24;
	v28 =	vld [tilespmem:s21+$0xFFFFFF10]  }
0x399: {  	v19 =	vmul.f32 v19, v23;
	v20 =	vmul.f32 v20, v22;
	v24 =	vld [tilespmem:s28+$0xFFFFFF20]  }
0x39a: {  	v21 =	vmul.f32 v31, v21;
	v22 =	vld [tilespmem:s21+$0xFFFFFF20];
	v23 =	vmul.f32 v33, v32  }
0x39b: {  	v26 =	vadd.f32 v26, v29;
	v25 =	vadd.f32 v18, v25;
	v27 =	vld [tilespmem:s28+$0xFFFFFF30]  }
0x39c: {  	v19 =	vadd.f32 v20, v19;
	v29 =	vld [tilespmem:s21+$0xFFFFFF30];
	v20 =	vadd.f32 v23, v21  }
0x39d: {  	v18 =	vmul.f32 v28, v34;
	v21 =	vld [tilespmem:s28+$0xFFFFFF40]  }
0x39e: {  	v25 =	vadd.f32 v25, v26;
	v23 =	vld [tilespmem:s21+$0xFFFFFF40];
	v19 =	vadd.f32 v20, v19  }
0x39f: {  	v20 =	vmul.f32 v22, v24;
	v22 =	vld [tilespmem:s28+$0xFFFFFF50]  }
0x3a0: {  	v24 =	vld [tilespmem:s21+$0xFFFFFF50];
	v19 =	vadd.f32 v19, v25  }
0x3a1: {  	s6 =	sadd.s32 $0x40, s6;
	v25 =	vmul.f32 v29, v27;
	v26 =	vld [tilespmem:s28+$0xFFFFFF60]  }
0x3a2: {  	s29 =	simm.s32 $0x0;
	s15 =	simm.s32 $0x1DD00;
	v27 =	vld [tilespmem:s21+$0xFFFFFF60];
	[tilespmem:s6+$0x10] =	vst v19  }
0x3a3: {  	v21 =	vmul.f32 v23, v21;
	v23 =	vld [tilespmem:s28+$0xFFFFFF70];
	v19 =	vadd.f32 v25, v20  }
0x3a4: {  	v20 =	vld [tilespmem:s21+$0xFFFFFF70]  }
0x3a5: {  	v22 =	vmul.f32 v24, v22;
	v24 =	vld [tilespmem:s28+$0xFFFFFF80]  }
0x3a6: {  	v25 =	vld [tilespmem:s21+$0xFFFFFF80]  }
0x3a7: {  	v26 =	vmul.f32 v27, v26;
	v21 =	vadd.f32 v22, v21;
	v22 =	vld [tilespmem:s28+$0xFFFFFF90]  }
0x3a8: {  	v27 =	vld [tilespmem:s21+$0xFFFFFF90]  }
0x3a9: {  	v20 =	vmul.f32 v20, v23;
	v23 =	vld [tilespmem:s28+$0xFFFFFFA0]  }
0x3aa: {  	v28 =	vld [tilespmem:s21+$0xFFFFFFA0]  }
0x3ab: {  	v20 =	vadd.f32 v20, v26;
	v24 =	vmul.f32 v25, v24;
	v25 =	vld [tilespmem:s28+$0xFFFFFFB0]  }
0x3ac: {  	v26 =	vld [tilespmem:s21+$0xFFFFFFB0]  }
0x3ad: {  	v20 =	vadd.f32 v20, v21;
	v21 =	vmul.f32 v27, v22;
	v22 =	vld [tilespmem:s28+$0xFFFFFFC0]  }
0x3ae: {  	v27 =	vld [tilespmem:s21+$0xFFFFFFC0]  }
0x3af: {  	v23 =	vmul.f32 v28, v23;
	v28 =	vld [tilespmem:s28+$0xFFFFFFD0];
	v21 =	vadd.f32 v21, v24  }
0x3b0: {  	v24 =	vld [tilespmem:s21+$0xFFFFFFD0]  }
0x3b1: {  	v25 =	vmul.f32 v26, v25;
	v26 =	vld [tilespmem:s28+$0xFFFFFFE0]  }
0x3b2: {  	v29 =	vld [tilespmem:s21+$0xFFFFFFE0]  }
0x3b3: {  	v22 =	vmul.f32 v27, v22;
	v27 =	vld [tilespmem:s28+$0xFFFFFFF0];
	v23 =	vadd.f32 v25, v23  }
0x3b4: {  	v25 =	vld [tilespmem:s21+$0xFFFFFFF0]  }
0x3b5: {  	v24 =	vmul.f32 v24, v28;
	v21 =	vadd.f32 v23, v21;
	v23 =	vld [tilespmem:s28+$0x0]  }
0x3b6: {  	v28 =	vld [tilespmem:s21+$0x0]  }
0x3b7: {  	v26 =	vmul.f32 v29, v26;
	v22 =	vadd.f32 v24, v22;
	v24 =	vld [tilespmem:s28+$0x10]  }
0x3b8: {  	v29 =	vld [tilespmem:s21+$0x10]  }
0x3b9: {  	v25 =	vmul.f32 v25, v27;
	v27 =	vld [tilespmem:s28+$0x20]  }
0x3ba: {  	v30 =	vld [tilespmem:s21+$0x20]  }
0x3bb: {  	v25 =	vadd.f32 v25, v26;
	v23 =	vmul.f32 v28, v23;
	v26 =	vld [tilespmem:s28+$0x30]  }
0x3bc: {  	v28 =	vld [tilespmem:s21+$0x30]  }
0x3bd: {  	v22 =	vadd.f32 v25, v22;
	v24 =	vmul.f32 v29, v24;
	v25 =	vld [tilespmem:s28+$0x40]  }
0x3be: {  	v29 =	vld [tilespmem:s21+$0x40]  }
0x3bf: {  	v21 =	vadd.f32 v22, v21;
	v27 =	vmul.f32 v30, v27;
	v30 =	vld [tilespmem:s28+$0x50];
	v31 =	vadd.f32 v24, v23  }
0x3c0: {  	v32 =	vld [tilespmem:s21+$0x50]  }
.Ltmp6:
0x3c1: {  	[tilespmem:s6+$0xFFFFFFF0] =	vst v21;
	v21 =	vmul.f32 v28, v26;
	v22 =	vld [tilespmem:s28+$0x60];
	(pc) =	sbr.rel @p2 .LBB2_15-.Ltmp6, $4  }
0x3c2: {  	v23 =	vld [tilespmem:s21+$0x60]  }
0x3c3: {  	v26 =	vmul.f32 v29, v25;
	v24 =	vld [tilespmem:s28+$0x70];
	v21 =	vadd.f32 v21, v27  }
0x3c4: {  	v25 =	vld [tilespmem:s21+$0x70]  }
0x3c5: {  	v27 =	vld [tilespmem:s28+$0xFFFFFF00];
	v28 =	vmul.f32 v32, v30;
	v21 =	vadd.f32 v21, v31;
	s28 =	sadd.s32 $0x200, s28  }
0x3c6: {  	_ =	sdelay $0x2  }
0x3c7: {  	v22 =	vmul.f32 v23, v22;
	v23 =	vmul.f32 v25, v24  }
0x3c8: {  	v17 =	vmul.f32 v17, v27  }
0x3c9: {  	v24 =	vadd.f32 v28, v26;
	v22 =	vadd.f32 v23, v22  }
0x3ca: {  	v17 =	vadd.f32 v18, v17  }
0x3cb: {  	v18 =	vadd.f32 v22, v24;
	v22 =	vor.u32 s29, v0  }
0x3cc: {  	v17 =	vadd.f32 v19, v17;
	v19 =	vand.u32 v1, v22  }
0x3cd: {  	v22 =	vor.u32 s29, v8;
	v18 =	vadd.f32 v18, v21  }
0x3ce: {  	v21 =	vor.u32 s29, v2;
	v17 =	vadd.f32 v20, v17  }
0x3cf: {  	v23 =	vor.u32 s29, v5;
	[tilespmem:s6+$0x0] =	vst v18  }
0x3d0: {  	v20 =	vor.u32 s29, v3;
	[tilespmem:s6+$0xFFFFFFE0] =	vst v17  }
0x3d1: {  	v17 =	vor.u32 s29, v12;
	v19 =	vld.idx.msk [tilespmem:v19+s30+$0x0], $0xffff  }
0x3d2: {  	v18 =	vor.u32 s29, v4;
	v22 =	vld.idx.msk [tilespmem:v22+s30+$0x0], $0xffff  }
0x3d3: {  	v24 =	vor.u32 s29, v7;
	v21 =	vld.idx.msk [tilespmem:v21+s30+$0x0], $0xffff  }
0x3d4: {  	v31 =	vor.u32 s29, v16;
	v23 =	vld.idx.msk [tilespmem:v23+s30+$0x0], $0xffff  }
0x3d5: {  	s21 =	simm.s32 $0x100;
	v25 =	vor.u32 s29, v6;
	v20 =	vld.idx.msk [tilespmem:v20+s30+$0x0], $0xffff  }
0x3d6: {  	v27 =	vor.u32 s21, v2;
	v26 =	vld.idx.msk [tilespmem:v17+s30+$0x0], $0xffff;
	v17 =	vor.u32 s21, v0;
	v19 =	vadd.f32 $0.0e+00, v19  }
0x3d7: {  	v18 =	vld.idx.msk [tilespmem:v18+s30+$0x0], $0xffff;
	v17 =	vand.u32 v1, v17  }
0x3d8: {  	v32 =	vor.u32 s29, v14;
	v24 =	vld.idx.msk [tilespmem:v24+s30+$0x0], $0xffff;
	v19 =	vadd.f32 v21, v19  }
0x3d9: {  	v35 =	vld.idx.msk [tilespmem:v31+s30+$0x0], $0xffff;
	v31 =	vor.u32 s21, v8  }
0x3da: {  	v28 =	vor.u32 s21, v3;
	v25 =	vld.idx.msk [tilespmem:v25+s30+$0x0], $0xffff;
	v19 =	vadd.f32 v20, v19  }
0x3db: {  	v29 =	vor.u32 s21, v12;
	v20 =	vld.idx.msk [tilespmem:v27+s30+$0x0], $0xffff  }
0x3dc: {  	s6 =	simm.s32 $0x200;
	v27 =	vor.u32 s29, v9;
	v30 =	vld.idx.msk [tilespmem:v17+s30+$0x0], $0xffff;
	v17 =	vadd.f32 v18, v19  }
0x3dd: {  	v32 =	vld.idx.msk [tilespmem:v32+s30+$0x0], $0xffff;
	v36 =	vor.u32 s6, v2  }
0x3de: {  	v60 =	vld.idx.msk [tilespmem:v31+s30+$0x0], $0xffff;
	v19 =	vor.u32 s29, v10;
	v23 =	vadd.f32 v23, v17  }
0x3df: {  	v21 =	vor.u32 s21, v4;
	v18 =	vld.idx.msk [tilespmem:v28+s30+$0x0], $0xffff  }
0x3e0: {  	v17 =	vld.idx.msk [tilespmem:v29+s30+$0x0], $0xffff;
	v29 =	vor.u32 s29, v11;
	v23 =	vadd.f32 v25, v23  }
0x3e1: {  	v28 =	vor.u32 s29, v15;
	v27 =	vld.idx.msk [tilespmem:v27+s30+$0x0], $0xffff  }
0x3e2: {  	v33 =	vor.u32 s21, v7;
	v36 =	vld.idx.msk [tilespmem:v36+s30+$0x0], $0xffff;
	v23 =	vadd.f32 v24, v23  }
0x3e3: {  	v25 =	vor.u32 s29, v13;
	v19 =	vld.idx.msk [tilespmem:v19+s30+$0x0], $0xffff  }
0x3e4: {  	v21 =	vld.idx.msk [tilespmem:v21+s30+$0x0], $0xffff;
	v30 =	vadd.f32 $0.0e+00, v30;
	v24 =	vor.u32 s21, v5;
	v22 =	vadd.f32 v22, v23  }
0x3e5: {  	v34 =	vor.u32 s6, v0;
	v31 =	vor.u32 s6, v3;
	v29 =	vld.idx.msk [tilespmem:v29+s30+$0x0], $0xffff  }
0x3e6: {  	v28 =	vld.idx.msk [tilespmem:v28+s30+$0x0], $0xffff;
	v20 =	vadd.f32 v20, v30;
	v23 =	vor.u32 s21, v6;
	v22 =	vadd.f32 v27, v22  }
0x3e7: {  	v30 =	vld.idx.msk [tilespmem:v33+s30+$0x0], $0xffff;
	v27 =	vand.u32 v1, v34  }
0x3e8: {  	v18 =	vadd.f32 v18, v20;
	v25 =	vld.idx.msk [tilespmem:v25+s30+$0x0], $0xffff;
	v19 =	vadd.f32 v19, v22;
	v22 =	vor.u32 s6, v4  }
0x3e9: {  	v61 =	vor.u32 s6, v12;
	v24 =	vld.idx.msk [tilespmem:v24+s30+$0x0], $0xffff  }
0x3ea: {  	v18 =	vadd.f32 v21, v18;
	v21 =	vld.idx.msk [tilespmem:v31+s30+$0x0], $0xffff;
	v31 =	vor.u32 s21, v10;
	v19 =	vadd.f32 v29, v19  }
0x3eb: {  	v23 =	vld.idx.msk [tilespmem:v23+s30+$0x0], $0xffff;
	v29 =	vor.u32 s21, v9  }
0x3ec: {  	v37 =	vor.u32 s21, v16;
	v27 =	vld.idx.msk [tilespmem:v27+s30+$0x0], $0xffff;
	v19 =	vadd.f32 v26, v19  }
0x3ed: {  	v38 =	vor.u32 s21, v15;
	v20 =	vld.idx.msk [tilespmem:v22+s30+$0x0], $0xffff  }
0x3ee: {  	v62 =	vor.u32 s21, v11;
	v18 =	vadd.f32 v24, v18;
	v22 =	vadd.f32 v25, v19;
	v19 =	vld.idx.msk [tilespmem:v61+s30+$0x0], $0xffff  }
0x3ef: {  	v39 =	vor.u32 s21, v14;
	v25 =	vld.idx.msk [tilespmem:v31+s30+$0x0], $0xffff  }
0x3f0: {  	v18 =	vadd.f32 v23, v18;
	v24 =	vld.idx.msk [tilespmem:v29+s30+$0x0], $0xffff;
	v23 =	vadd.f32 v32, v22  }
0x3f1: {  	v26 =	vor.u32 s21, v13;
	v22 =	vld.idx.msk [tilespmem:v37+s30+$0x0], $0xffff;
	v27 =	vadd.f32 $0.0e+00, v27  }
0x3f2: {  	v29 =	vor.u32 s6, v8;
	v63 =	vadd.f32 v30, v18;
	v18 =	vld.idx.msk [tilespmem:v38+s30+$0x0], $0xffff;
	v28 =	vadd.f32 v28, v23  }
0x3f3: {  	v33 =	vor.u32 s6, v6;
	v32 =	vor.u32 s6, v5;
	v30 =	vadd.f32 v36, v27;
	v27 =	vld.idx.msk [tilespmem:v62+s30+$0x0], $0xffff  }
0x3f4: {  	s26 =	simm.s32 $0x300;
	s21 =	simm.s32 $0x1DD00;
	v31 =	vor.u32 s6, v7;
	v34 =	vadd.f32 v60, v63;
	v23 =	vld.idx.msk [tilespmem:v39+s30+$0x0], $0xffff;
	v28 =	vadd.f32 v35, v28  }
.LBB2_17:
0x3f5: {  	p2 =	sne.s32 s26, $0x400  }
0x3f6: {  	v35 =	vor.u32 s26, v0;
	v36 =	vor.u32 s26, v2;
	v24 =	vadd.f32 v24, v34;
	v26 =	vld.idx.msk [tilespmem:v26+s30+$0x0], $0xffff;
	s15 =	sadd.s32 $0x10, s15;
	s28 =	smov.u32 s26;
	s26 =	sadd.s32 $0x100, s26  }
0x3f7: {  	v34 =	vand.u32 v1, v35;
	v35 =	vld.idx.msk [tilespmem:v29+s30+$0x0], $0xffff;
	[tilespmem:s21+$0x0] =	vst v28;
	v28 =	vmov v22;
	s21 =	smov.u32 s15  }
0x3f8: {  	v22 =	vor.u32 s28, v3;
	v29 =	vld.idx.msk [tilespmem:v32+s30+$0x0], $0xffff;
	v24 =	vadd.f32 v25, v24  }
0x3f9: {  	v25 =	vor.u32 s28, v4;
	v31 =	vld.idx.msk [tilespmem:v31+s30+$0x0], $0xffff  }
0x3fa: {  	v21 =	vadd.f32 v21, v30;
	v32 =	vor.u32 s28, v12;
	v30 =	vld.idx.msk [tilespmem:v33+s30+$0x0], $0xffff;
	v24 =	vadd.f32 v27, v24  }
0x3fb: {  	v33 =	vor.u32 s6, v9;
	v27 =	vld.idx.msk [tilespmem:v36+s30+$0x0], $0xffff  }
0x3fc: {  	v37 =	vor.u32 s6, v16;
	v36 =	vadd.f32 v20, v21;
	v34 =	vld.idx.msk [tilespmem:v34+s30+$0x0], $0xffff;
	v24 =	vadd.f32 v17, v24;
	v17 =	vmovc v19  }
0x3fd: {  	v38 =	vor.u32 s6, v10;
	v21 =	vld.idx.msk [tilespmem:v22+s30+$0x0], $0xffff  }
0x3fe: {  	v22 =	vadd.f32 v29, v36;
	v36 =	vor.u32 s6, v15;
	v20 =	vld.idx.msk [tilespmem:v25+s30+$0x0], $0xffff;
	v25 =	vadd.f32 v26, v24  }
0x3ff: {  	v39 =	vor.u32 s6, v11;
	v19 =	vld.idx.msk [tilespmem:v32+s30+$0x0], $0xffff  }
0x400: {  	v40 =	vor.u32 s6, v14;
	v30 =	vadd.f32 v30, v22;
	v24 =	vld.idx.msk [tilespmem:v33+s30+$0x0], $0xffff;
	v23 =	vadd.f32 v23, v25  }
.Ltmp7:
0x401: {  	v26 =	vor.u32 s6, v13;
	s6 =	smov.u32 s28;
	v22 =	vld.idx.msk [tilespmem:v37+s30+$0x0], $0xffff;
	(pc) =	sbr.rel @p2 .LBB2_17-.Ltmp7, $4  }
0x402: {  	v29 =	vor.u32 s6, v8;
	v33 =	vadd.f32 $0.0e+00, v34;
	v34 =	vadd.f32 v31, v30;
	v25 =	vld.idx.msk [tilespmem:v38+s30+$0x0], $0xffff  }
0x403: {  	v32 =	vor.u32 s6, v5;
	v37 =	vadd.f32 v18, v23;
	v18 =	vld.idx.msk [tilespmem:v36+s30+$0x0], $0xffff  }
0x404: {  	v31 =	vor.u32 s6, v7;
	v30 =	vadd.f32 v27, v33;
	v34 =	vadd.f32 v35, v34;
	v27 =	vld.idx.msk [tilespmem:v39+s30+$0x0], $0xffff  }
0x405: {  	v33 =	vor.u32 s6, v6;
	v28 =	vadd.f32 v28, v37;
	v23 =	vld.idx.msk [tilespmem:v40+s30+$0x0], $0xffff  }
0x406: {  	_ =	sdelay $0x3  }
0x407: {  	v32 =	vld.idx.msk [tilespmem:v32+s30+$0x0], $0xffff  }
0x408: {  	v21 =	vadd.f32 v21, v30  }
0x409: {  	v46 =	vld.idx.msk [tilespmem:v33+s30+$0x0], $0xffff  }
0x40a: {  	v47 =	vor.u32 s6, v9;
	v20 =	vadd.f32 v20, v21  }
0x40b: {  	v48 =	vld.idx.msk [tilespmem:v31+s30+$0x0], $0xffff  }
0x40c: {  	v49 =	vor.u32 s6, v10;
	v20 =	vadd.f32 v32, v20  }
0x40d: {  	v29 =	vld.idx.msk [tilespmem:v29+s30+$0x0], $0xffff  }
0x40e: {  	v50 =	vor.u32 s6, v11;
	v20 =	vadd.f32 v46, v20  }
0x40f: {  	v51 =	vld.idx.msk [tilespmem:v47+s30+$0x0], $0xffff  }
0x410: {  	v20 =	vadd.f32 v48, v20  }
0x411: {  	v52 =	vld.idx.msk [tilespmem:v49+s30+$0x0], $0xffff  }
0x412: {  	v53 =	vor.u32 s6, v13;
	v20 =	vadd.f32 v29, v20  }
0x413: {  	v24 =	vadd.f32 v24, v34;
	v54 =	vld.idx.msk [tilespmem:v50+s30+$0x0], $0xffff  }
0x414: {  	v55 =	vor.u32 s6, v14;
	v20 =	vadd.f32 v51, v20  }
0x415: {  	v24 =	vadd.f32 v25, v24  }
0x416: {  	v56 =	vld.idx.msk [tilespmem:v26+s30+$0x0], $0xffff;
	v57 =	vor.u32 s6, v15;
	v20 =	vadd.f32 v52, v20  }
0x417: {  	v58 =	vadd.f32 v27, v24;
	v59 =	vld.idx.msk [tilespmem:v53+s30+$0x0], $0xffff  }
0x418: {  	v60 =	vor.u32 s6, v16;
	v20 =	vadd.f32 v54, v20  }
0x419: {  	v61 =	vld.idx.msk [tilespmem:v55+s30+$0x0], $0xffff;
	v17 =	vadd.f32 v17, v58  }
0x41a: {  	v19 =	vadd.f32 v19, v20  }
0x41b: {  	v62 =	vld.idx.msk [tilespmem:v57+s30+$0x0], $0xffff;
	v17 =	vadd.f32 v56, v17  }
0x41c: {  	v19 =	vadd.f32 v59, v19  }
0x41d: {  	v63 =	vld.idx.msk [tilespmem:v60+s30+$0x0], $0xffff;
	v17 =	vadd.f32 v23, v17  }
0x41e: {  	v19 =	vadd.f32 v61, v19  }
0x41f: {  	v17 =	vadd.f32 v18, v17  }
0x420: {  	[tilespmem:s21+$0x0] =	vst v28;
	v18 =	vadd.f32 v62, v19  }
.Ltmp8:
0x421: {  	s26 =	rddreg [dreg:$0xd];
	v17 =	vadd.f32 v22, v17;
	(pc) =	sbr.rel @p1 .LBB2_20-.Ltmp8, $4  }
0x422: {  	s29 =	sadd.s32 $0x10, s15;
	s13 =	sadd.s32 s26, s13;
	v18 =	vadd.f32 v63, v18  }
0x423: {  	s28 =	sadd.s32 $0x10, s29;
	[tilespmem:s29+$0x0] =	vst v17;
	s29 =	sshrl.u32 s13, $0x3  }
0x424: {  	s6 =	sadd.s32 s2, s29;
	[tilespmem:s28+$0x0] =	vst v18  }
0x425: {  	[hbm4b:s6+s4] =	stream.linear.scatter [tilespmem:s10], [sflag:$0x8], $0x50, $0x38;
	[tilespmem:$0x1E280] =	vst v63  }
0x426: {  	_ =	swait.ge [sflag:s22], $0x50  }
0x427: {  	[sflag:s22] =	ssyncset.done $0x0  }
0x428: {  	[sflag:s22] =	ssyncadd.s32 $0xFFFFFFB0  }
0x429: {  	_ =	swait.ge [sflag:s22], $0x50  }
.Ltmp9:
0x42a: {  	[sflag:s22] =	ssyncset.done $0x0;
	(pc) =	sbr.rel .LBB2_2-.Ltmp9, $4  }
0x42b: {  	s6 =	simm.s32 $0x13900;
	s13 =	simm.s32 $0x16480;
	[sflag:s22] =	ssyncadd.s32 $0xFFFFFFB0  }
0x42c: {  	[tilespmem:s13], [sflag:$0x6] =	stream.indirect.gather [spmem:s3], $0x80, s6, s18, $0xb8;
	[tilespmem:$0x1E280] =	vst v63  }
0x42d: {  	s29 =	simm.s32 $0x13B00;
	s11 =	sadd.s32 $0x1, s11  }
0x42e: {  	[tilespmem:s24], [sflag:$0x6] =	stream.indirect.gather [spmem:s3], $0x80, s29, s18, $0xb8;
	[tilespmem:$0x1E280] =	vst v63  }
.LBB2_20:
0x42f: {  	_ =	swait.ge [sflag:s25], $0x2800  }
0x430: {  	[sflag:s25] =	ssyncset.done $0x0  }
0x431: {  	[sflag:s25] =	ssyncadd.s32 $0xFFFFD800  }
0x432: {  	_ =	swait.ge [sflag:s25], $0x2800  }
0x433: {  	[sflag:s25] =	ssyncset.done $0x0  }
0x434: {  	[sflag:s25] =	ssyncadd.s32 $0xFFFFD800  }
0x435: {  	_ =	swait.ge [sflag:s14], $0x50  }
0x436: {  	[sflag:s14] =	ssyncset.done $0x0  }
0x437: {  	s11 =	simm.s32 $0x13D80;
	[sflag:s14] =	ssyncadd.s32 $0xFFFFFFB0  }
0x438: {  	s13 =	simm.s32 $0x18D80;
	v18 =	vld [tilespmem:s11+$0x80]  }
0x439: {  	v19 =	vld [tilespmem:s13+$0x80]  }
0x43a: {  	v20 =	vld [tilespmem:s11+$0x90]  }
0x43b: {  	v21 =	vld [tilespmem:s13+$0x90]  }
0x43c: {  	v22 =	vld [tilespmem:s11+$0xA0]  }
0x43d: {  	v23 =	vld [tilespmem:s13+$0xA0]  }
0x43e: {  	v24 =	vld [tilespmem:s11+$0xB0]  }
0x43f: {  	v25 =	vld [tilespmem:s13+$0xB0]  }
0x440: {  	v26 =	vld [tilespmem:s11+$0xC0]  }
0x441: {  	v27 =	vld [tilespmem:s13+$0xC0]  }
0x442: {  	v28 =	vld [tilespmem:s11+$0xD0]  }
0x443: {  	v29 =	vld [tilespmem:s13+$0xD0]  }
0x444: {  	v30 =	vld [tilespmem:s11+$0xE0]  }
0x445: {  	v31 =	vld [tilespmem:s13+$0xE0]  }
0x446: {  	v32 =	vld [tilespmem:s11+$0xF0]  }
0x447: {  	v33 =	vld [tilespmem:s13+$0xF0]  }
0x448: {  	v17 =	vld [tilespmem:s13+$0xFFFFFF00]  }
0x449: {  	v34 =	vld [tilespmem:s11+$0xFFFFFF10]  }
0x44a: {  	v35 =	vld [tilespmem:s13+$0xFFFFFF10]  }
0x44b: {  	v36 =	vld [tilespmem:s11+$0xFFFFFF20]  }
0x44c: {  	v37 =	vld [tilespmem:s13+$0xFFFFFF20]  }
0x44d: {  	v38 =	vld [tilespmem:s11+$0xFFFFFF30]  }
0x44e: {  	v39 =	vld [tilespmem:s13+$0xFFFFFF30]  }
0x44f: {  	v40 =	vld [tilespmem:s11+$0xFFFFFF40]  }
0x450: {  	v41 =	vld [tilespmem:s13+$0xFFFFFF40]  }
0x451: {  	v42 =	vld [tilespmem:s11+$0xFFFFFF50]  }
0x452: {  	v43 =	vld [tilespmem:s13+$0xFFFFFF50]  }
0x453: {  	v44 =	vld [tilespmem:s11+$0xFFFFFF60]  }
0x454: {  	v45 =	vld [tilespmem:s13+$0xFFFFFF60]  }
0x455: {  	v46 =	vld [tilespmem:s11+$0xFFFFFF70]  }
0x456: {  	v47 =	vld [tilespmem:s13+$0xFFFFFF70]  }
0x457: {  	v48 =	vld [tilespmem:s11+$0xFFFFFF80]  }
0x458: {  	v49 =	vld [tilespmem:s13+$0xFFFFFF80]  }
0x459: {  	v50 =	vld [tilespmem:s11+$0xFFFFFF90]  }
0x45a: {  	v51 =	vld [tilespmem:s13+$0xFFFFFF90]  }
0x45b: {  	v52 =	vld [tilespmem:s11+$0xFFFFFFA0]  }
0x45c: {  	v53 =	vld [tilespmem:s13+$0xFFFFFFA0]  }
0x45d: {  	v54 =	vld [tilespmem:s11+$0xFFFFFFB0]  }
0x45e: {  	v55 =	vld [tilespmem:s13+$0xFFFFFFB0]  }
0x45f: {  	v56 =	vld [tilespmem:s11+$0xFFFFFFC0]  }
0x460: {  	v57 =	vld [tilespmem:s13+$0xFFFFFFC0]  }
0x461: {  	v58 =	vld [tilespmem:s11+$0xFFFFFFD0]  }
0x462: {  	v59 =	vld [tilespmem:s13+$0xFFFFFFD0]  }
0x463: {  	v60 =	vld [tilespmem:s11+$0xFFFFFFE0]  }
0x464: {  	v61 =	vld [tilespmem:s13+$0xFFFFFFE0]  }
0x465: {  	v18 =	vmul.f32 v19, v18;
	v19 =	vmul.f32 v21, v20;
	v20 =	vld [tilespmem:s11+$0xFFFFFFF0]  }
0x466: {  	v21 =	vmul.f32 v23, v22;
	v22 =	vmul.f32 v25, v24;
	v23 =	vld [tilespmem:s13+$0xFFFFFFF0]  }
0x467: {  	v24 =	vmul.f32 v27, v26;
	v25 =	vmul.f32 v29, v28;
	v26 =	vld [tilespmem:s11+$0x0]  }
0x468: {  	v27 =	vmul.f32 v31, v30;
	v28 =	vmul.f32 v33, v32;
	v29 =	vld [tilespmem:s13+$0x0]  }
0x469: {  	v30 =	vld [tilespmem:s11+$0x20];
	v18 =	vadd.f32 v19, v18;
	v19 =	vadd.f32 v22, v21  }
0x46a: {  	v31 =	vmul.f32 v55, v54;
	v55 =	vld [tilespmem:s13+$0x20];
	v22 =	vadd.f32 v25, v24;
	v24 =	vadd.f32 v28, v27  }
0x46b: {  	v56 =	vmul.f32 v57, v56;
	v57 =	vmul.f32 v59, v58;
	v21 =	vld [tilespmem:s11+$0x10]  }
0x46c: {  	v25 =	vmul.f32 v37, v36;
	v27 =	vld [tilespmem:s13+$0x10];
	v18 =	vadd.f32 v19, v18;
	v22 =	vadd.f32 v24, v22  }
0x46d: {  	v58 =	vld [tilespmem:s11+$0x30];
	v28 =	vmul.f32 v51, v50;
	v33 =	vadd.f32 v57, v56;
	v19 =	vmul.f32 v49, v48  }
0x46e: {  	v24 =	vmul.f32 v53, v52;
	v20 =	vmul.f32 v23, v20;
	v59 =	vadd.f32 v22, v18;
	v22 =	vld [tilespmem:s13+$0x30]  }
0x46f: {  	v62 =	vld [tilespmem:s11+$0x50];
	v23 =	vmul.f32 v41, v40;
	v18 =	vmul.f32 v61, v60;
	v19 =	vadd.f32 v28, v19  }
0x470: {  	v24 =	vadd.f32 v31, v24;
	v28 =	vld [tilespmem:s11+$0x40];
	v31 =	vmul.f32 v43, v42;
	v61 =	vmul.f32 v47, v46  }
0x471: {  	v60 =	vld [tilespmem:s13+$0x40];
	v21 =	vmul.f32 v27, v21;
	v27 =	vmul.f32 v55, v30;
	v18 =	vadd.f32 v20, v18  }
0x472: {  	v20 =	vmul.f32 v45, v44;
	v19 =	vadd.f32 v24, v19;
	v24 =	vmul.f32 v29, v26;
	v29 =	vld [tilespmem:s13+$0x50]  }
0x473: {  	v26 =	vadd.f32 v31, v23;
	v23 =	vld [tilespmem:s13+$0x60];
	v18 =	vadd.f32 v18, v33;
	v30 =	vmul.f32 v22, v58  }
0x474: {  	v31 =	vmul.f32 v39, v38;
	v20 =	vadd.f32 v61, v20;
	v21 =	vadd.f32 v21, v24;
	v22 =	vld [tilespmem:s11+$0x60]  }
0x475: {  	s6 =	simm.s32 $0x1DDA0;
	v24 =	vld [tilespmem:s11+$0x70];
	v63 =	vadd.f32 v18, v19;
	v30 =	vadd.f32 v30, v27  }
0x476: {  	[tilespmem:s6+$0x10] =	vst v59;
	v18 =	vmul.f32 v35, v34;
	v19 =	vadd.f32 v31, v25;
	v20 =	vadd.f32 v20, v26;
	v25 =	vld [tilespmem:s13+$0x70]  }
0x477: {  	s15 =	simm.s32 $0x0;
	s21 =	simm.s32 $0x13F80;
	v26 =	vmul.f32 v60, v28;
	v27 =	vld [tilespmem:s11+$0xFFFFFF00];
	v28 =	vmul.f32 v29, v62;
	[tilespmem:s6+$0xFFFFFFF0] =	vst v63;
	v21 =	vadd.f32 v30, v21  }
.LBB2_21:
0x478: {  	v29 =	vld [tilespmem:s21+$0x80];
	s13 =	sadd.s32 $0x200, s13  }
0x479: {  	v30 =	vld [tilespmem:s13+$0x80];
	v22 =	vmul.f32 v23, v22;
	v23 =	vadd.f32 v28, v26  }
0x47a: {  	v26 =	vld [tilespmem:s21+$0x90]  }
0x47b: {  	v28 =	vld [tilespmem:s13+$0x90];
	v24 =	vmul.f32 v25, v24  }
0x47c: {  	v25 =	vld [tilespmem:s21+$0xA0];
	v17 =	vmul.f32 v17, v27  }
0x47d: {  	v27 =	vld [tilespmem:s13+$0xA0];
	v22 =	vadd.f32 v24, v22  }
0x47e: {  	v24 =	vld [tilespmem:s21+$0xB0];
	v17 =	vadd.f32 v18, v17  }
0x47f: {  	v18 =	vld [tilespmem:s13+$0xB0];
	v22 =	vadd.f32 v22, v23  }
0x480: {  	v23 =	vld [tilespmem:s21+$0xC0];
	v17 =	vadd.f32 v19, v17  }
0x481: {  	v19 =	vld [tilespmem:s13+$0xC0];
	v21 =	vadd.f32 v22, v21  }
0x482: {  	v22 =	vld [tilespmem:s21+$0xD0];
	v17 =	vadd.f32 v20, v17  }
0x483: {  	v20 =	vld [tilespmem:s13+$0xD0];
	[tilespmem:s6+$0x0] =	vst v21  }
0x484: {  	v21 =	vld [tilespmem:s21+$0xE0];
	[tilespmem:s6+$0xFFFFFFE0] =	vst v17  }
0x485: {  	v31 =	vld [tilespmem:s13+$0xE0]  }
0x486: {  	v32 =	vld [tilespmem:s21+$0xF0]  }
0x487: {  	s15 =	sadd.s32 $0x4, s15;
	v33 =	vld [tilespmem:s13+$0xF0]  }
0x488: {  	p1 =	slt.u32 s15, $0x4C;
	v17 =	vld [tilespmem:s13+$0xFFFFFF00]  }
0x489: {  	v29 =	vmul.f32 v30, v29;
	v26 =	vmul.f32 v28, v26;
	v34 =	vld [tilespmem:s21+$0xFFFFFF10]  }
0x48a: {  	v25 =	vmul.f32 v27, v25;
	v18 =	vmul.f32 v18, v24;
	v28 =	vld [tilespmem:s13+$0xFFFFFF10]  }
0x48b: {  	v19 =	vmul.f32 v19, v23;
	v20 =	vmul.f32 v20, v22;
	v24 =	vld [tilespmem:s21+$0xFFFFFF20]  }
0x48c: {  	v21 =	vmul.f32 v31, v21;
	v22 =	vld [tilespmem:s13+$0xFFFFFF20];
	v23 =	vmul.f32 v33, v32  }
0x48d: {  	v26 =	vadd.f32 v26, v29;
	v25 =	vadd.f32 v18, v25;
	v27 =	vld [tilespmem:s21+$0xFFFFFF30]  }
0x48e: {  	v19 =	vadd.f32 v20, v19;
	v29 =	vld [tilespmem:s13+$0xFFFFFF30];
	v20 =	vadd.f32 v23, v21  }
0x48f: {  	v18 =	vmul.f32 v28, v34;
	v21 =	vld [tilespmem:s21+$0xFFFFFF40]  }
0x490: {  	v25 =	vadd.f32 v25, v26;
	v23 =	vld [tilespmem:s13+$0xFFFFFF40];
	v19 =	vadd.f32 v20, v19  }
0x491: {  	v20 =	vmul.f32 v22, v24;
	v22 =	vld [tilespmem:s21+$0xFFFFFF50]  }
0x492: {  	v24 =	vld [tilespmem:s13+$0xFFFFFF50];
	v19 =	vadd.f32 v19, v25  }
0x493: {  	s6 =	sadd.s32 $0x40, s6;
	v25 =	vmul.f32 v29, v27;
	v26 =	vld [tilespmem:s21+$0xFFFFFF60]  }
0x494: {  	s26 =	simm.s32 $0x0;
	s11 =	simm.s32 $0x1DC80;
	v27 =	vld [tilespmem:s13+$0xFFFFFF60];
	[tilespmem:s6+$0x10] =	vst v19  }
0x495: {  	v21 =	vmul.f32 v23, v21;
	v23 =	vld [tilespmem:s21+$0xFFFFFF70];
	v19 =	vadd.f32 v25, v20  }
0x496: {  	v20 =	vld [tilespmem:s13+$0xFFFFFF70]  }
0x497: {  	v22 =	vmul.f32 v24, v22;
	v24 =	vld [tilespmem:s21+$0xFFFFFF80]  }
0x498: {  	v25 =	vld [tilespmem:s13+$0xFFFFFF80]  }
0x499: {  	v26 =	vmul.f32 v27, v26;
	v21 =	vadd.f32 v22, v21;
	v22 =	vld [tilespmem:s21+$0xFFFFFF90]  }
0x49a: {  	v27 =	vld [tilespmem:s13+$0xFFFFFF90]  }
0x49b: {  	v20 =	vmul.f32 v20, v23;
	v23 =	vld [tilespmem:s21+$0xFFFFFFA0]  }
0x49c: {  	v28 =	vld [tilespmem:s13+$0xFFFFFFA0]  }
0x49d: {  	v20 =	vadd.f32 v20, v26;
	v24 =	vmul.f32 v25, v24;
	v25 =	vld [tilespmem:s21+$0xFFFFFFB0]  }
0x49e: {  	v26 =	vld [tilespmem:s13+$0xFFFFFFB0]  }
0x49f: {  	v20 =	vadd.f32 v20, v21;
	v21 =	vmul.f32 v27, v22;
	v22 =	vld [tilespmem:s21+$0xFFFFFFC0]  }
0x4a0: {  	v27 =	vld [tilespmem:s13+$0xFFFFFFC0]  }
0x4a1: {  	v23 =	vmul.f32 v28, v23;
	v28 =	vld [tilespmem:s21+$0xFFFFFFD0];
	v21 =	vadd.f32 v21, v24  }
0x4a2: {  	v24 =	vld [tilespmem:s13+$0xFFFFFFD0]  }
0x4a3: {  	v25 =	vmul.f32 v26, v25;
	v26 =	vld [tilespmem:s21+$0xFFFFFFE0]  }
0x4a4: {  	v29 =	vld [tilespmem:s13+$0xFFFFFFE0]  }
0x4a5: {  	v22 =	vmul.f32 v27, v22;
	v27 =	vld [tilespmem:s21+$0xFFFFFFF0];
	v23 =	vadd.f32 v25, v23  }
0x4a6: {  	v25 =	vld [tilespmem:s13+$0xFFFFFFF0]  }
0x4a7: {  	v24 =	vmul.f32 v24, v28;
	v21 =	vadd.f32 v23, v21;
	v23 =	vld [tilespmem:s21+$0x0]  }
0x4a8: {  	v28 =	vld [tilespmem:s13+$0x0]  }
0x4a9: {  	v26 =	vmul.f32 v29, v26;
	v22 =	vadd.f32 v24, v22;
	v24 =	vld [tilespmem:s21+$0x10]  }
0x4aa: {  	v29 =	vld [tilespmem:s13+$0x10]  }
0x4ab: {  	v25 =	vmul.f32 v25, v27;
	v27 =	vld [tilespmem:s21+$0x20]  }
0x4ac: {  	v30 =	vld [tilespmem:s13+$0x20]  }
0x4ad: {  	v25 =	vadd.f32 v25, v26;
	v23 =	vmul.f32 v28, v23;
	v26 =	vld [tilespmem:s21+$0x30]  }
0x4ae: {  	v28 =	vld [tilespmem:s13+$0x30]  }
0x4af: {  	v22 =	vadd.f32 v25, v22;
	v24 =	vmul.f32 v29, v24;
	v25 =	vld [tilespmem:s21+$0x40]  }
0x4b0: {  	v29 =	vld [tilespmem:s13+$0x40]  }
0x4b1: {  	v21 =	vadd.f32 v22, v21;
	v27 =	vmul.f32 v30, v27;
	v30 =	vld [tilespmem:s21+$0x50];
	v31 =	vadd.f32 v24, v23  }
0x4b2: {  	v32 =	vld [tilespmem:s13+$0x50]  }
.Ltmp10:
0x4b3: {  	[tilespmem:s6+$0xFFFFFFF0] =	vst v21;
	v21 =	vmul.f32 v28, v26;
	v22 =	vld [tilespmem:s21+$0x60];
	(pc) =	sbr.rel @p1 .LBB2_21-.Ltmp10, $4  }
0x4b4: {  	v23 =	vld [tilespmem:s13+$0x60]  }
0x4b5: {  	v26 =	vmul.f32 v29, v25;
	v24 =	vld [tilespmem:s21+$0x70];
	v21 =	vadd.f32 v21, v27  }
0x4b6: {  	v25 =	vld [tilespmem:s13+$0x70]  }
0x4b7: {  	v27 =	vld [tilespmem:s21+$0xFFFFFF00];
	v28 =	vmul.f32 v32, v30;
	v21 =	vadd.f32 v21, v31;
	s21 =	sadd.s32 $0x200, s21  }
0x4b8: {  	_ =	sdelay $0x2  }
0x4b9: {  	v22 =	vmul.f32 v23, v22;
	v23 =	vmul.f32 v25, v24  }
0x4ba: {  	v17 =	vmul.f32 v17, v27  }
0x4bb: {  	v24 =	vadd.f32 v28, v26;
	v22 =	vadd.f32 v23, v22  }
0x4bc: {  	v17 =	vadd.f32 v18, v17  }
0x4bd: {  	v18 =	vadd.f32 v22, v24;
	v22 =	vor.u32 s26, v0  }
0x4be: {  	v17 =	vadd.f32 v19, v17;
	v19 =	vand.u32 v1, v22  }
0x4bf: {  	v22 =	vor.u32 s26, v8;
	v18 =	vadd.f32 v18, v21  }
0x4c0: {  	v21 =	vor.u32 s26, v2;
	v17 =	vadd.f32 v20, v17  }
0x4c1: {  	v23 =	vor.u32 s26, v5;
	[tilespmem:s6+$0x0] =	vst v18  }
0x4c2: {  	v20 =	vor.u32 s26, v3;
	[tilespmem:s6+$0xFFFFFFE0] =	vst v17  }
0x4c3: {  	v17 =	vor.u32 s26, v12;
	v19 =	vld.idx.msk [tilespmem:v19+s30+$0x0], $0xffff  }
0x4c4: {  	v18 =	vor.u32 s26, v4;
	v22 =	vld.idx.msk [tilespmem:v22+s30+$0x0], $0xffff  }
0x4c5: {  	v24 =	vor.u32 s26, v7;
	v21 =	vld.idx.msk [tilespmem:v21+s30+$0x0], $0xffff  }
0x4c6: {  	v31 =	vor.u32 s26, v16;
	v23 =	vld.idx.msk [tilespmem:v23+s30+$0x0], $0xffff  }
0x4c7: {  	s13 =	simm.s32 $0x100;
	v25 =	vor.u32 s26, v6;
	v20 =	vld.idx.msk [tilespmem:v20+s30+$0x0], $0xffff  }
0x4c8: {  	v27 =	vor.u32 s13, v2;
	v26 =	vld.idx.msk [tilespmem:v17+s30+$0x0], $0xffff;
	v17 =	vor.u32 s13, v0;
	v19 =	vadd.f32 $0.0e+00, v19  }
0x4c9: {  	v18 =	vld.idx.msk [tilespmem:v18+s30+$0x0], $0xffff;
	v17 =	vand.u32 v1, v17  }
0x4ca: {  	v32 =	vor.u32 s26, v14;
	v24 =	vld.idx.msk [tilespmem:v24+s30+$0x0], $0xffff;
	v19 =	vadd.f32 v21, v19  }
0x4cb: {  	v35 =	vld.idx.msk [tilespmem:v31+s30+$0x0], $0xffff;
	v31 =	vor.u32 s13, v8  }
0x4cc: {  	v28 =	vor.u32 s13, v3;
	v25 =	vld.idx.msk [tilespmem:v25+s30+$0x0], $0xffff;
	v19 =	vadd.f32 v20, v19  }
0x4cd: {  	v29 =	vor.u32 s13, v12;
	v20 =	vld.idx.msk [tilespmem:v27+s30+$0x0], $0xffff  }
0x4ce: {  	s6 =	simm.s32 $0x200;
	v27 =	vor.u32 s26, v9;
	v30 =	vld.idx.msk [tilespmem:v17+s30+$0x0], $0xffff;
	v17 =	vadd.f32 v18, v19  }
0x4cf: {  	v32 =	vld.idx.msk [tilespmem:v32+s30+$0x0], $0xffff;
	v36 =	vor.u32 s6, v2  }
0x4d0: {  	v60 =	vld.idx.msk [tilespmem:v31+s30+$0x0], $0xffff;
	v19 =	vor.u32 s26, v10;
	v23 =	vadd.f32 v23, v17  }
0x4d1: {  	v21 =	vor.u32 s13, v4;
	v18 =	vld.idx.msk [tilespmem:v28+s30+$0x0], $0xffff  }
0x4d2: {  	v17 =	vld.idx.msk [tilespmem:v29+s30+$0x0], $0xffff;
	v29 =	vor.u32 s26, v11;
	v23 =	vadd.f32 v25, v23  }
0x4d3: {  	v28 =	vor.u32 s26, v15;
	v27 =	vld.idx.msk [tilespmem:v27+s30+$0x0], $0xffff  }
0x4d4: {  	v33 =	vor.u32 s13, v7;
	v36 =	vld.idx.msk [tilespmem:v36+s30+$0x0], $0xffff;
	v23 =	vadd.f32 v24, v23  }
0x4d5: {  	v25 =	vor.u32 s26, v13;
	v19 =	vld.idx.msk [tilespmem:v19+s30+$0x0], $0xffff  }
0x4d6: {  	v21 =	vld.idx.msk [tilespmem:v21+s30+$0x0], $0xffff;
	v30 =	vadd.f32 $0.0e+00, v30;
	v24 =	vor.u32 s13, v5;
	v22 =	vadd.f32 v22, v23  }
0x4d7: {  	v34 =	vor.u32 s6, v0;
	v31 =	vor.u32 s6, v3;
	v29 =	vld.idx.msk [tilespmem:v29+s30+$0x0], $0xffff  }
0x4d8: {  	v28 =	vld.idx.msk [tilespmem:v28+s30+$0x0], $0xffff;
	v20 =	vadd.f32 v20, v30;
	v23 =	vor.u32 s13, v6;
	v22 =	vadd.f32 v27, v22  }
0x4d9: {  	v30 =	vld.idx.msk [tilespmem:v33+s30+$0x0], $0xffff;
	v27 =	vand.u32 v1, v34  }
0x4da: {  	v18 =	vadd.f32 v18, v20;
	v25 =	vld.idx.msk [tilespmem:v25+s30+$0x0], $0xffff;
	v19 =	vadd.f32 v19, v22;
	v22 =	vor.u32 s6, v4  }
0x4db: {  	v61 =	vor.u32 s6, v12;
	v24 =	vld.idx.msk [tilespmem:v24+s30+$0x0], $0xffff  }
0x4dc: {  	v18 =	vadd.f32 v21, v18;
	v21 =	vld.idx.msk [tilespmem:v31+s30+$0x0], $0xffff;
	v31 =	vor.u32 s13, v10;
	v19 =	vadd.f32 v29, v19  }
0x4dd: {  	v23 =	vld.idx.msk [tilespmem:v23+s30+$0x0], $0xffff;
	v29 =	vor.u32 s13, v9  }
0x4de: {  	v37 =	vor.u32 s13, v16;
	v27 =	vld.idx.msk [tilespmem:v27+s30+$0x0], $0xffff;
	v19 =	vadd.f32 v26, v19  }
0x4df: {  	v38 =	vor.u32 s13, v15;
	v20 =	vld.idx.msk [tilespmem:v22+s30+$0x0], $0xffff  }
0x4e0: {  	v62 =	vor.u32 s13, v11;
	v18 =	vadd.f32 v24, v18;
	v22 =	vadd.f32 v25, v19;
	v19 =	vld.idx.msk [tilespmem:v61+s30+$0x0], $0xffff  }
0x4e1: {  	v39 =	vor.u32 s13, v14;
	v25 =	vld.idx.msk [tilespmem:v31+s30+$0x0], $0xffff  }
0x4e2: {  	v18 =	vadd.f32 v23, v18;
	v24 =	vld.idx.msk [tilespmem:v29+s30+$0x0], $0xffff;
	v23 =	vadd.f32 v32, v22  }
0x4e3: {  	v26 =	vor.u32 s13, v13;
	v22 =	vld.idx.msk [tilespmem:v37+s30+$0x0], $0xffff;
	v27 =	vadd.f32 $0.0e+00, v27  }
0x4e4: {  	v29 =	vor.u32 s6, v8;
	v63 =	vadd.f32 v30, v18;
	v18 =	vld.idx.msk [tilespmem:v38+s30+$0x0], $0xffff;
	v28 =	vadd.f32 v28, v23  }
0x4e5: {  	v33 =	vor.u32 s6, v6;
	v32 =	vor.u32 s6, v5;
	v30 =	vadd.f32 v36, v27;
	v27 =	vld.idx.msk [tilespmem:v62+s30+$0x0], $0xffff  }
0x4e6: {  	s15 =	simm.s32 $0x300;
	s13 =	simm.s32 $0x1DC80;
	v31 =	vor.u32 s6, v7;
	v34 =	vadd.f32 v60, v63;
	v23 =	vld.idx.msk [tilespmem:v39+s30+$0x0], $0xffff;
	v28 =	vadd.f32 v35, v28  }
.LBB2_23:
0x4e7: {  	p1 =	sne.s32 s15, $0x400  }
0x4e8: {  	v35 =	vor.u32 s15, v0;
	v36 =	vor.u32 s15, v2;
	v24 =	vadd.f32 v24, v34;
	v26 =	vld.idx.msk [tilespmem:v26+s30+$0x0], $0xffff;
	s11 =	sadd.s32 $0x10, s11;
	s21 =	smov.u32 s15;
	s15 =	sadd.s32 $0x100, s15  }
0x4e9: {  	v34 =	vand.u32 v1, v35;
	v35 =	vld.idx.msk [tilespmem:v29+s30+$0x0], $0xffff;
	[tilespmem:s13+$0x0] =	vst v28;
	v28 =	vmov v22;
	s13 =	smov.u32 s11  }
0x4ea: {  	v22 =	vor.u32 s21, v3;
	v29 =	vld.idx.msk [tilespmem:v32+s30+$0x0], $0xffff;
	v24 =	vadd.f32 v25, v24  }
0x4eb: {  	v25 =	vor.u32 s21, v4;
	v31 =	vld.idx.msk [tilespmem:v31+s30+$0x0], $0xffff  }
0x4ec: {  	v21 =	vadd.f32 v21, v30;
	v32 =	vor.u32 s21, v12;
	v30 =	vld.idx.msk [tilespmem:v33+s30+$0x0], $0xffff;
	v24 =	vadd.f32 v27, v24  }
0x4ed: {  	v33 =	vor.u32 s6, v9;
	v27 =	vld.idx.msk [tilespmem:v36+s30+$0x0], $0xffff  }
0x4ee: {  	v37 =	vor.u32 s6, v16;
	v36 =	vadd.f32 v20, v21;
	v34 =	vld.idx.msk [tilespmem:v34+s30+$0x0], $0xffff;
	v24 =	vadd.f32 v17, v24;
	v17 =	vmovc v19  }
0x4ef: {  	v38 =	vor.u32 s6, v10;
	v21 =	vld.idx.msk [tilespmem:v22+s30+$0x0], $0xffff  }
0x4f0: {  	v22 =	vadd.f32 v29, v36;
	v36 =	vor.u32 s6, v15;
	v20 =	vld.idx.msk [tilespmem:v25+s30+$0x0], $0xffff;
	v25 =	vadd.f32 v26, v24  }
0x4f1: {  	v39 =	vor.u32 s6, v11;
	v19 =	vld.idx.msk [tilespmem:v32+s30+$0x0], $0xffff  }
0x4f2: {  	v40 =	vor.u32 s6, v14;
	v30 =	vadd.f32 v30, v22;
	v24 =	vld.idx.msk [tilespmem:v33+s30+$0x0], $0xffff;
	v23 =	vadd.f32 v23, v25  }
.Ltmp11:
0x4f3: {  	v26 =	vor.u32 s6, v13;
	s6 =	smov.u32 s21;
	v22 =	vld.idx.msk [tilespmem:v37+s30+$0x0], $0xffff;
	(pc) =	sbr.rel @p1 .LBB2_23-.Ltmp11, $4  }
0x4f4: {  	v29 =	vor.u32 s6, v8;
	v33 =	vadd.f32 $0.0e+00, v34;
	v34 =	vadd.f32 v31, v30;
	v25 =	vld.idx.msk [tilespmem:v38+s30+$0x0], $0xffff  }
0x4f5: {  	v32 =	vor.u32 s6, v5;
	v37 =	vadd.f32 v18, v23;
	v18 =	vld.idx.msk [tilespmem:v36+s30+$0x0], $0xffff  }
0x4f6: {  	v31 =	vor.u32 s6, v7;
	v30 =	vadd.f32 v27, v33;
	v34 =	vadd.f32 v35, v34;
	v27 =	vld.idx.msk [tilespmem:v39+s30+$0x0], $0xffff  }
0x4f7: {  	v33 =	vor.u32 s6, v6;
	v28 =	vadd.f32 v28, v37;
	v23 =	vld.idx.msk [tilespmem:v40+s30+$0x0], $0xffff  }
0x4f8: {  	_ =	sdelay $0x3  }
0x4f9: {  	v32 =	vld.idx.msk [tilespmem:v32+s30+$0x0], $0xffff  }
0x4fa: {  	v21 =	vadd.f32 v21, v30  }
0x4fb: {  	v46 =	vld.idx.msk [tilespmem:v33+s30+$0x0], $0xffff  }
0x4fc: {  	v47 =	vor.u32 s6, v9;
	v20 =	vadd.f32 v20, v21  }
0x4fd: {  	v48 =	vld.idx.msk [tilespmem:v31+s30+$0x0], $0xffff  }
0x4fe: {  	v49 =	vor.u32 s6, v10;
	v20 =	vadd.f32 v32, v20  }
0x4ff: {  	v29 =	vld.idx.msk [tilespmem:v29+s30+$0x0], $0xffff  }
0x500: {  	v50 =	vor.u32 s6, v11;
	v20 =	vadd.f32 v46, v20  }
0x501: {  	v51 =	vld.idx.msk [tilespmem:v47+s30+$0x0], $0xffff  }
0x502: {  	v20 =	vadd.f32 v48, v20  }
0x503: {  	v52 =	vld.idx.msk [tilespmem:v49+s30+$0x0], $0xffff  }
0x504: {  	v53 =	vor.u32 s6, v13;
	v20 =	vadd.f32 v29, v20  }
0x505: {  	v24 =	vadd.f32 v24, v34;
	v54 =	vld.idx.msk [tilespmem:v50+s30+$0x0], $0xffff  }
0x506: {  	v55 =	vor.u32 s6, v14;
	v20 =	vadd.f32 v51, v20  }
0x507: {  	v24 =	vadd.f32 v25, v24  }
0x508: {  	v56 =	vld.idx.msk [tilespmem:v26+s30+$0x0], $0xffff;
	v57 =	vor.u32 s6, v15;
	v20 =	vadd.f32 v52, v20  }
0x509: {  	v58 =	vadd.f32 v27, v24;
	v59 =	vld.idx.msk [tilespmem:v53+s30+$0x0], $0xffff  }
0x50a: {  	v60 =	vor.u32 s6, v16;
	v20 =	vadd.f32 v54, v20  }
0x50b: {  	v61 =	vld.idx.msk [tilespmem:v55+s30+$0x0], $0xffff;
	v17 =	vadd.f32 v17, v58  }
0x50c: {  	v19 =	vadd.f32 v19, v20  }
0x50d: {  	v62 =	vld.idx.msk [tilespmem:v57+s30+$0x0], $0xffff;
	v17 =	vadd.f32 v56, v17  }
0x50e: {  	v19 =	vadd.f32 v59, v19  }
0x50f: {  	v63 =	vld.idx.msk [tilespmem:v60+s30+$0x0], $0xffff;
	v17 =	vadd.f32 v23, v17  }
0x510: {  	v19 =	vadd.f32 v61, v19  }
0x511: {  	v17 =	vadd.f32 v18, v17  }
0x512: {  	v18 =	vadd.f32 v62, v19  }
0x513: {  	v17 =	vadd.f32 v22, v17  }
0x514: {  	s26 =	sadd.s32 $0x10, s11;
	[tilespmem:s13+$0x0] =	vst v28;
	v18 =	vadd.f32 v63, v18  }
0x515: {  	s11 =	sadd.s32 $0x10, s26;
	[tilespmem:s26+$0x0] =	vst v17  }
0x516: {  	[tilespmem:s11+$0x0] =	vst v18  }
0x517: {  	s6 =	rddreg [dreg:$0x14]  }
0x518: {  	[hbm4b:s6+s4] =	stream.linear.scatter [tilespmem:s8], [sflag:$0x7], $0x50, $0x38;
	[tilespmem:$0x1E280] =	vst v63  }
0x519: {  	_ =	swait.ge [sflag:s14], $0x50  }
0x51a: {  	[sflag:s14] =	ssyncset.done $0x0  }
0x51b: {  	[sflag:s14] =	ssyncadd.s32 $0xFFFFFFB0  }
0x51c: {  	_ =	swait.ge [sflag:s16], $0x50  }
0x51d: {  	s28 =	rddreg [dreg:$0x1b]  }
0x51e: {  	s29 =	rddreg [dreg:$0x15];
	s11 =	sadd.s32 $0x1, s28  }
0x51f: {  	p1 =	sne.s32 s11, s29  }
.Ltmp12:
0x520: {  	_ = 	snop;
	(pc) =	sbr.rel @p1 .LBB2_1-.Ltmp12, $3  }
0x521: {  	_ =	sdelay $0x1  }
0x522: {  	[sflag:s16] =	ssyncset.done $0x0  }
0x523: {  	[sflag:s16] =	ssyncadd.s32 $0xFFFFFFB0  }
0x524: {  	_ =	sfence.sel $0x180000  }
0x525: {  	[bflag:$0x0] =	sbarrier.arrive $0xFFFF  }
0x526: {  	_ =	strace $0x90000047  }
0x527: {  	[bflag:$0x2] =	sbarrier.arrive $0xFFFF  }
0x528: {  	s0 =	rddreg [dreg:$0x4]  }
0x529: {  	s0 =	sadd.s32 @!p0 $0x100000, s0  }
0x52a: {  	[sflag:s0] =	ssyncadd.tile.s32 @!p0 $0x1;
	_ =	shalt  }
.Lfunc_end2:
_tile_overlayer_lowered:
.L_overlay_start_2:
0x52b: {  	(tag) =	ssettag $0x2  }
0x52c: {  	s0 =	rddreg [dreg:$0x0];
	s2 =	stileid.u32  }
0x52d: {  	s1 =	rddreg [dreg:$0x1];
	p0 =	sne.s32 s2, $0x0  }
0x52e: {  	s3 =	rddreg [dreg:$0x2];
	[bflag:$0x3] =	sbarrier.arrive $0xFFFF;
	s2 =	simm.s32 @!p0 $0x1C09  }
0x52f: {  	[timem:s3], [sflag:s2] =	dma.local @!p0 [hbm:s0], s1  }
0x530: {  	s0 =	simm.s32 @!p0 $0x9  }
0x531: {  	_ =	swait.ge @!p0 [sflag:s0], s1  }
0x532: {  	s1 =	ssub.s32 @!p0 $0x0, s1;
	[sflag:s0] =	ssyncset.done @!p0 $0x0  }
0x533: {  	[sflag:s0] =	ssyncadd.s32 @!p0 s1  }
0x534: {  	[bflag:$0x3] =	sbarrier.arrive $0xFFFF  }
0x535: {  	_ =	shalt  }

</sc_bundles>
